<compile_context>
chip_gen: v7x
topology: tpu7x:2x2x1
jax: 0.10.2.dev20260603
libtpu: 0.0.44.dev20260713+nightly
codegen_flags: <defaults>
</compile_context>

<pallas_src>
import functools

import jax
import jax.numpy as jnp
from jax import lax
from jax.experimental import pallas as pl
from jax.experimental.pallas import tpu as pltpu
from jax.experimental.pallas import tpu_sc as plsc

B, N, C, G = 8, 4096, 80, 16
IMG = 512.0
H = 64
SUB, LANE = 32, 128

NC, NS, L = 2, 16, 16
BPC = B // NC
QPB = 4
NPQ = N // QPB
NBLK = NPQ // L
POS_R = 1.5 / H


def _tc_body(gtb_ref, gtl_ref, cls_ref, out_ref, pt_s, bsel_s):
    b = pl.program_id(0)
    shp = (SUB, LANE)

    @pl.when(b == 0)
    def _():
        n0 = lax.broadcasted_iota(jnp.int32, (N, SUB), 0)
        r0 = lax.broadcasted_iota(jnp.int32, (N, SUB), 1)
        pt_s[...] = ((n0 >> 7) == r0).astype(jnp.float32)
        n1 = lax.broadcasted_iota(jnp.int32, (N, LANE), 0)
        l1 = lax.broadcasted_iota(jnp.int32, (N, LANE), 1)
        bsel_s[...] = ((n1 & (LANE - 1)) == l1).astype(jnp.float32)
        out_ref[...] = jnp.zeros_like(out_ref)

    row = lax.broadcasted_iota(jnp.int32, shp, 0)
    col = lax.broadcasted_iota(jnp.int32, shp, 1)
    lin = row * LANE + col
    cx = ((lin & (H - 1)).astype(jnp.float32) + 0.5) * (1.0 / H)
    cy = (lin >> 6).astype(jnp.float32) * (1.0 / H) + (0.5 / H)

    minv = jnp.full(shp, jnp.inf, dtype=jnp.float32)
    lab = jnp.zeros(shp, dtype=jnp.int32)
    for g in range(G):
        x0 = gtb_ref[0, g, 0] * (1.0 / IMG)
        y0 = gtb_ref[0, g, 1] * (1.0 / IMG)
        x1 = gtb_ref[0, g, 2] * (1.0 / IMG)
        y1 = gtb_ref[0, g, 3] * (1.0 / IMG)
        dx = cx - (x0 + x1) * 0.5
        dy = cy - (y0 + y1) * 0.5
        dist = jnp.sqrt(dx * dx + dy * dy + 1e-12)
        upd = dist < minv
        minv = jnp.where(upd, dist, minv)
        lab = jnp.where(upd, gtl_ref[0, 0, g], lab)

    pos = minv < POS_R
    tgt_f = jnp.where(pos, lab, 0).astype(jnp.float32)

    dnn = (((1,), (0,)), ((), ()))
    lo = lax.Precision.DEFAULT
    m1 = lax.dot_general(pt_s[...], tgt_f, dnn, precision=lo,
                         preferred_element_type=jnp.float32)
    ones_l = jnp.ones((LANE, 1), dtype=jnp.float32)
    tn1 = lax.dot_general(m1 * bsel_s[...], ones_l, dnn, precision=lo,
                          preferred_element_type=jnp.float32)
    tn = tn1.astype(jnp.int32)

    l2 = cls_ref[0]
    iota_c = lax.broadcasted_iota(jnp.int32, (N, C), 1)
    masked = jnp.where(iota_c == tn, l2, 0.0)
    e2 = jnp.exp(l2)
    j_cl = jnp.ones((C, LANE), dtype=jnp.float32)

    def rowsum2(x):
        xh = x.astype(jnp.bfloat16).astype(jnp.float32)
        xl = x - xh
        s = lax.dot_general(xh, j_cl, dnn, precision=lo,
                            preferred_element_type=jnp.float32)
        s = s + lax.dot_general(xl, j_cl, dnn, precision=lo,
                                preferred_element_type=jnp.float32)
        return s[:, 0:1]

    se1 = rowsum2(e2)
    xt1 = rowsum2(masked)
    ce = jnp.log(se1) - xt1
    pt = jnp.exp(-ce)
    om = 1.0 - pt
    fl = 0.25 * om * om * ce
    out_ref[...] += jnp.reshape(jnp.sum(fl) * (1.0 / N), (1, 1))


def _sqrt_nr(x):
    i = plsc.bitcast(x, jnp.int32)
    r = plsc.bitcast(jnp.int32(0x5F3759DF) - (i >> 1), jnp.float32)
    r = r * (1.5 - 0.5 * x * r * r)
    r = r * (1.5 - 0.5 * x * r * r)
    r = r * (1.5 - 0.5 * x * r * r)
    return x * r


def _ln(x):
    i = plsc.bitcast(x, jnp.int32)
    e = (i >> 23) - 127
    m = plsc.bitcast((i & 0x7FFFFF) | 0x3F800000, jnp.float32)
    big = m > 1.41421356
    m = jnp.where(big, m * 0.5, m)
    e = (e + jnp.where(big, 1, 0)).astype(jnp.float32)
    z = m - 1.0
    p = jnp.full((L,), 7.0376836292e-2, dtype=jnp.float32)
    for cc in (-1.1514610310e-1, 1.1676998740e-1, -1.2420140846e-1,
               1.4249322787e-1, -1.6668057665e-1, 2.0000714765e-1,
               -2.4999993993e-1, 3.3333331174e-1):
        p = p * z + jnp.float32(cc)
    z2 = z * z
    r = z2 * z * p - 0.5 * z2
    return (z + r) + e * jnp.float32(-2.12194440e-4) + e * jnp.float32(0.693359375)


def _sc_body(box_hbm, ctr_hbm, bc_hbm, nbt_hbm, out_hbm,
             box_v, ctr_v, bc_v, nbt_v,
             stage_v, big_v, ostage_v, shared):
    core = lax.axis_index("c")
    s = lax.axis_index("s")
    bloc = s // QPB
    q = s % QPB
    b = core * BPC + bloc
    pbase = b * N + q * NPQ

    pltpu.sync_copy(box_hbm.at[pl.ds(pbase * 4, NPQ * 4)], box_v)
    pltpu.sync_copy(ctr_hbm.at[pl.ds(pbase, NPQ)], ctr_v)
    pltpu.sync_copy(bc_hbm.at[pl.ds(b * 512, 512)], bc_v)
    pltpu.sync_copy(nbt_hbm.at[pl.ds(b * 64, 64)],
                    nbt_v.at[pl.ds(0, 64)])

    lane = lax.broadcasted_iota(jnp.int32, (L,), 0)
    nbase = q * NPQ
    inv_h = jnp.float32(1.0 / H)
    half_h = jnp.float32(0.5 / H)
    lane4 = lane * 4

    def blk(i, acc):
        cnt_a, bs_a, cs_a = acc
        n = nbase + i * L + lane
        cx = (n & (H - 1)).astype(jnp.float32) * inv_h + half_h
        cy = (n >> 6).astype(jnp.float32) * inv_h + half_h
        minv = jnp.full((L,), 1e9, dtype=jnp.float32)
        best = jnp.zeros((L,), dtype=jnp.int32)
        for g in range(G):
            dx = cx - bc_v[pl.ds(g * L, L)]
            dy = cy - bc_v[pl.ds(256 + g * L, L)]
            d2 = dx * dx + dy * dy
            upd = d2 < minv
            minv = jnp.where(upd, d2, minv)
            best = jnp.where(upd, g, best)
        pos = (minv + 1e-12) < (POS_R * POS_R)
        m = pos.astype(jnp.float32)

        b0 = plsc.load_gather(nbt_v, [best])
        b1 = plsc.load_gather(nbt_v, [best + G])
        b2 = plsc.load_gather(nbt_v, [best + 2 * G])
        b3 = plsc.load_gather(nbt_v, [best + 3 * G])

        bofs = i * (L * 4) + lane4
        sl1 = jnp.zeros((L,), dtype=jnp.float32)
        gb = ((b0 + b2) * 0.5, (b1 + b3) * 0.5, b2 - b0, b3 - b1)
        for ci in range(4):
            bp = plsc.load_gather(box_v, [bofs + ci])
            ad = jnp.abs(bp - gb[ci])
            sl1 = sl1 + jnp.where(ad < 1.0, 0.5 * ad * ad, ad - 0.5)

        l = jnp.maximum(cx - b0, 1e-06)
        r = jnp.maximum(b2 - cx, 1e-06)
        t = jnp.maximum(cy - b1, 1e-06)
        bb = jnp.maximum(b3 - cy, 1e-06)
        ratio = (jnp.minimum(l, r) / jnp.maximum(l, r)) * \
                (jnp.minimum(t, bb) / jnp.maximum(t, bb))
        ct = jnp.clip(_sqrt_nr(ratio), 0.0, 1.0)
        z = plsc.load_gather(ctr_v, [i * L + lane])
        bce = jnp.maximum(z, 0.0) - z * ct + _ln(1.0 + jnp.exp(-jnp.abs(z)))

        return (cnt_a + m, bs_a + sl1 * m, cs_a + bce * m)

    zero = jnp.zeros((L,), dtype=jnp.float32)
    cnt_a, bs_a, cs_a = lax.fori_loop(0, NBLK, blk, (zero, zero, zero))

    cnt_s = jnp.sum(cnt_a)
    bs_s = jnp.sum(bs_a)
    cs_s = jnp.sum(cs_a)
    sel = lane == bloc
    stage_v[0, pl.ds(0, L)] = jnp.where(sel, jnp.full((L,), cnt_s), 0.0)
    stage_v[1, pl.ds(0, L)] = jnp.where(sel, jnp.full((L,), bs_s), 0.0)
    stage_v[2, pl.ds(0, L)] = jnp.where(sel, jnp.full((L,), cs_s), 0.0)
    pltpu.sync_copy(stage_v, shared.at[pl.ds(s * 3, 3)])
    plsc.subcore_barrier()

    @pl.when(s == 0)
    def _():
        pltpu.sync_copy(shared, big_v)
        cnt8 = jnp.zeros((L,), dtype=jnp.float32)
        bs8 = jnp.zeros((L,), dtype=jnp.float32)
        cs8 = jnp.zeros((L,), dtype=jnp.float32)
        for w in range(NS):
            cnt8 = cnt8 + big_v[w * 3 + 0, pl.ds(0, L)]
            bs8 = bs8 + big_v[w * 3 + 1, pl.ds(0, L)]
            cs8 = cs8 + big_v[w * 3 + 2, pl.ds(0, L)]
        has = cnt8 > 0
        bterm = jnp.where(has, bs8 / jnp.maximum(cnt8 * 4.0, 1.0), 0.0)
        cterm = jnp.where(has, cs8 / jnp.maximum(cnt8, 1.0), 0.0)
        tb = jnp.sum(bterm)
        tr = jnp.sum(cterm)
        ov = jnp.where(lane == 0, jnp.full((L,), tb),
                       jnp.where(lane == 1, jnp.full((L,), tr), 0.0))
        ostage_v[pl.ds(0, L)] = ov
        for j in range(1, 8):
            ostage_v[pl.ds(j * L, L)] = jnp.zeros((L,), jnp.float32)
        pltpu.sync_copy(ostage_v, out_hbm.at[core])


_sc_call = functools.partial(
    pl.kernel,
    out_type=jax.ShapeDtypeStruct((NC, 128), jnp.float32),
    mesh=plsc.VectorSubcoreMesh(core_axis_name="c", subcore_axis_name="s",
                                num_cores=NC, num_subcores=NS),
    compiler_params=pltpu.CompilerParams(needs_layout_passes=False),
    scratch_types=[
        pltpu.VMEM((NPQ * 4,), jnp.float32),
        pltpu.VMEM((NPQ,), jnp.float32),
        pltpu.VMEM((512,), jnp.float32),
        pltpu.VMEM((128,), jnp.float32),
        pltpu.VMEM((3, 128), jnp.float32),
        pltpu.VMEM((NS * 3, 128), jnp.float32),
        pltpu.VMEM((128,), jnp.float32),
        pltpu.VMEM_SHARED((NS * 3, 128), jnp.float32),
    ],
)(_sc_body)

@jax.jit
def kernel(cls_logits, box_preds, centerness, gt_boxes, gt_labels):
    gtl3 = gt_labels.reshape(B, 1, G)
    nb = gt_boxes * (1.0 / IMG)
    gcx = (nb[..., 0] + nb[..., 2]) * 0.5
    gcy = (nb[..., 1] + nb[..., 3]) * 0.5
    bc = jnp.concatenate(
        [jnp.broadcast_to(gcx[:, :, None], (B, G, L)).reshape(B, G * L),
         jnp.broadcast_to(gcy[:, :, None], (B, G, L)).reshape(B, G * L)],
        axis=1)
    nbt = nb.transpose(0, 2, 1).reshape(B, 64)
    sc_out = _sc_call(box_preds.reshape(-1), centerness.reshape(-1),
                      bc.reshape(-1), nbt.reshape(-1))
    tc_out = pl.pallas_call(
        _tc_body,
        grid=(B,),
        in_specs=[
            pl.BlockSpec((1, G, 4), lambda b: (b, 0, 0),
                         memory_space=pltpu.SMEM),
            pl.BlockSpec((1, 1, G), lambda b: (b, 0, 0),
                         memory_space=pltpu.SMEM),
            pl.BlockSpec((1, N, C), lambda b: (b, 0, 0)),
        ],
        out_specs=pl.BlockSpec((1, 1), lambda b: (0, 0)),
        out_shape=jax.ShapeDtypeStruct((1, 1), jnp.float32),
        scratch_shapes=[
            pltpu.VMEM((N, SUB), jnp.float32),
            pltpu.VMEM((N, LANE), jnp.float32),
        ],
    )(gt_boxes, gtl3, cls_logits)
    tc = tc_out[0, 0]
    tb = sc_out[0, 0] + sc_out[1, 0]
    tr = sc_out[0, 1] + sc_out[1, 1]
    loss = tc / B + 5.0 * tb / B + 1.0 * tr / B
    return (loss, tc / B, tb / B, tr / B)

# --- scband reference (transcript-rebuilt; emitter-appended) ---
"""Pipeline reference for scband-detection-loss-27393301414255 (READ-ONLY COPY).

The authoritative reference and input builder live on the scoring server;
editing this copy changes nothing except your own understanding.
"""

import jax, jax.numpy as jnp
import numpy as np

B, N, C, G = 8, 4096, 80, 16
IMG = 512.0
H = 64


def setup_inputs(seed: int = 0):
    key = jax.random.key(seed)
    k1, k2, k3, k4, k5 = jax.random.split(key, 5)
    cls_logits = jax.random.normal(k1, (B, N, C), dtype=jnp.float32)
    box_preds = jax.random.normal(k2, (B, N, 4), dtype=jnp.float32)
    centerness = jax.random.normal(k3, (B, N, 1), dtype=jnp.float32)
    pts = jax.random.uniform(k4, (B, G, 2, 2), dtype=jnp.float32) * IMG
    mn = jnp.min(pts, axis=2)
    mx = jnp.max(pts, axis=2)
    gt_boxes = jnp.stack([mn[..., 0], mn[..., 1], jnp.minimum(mx[..., 0] + 1.0, IMG), jnp.minimum(mx[..., 1] + 1.0, IMG)], axis=-1)
    gt_labels = jax.random.randint(k5, (B, G), 1, C)
    return {"cls_logits": cls_logits, "box_preds": box_preds, "centerness": centerness, "gt_boxes": gt_boxes, "gt_labels": gt_labels}


def _loss_terms(cls_logits, box_preds, centerness, gt_boxes, gt_labels):
    alpha = 0.25
    gamma = 2.0
    gy, gx = jnp.meshgrid(jnp.arange(H), jnp.arange(H), indexing='ij')
    cx = (gx.reshape(-1).astype(jnp.float32) + 0.5) / H
    cy = (gy.reshape(-1).astype(jnp.float32) + 0.5) / H
    nb = gt_boxes / IMG
    gt_cx = (nb[..., 0] + nb[..., 2]) / 2.0
    gt_cy = (nb[..., 1] + nb[..., 3]) / 2.0
    gt_w = nb[..., 2] - nb[..., 0]
    gt_h = nb[..., 3] - nb[..., 1]
    gt_cxcywh = jnp.stack([gt_cx, gt_cy, gt_w, gt_h], axis=-1)
    cell = jnp.stack([cx, cy], axis=1)
    gtc = jnp.stack([gt_cx, gt_cy], axis=-1)
    d2 = jnp.sum((cell[None, :, None, :] - gtc[:, None, :, :]) ** 2, axis=-1)
    dist = jnp.sqrt(d2 + 1e-12)
    best = jnp.argmin(dist, axis=-1)
    min_dist = jnp.min(dist, axis=-1)
    pos = min_dist < (1.5 / H)
    labels_best = jnp.take_along_axis(gt_labels, best, axis=1)
    cls_target = jnp.where(pos, labels_best, 0)
    logp = jax.nn.log_softmax(cls_logits, axis=-1)
    ce = -jnp.take_along_axis(logp, cls_target[..., None], axis=-1)[..., 0]
    pt = jnp.exp(-ce)
    fl = alpha * (1.0 - pt) ** gamma * ce
    total_cls = jnp.sum(jnp.mean(fl, axis=1))
    gt_box_best = jnp.take_along_axis(gt_cxcywh, best[..., None], axis=1)
    ad = jnp.abs(box_preds - gt_box_best)
    sl1 = jnp.where(ad < 1.0, 0.5 * ad ** 2, ad - 0.5)
    m = pos.astype(jnp.float32)
    cnt = jnp.sum(m, axis=1)
    box_per = jnp.sum(sl1 * m[..., None], axis=(1, 2)) / jnp.maximum(cnt * 4.0, 1.0)
    total_box = jnp.sum(jnp.where(cnt > 0, box_per, 0.0))
    bb_best = jnp.take_along_axis(nb, best[..., None], axis=1)
    l = jnp.clip(cx[None, :] - bb_best[..., 0], 1e-06, None)
    r = jnp.clip(bb_best[..., 2] - cx[None, :], 1e-06, None)
    t = jnp.clip(cy[None, :] - bb_best[..., 1], 1e-06, None)
    bt = jnp.clip(bb_best[..., 3] - cy[None, :], 1e-06, None)
    ctr_t = jnp.clip(jnp.sqrt(jnp.minimum(l, r) / jnp.maximum(l, r) * (jnp.minimum(t, bt) / jnp.maximum(t, bt))), 0.0, 1.0)
    z = centerness[..., 0]
    bce = jnp.maximum(z, 0.0) - z * ctr_t + jnp.log1p(jnp.exp(-jnp.abs(z)))
    ctr_per = jnp.sum(bce * m, axis=1) / jnp.maximum(cnt, 1.0)
    total_ctr = jnp.sum(jnp.where(cnt > 0, ctr_per, 0.0))
    return total_cls, total_box, total_ctr


def reference(cls_logits, box_preds, centerness, gt_boxes, gt_labels):
    tc, tb, tr = _loss_terms(cls_logits, box_preds, centerness, gt_boxes, gt_labels)
    loss = tc / B + 5.0 * tb / B + 1.0 * tr / B
    return (loss, tc / B, tb / B, tr / B)

if __name__ == "__main__":
    import jax
    _d = setup_inputs()
    print(jax.jit(kernel)(*tuple(_d.values())))

</pallas_src>

<mosaic_0001>
#map = affine_map<(d0, d1) -> (0)>
#map1 = affine_map<(d0, d1) -> (0, 0)>
module attributes {stable_mosaic.version = 14 : i64} {
  func.func @_sc_body(%arg0: i32, %arg1: i32, %arg2: memref<131072xf32, #tpu.memory_space<hbm>>, %arg3: memref<32768xf32, #tpu.memory_space<hbm>>, %arg4: memref<4096xf32, #tpu.memory_space<hbm>>, %arg5: memref<512xf32, #tpu.memory_space<hbm>>, %arg6: memref<2x128xf32, #tpu.memory_space<hbm>>, %arg7: memref<4096xf32, #tpu.memory_space<vmem>>, %arg8: memref<1024xf32, #tpu.memory_space<vmem>>, %arg9: memref<512xf32, #tpu.memory_space<vmem>>, %arg10: memref<128xf32, #tpu.memory_space<vmem>>, %arg11: memref<3x128xf32, #tpu.memory_space<vmem>>, %arg12: memref<48x128xf32, #tpu.memory_space<vmem>>, %arg13: memref<128xf32, #tpu.memory_space<vmem>>, %arg14: memref<48x128xf32, #tpu.memory_space<vmem_shared>>) attributes {dimension_semantics = [#tpu.dimension_semantics<core_parallel>, #tpu.dimension_semantics<subcore_parallel>], iteration_bounds = array<i64: 2, 16>, scalar_prefetch = 0 : i64, scratch_operands = 8 : i64, tpu.core_type = #tpu.core_type<sc_vector_subcore>, window_params = [{transform_indices = #map}, {transform_indices = #map}, {transform_indices = #map}, {transform_indices = #map}, {transform_indices = #map1}]} {
    %jit3A = arith.constant 4 : i32
    %div3A = arith.divsi %arg1, %jit3A : i32
    %sign3A = arith.constant 0 : i32
    %sign3A_0 = arith.cmpi sgt, %arg1, %sign3A : i32
    %sign3A_1 = arith.extui %sign3A_0 : i1 to i32
    %sign3A_2 = arith.constant 0 : i32
    %sign3A_3 = arith.cmpi slt, %arg1, %sign3A_2 : i32
    %sign3A_4 = arith.extui %sign3A_3 : i1 to i32
    %sign3A_5 = arith.subi %sign3A_1, %sign3A_4 : i32
    %sign3A_6 = arith.constant 0 : i32
    %sign3A_7 = arith.cmpi sgt, %jit3A, %sign3A_6 : i32
    %sign3A_8 = arith.extui %sign3A_7 : i1 to i32
    %sign3A_9 = arith.constant 0 : i32
    %sign3A_10 = arith.cmpi slt, %jit3A, %sign3A_9 : i32
    %sign3A_11 = arith.extui %sign3A_10 : i1 to i32
    %sign3A_12 = arith.subi %sign3A_8, %sign3A_11 : i32
    %ne3A = arith.cmpi ne, %sign3A_5, %sign3A_12 : i32
    %rem3A = arith.remsi %arg1, %jit3A : i32
    %ne3A_13 = arith.constant 0 : i32
    %ne3A_14 = arith.cmpi ne, %rem3A, %ne3A_13 : i32
    %and3A = arith.andi %ne3A, %ne3A_14 : i1
    %sub3A = arith.constant 1 : i32
    %sub3A_15 = arith.subi %div3A, %sub3A : i32
    %select_n3A = arith.select %and3A, %sub3A_15, %div3A : i32
    %jit3A_16 = arith.constant 4 : i32
    %eq3A = arith.constant 0 : i32
    %eq3A_17 = arith.cmpi eq, %jit3A_16, %eq3A : i32
    %jit3A_18 = arith.constant 1 : i32
    %select_n3A_19 = arith.select %eq3A_17, %jit3A_18, %jit3A_16 : i32
    %rem3A_20 = arith.remsi %arg1, %select_n3A_19 : i32
    %ne3A_21 = arith.constant 0 : i32
    %ne3A_22 = arith.cmpi ne, %rem3A_20, %ne3A_21 : i32
    %lt3A = arith.constant 0 : i32
    %lt3A_23 = arith.cmpi slt, %rem3A_20, %lt3A : i32
    %lt3A_24 = arith.constant 0 : i32
    %lt3A_25 = arith.cmpi slt, %select_n3A_19, %lt3A_24 : i32
    %ne3A_26 = arith.xori %lt3A_23, %lt3A_25 : i1
    %and3A_27 = arith.andi %ne3A_26, %ne3A_22 : i1
    %add3A = arith.addi %rem3A_20, %select_n3A_19 : i32
    %select_n3A_28 = arith.select %and3A_27, %add3A, %rem3A_20 : i32
    %mul3A = arith.constant 4 : i32
    %mul3A_29 = arith.muli %arg0, %mul3A : i32
    %add3A_30 = arith.addi %mul3A_29, %select_n3A : i32
    %mul3A_31 = arith.constant 4096 : i32
    %mul3A_32 = arith.muli %add3A_30, %mul3A_31 : i32
    %mul3A_33 = arith.constant 1024 : i32
    %mul3A_34 = arith.muli %select_n3A_28, %mul3A_33 : i32
    %add3A_35 = arith.addi %mul3A_32, %mul3A_34 : i32
    %mul3A_36 = arith.constant 4 : i32
    %mul3A_37 = arith.muli %add3A_35, %mul3A_36 : i32
    "tpu.region"() ({
      %run_scoped3A = tpu.sem_alloc : memref<!tpu.dma_semaphore, #tpu.memory_space<semaphore_mem>>
      %dma_start3A = tpu.memref_slice %arg2[%mul3A_37] : memref<131072xf32, #tpu.memory_space<hbm>> -> memref<4096xf32, #tpu.memory_space<hbm>>
      %dma_start3A_96 = tpu.memref_slice %arg2[%mul3A_37] : memref<131072xf32, #tpu.memory_space<hbm>> -> memref<4096xf32, #tpu.memory_space<hbm>>
      tpu.enqueue_dma source(%dma_start3A_96 : memref<4096xf32, #tpu.memory_space<hbm>>) target(%arg7 : memref<4096xf32, #tpu.memory_space<vmem>>) target_semaphore(%run_scoped3A : memref<!tpu.dma_semaphore, #tpu.memory_space<semaphore_mem>>)
      %dma_wait3A = tpu.memref_slice %arg2[%mul3A_37] : memref<131072xf32, #tpu.memory_space<hbm>> -> memref<4096xf32, #tpu.memory_space<hbm>>
      %dma_wait3A_97 = tpu.memref_slice %arg2[%mul3A_37] : memref<131072xf32, #tpu.memory_space<hbm>> -> memref<4096xf32, #tpu.memory_space<hbm>>
      tpu.wait_dma2 semaphore(%run_scoped3A : memref<!tpu.dma_semaphore, #tpu.memory_space<semaphore_mem>>) src(%dma_wait3A_97 : memref<4096xf32, #tpu.memory_space<hbm>>) dst(%arg7 : memref<4096xf32, #tpu.memory_space<vmem>>)
      tpu.yield
    }) : () -> ()
    "tpu.region"() ({
      %run_scoped3A = tpu.sem_alloc : memref<!tpu.dma_semaphore, #tpu.memory_space<semaphore_mem>>
      %dma_start3A = tpu.memref_slice %arg3[%add3A_35] : memref<32768xf32, #tpu.memory_space<hbm>> -> memref<1024xf32, #tpu.memory_space<hbm>>
      %dma_start3A_96 = tpu.memref_slice %arg3[%add3A_35] : memref<32768xf32, #tpu.memory_space<hbm>> -> memref<1024xf32, #tpu.memory_space<hbm>>
      tpu.enqueue_dma source(%dma_start3A_96 : memref<1024xf32, #tpu.memory_space<hbm>>) target(%arg8 : memref<1024xf32, #tpu.memory_space<vmem>>) target_semaphore(%run_scoped3A : memref<!tpu.dma_semaphore, #tpu.memory_space<semaphore_mem>>)
      %dma_wait3A = tpu.memref_slice %arg3[%add3A_35] : memref<32768xf32, #tpu.memory_space<hbm>> -> memref<1024xf32, #tpu.memory_space<hbm>>
      %dma_wait3A_97 = tpu.memref_slice %arg3[%add3A_35] : memref<32768xf32, #tpu.memory_space<hbm>> -> memref<1024xf32, #tpu.memory_space<hbm>>
      tpu.wait_dma2 semaphore(%run_scoped3A : memref<!tpu.dma_semaphore, #tpu.memory_space<semaphore_mem>>) src(%dma_wait3A_97 : memref<1024xf32, #tpu.memory_space<hbm>>) dst(%arg8 : memref<1024xf32, #tpu.memory_space<vmem>>)
      tpu.yield
    }) : () -> ()
    %mul3A_38 = arith.constant 512 : i32
    %mul3A_39 = arith.muli %add3A_30, %mul3A_38 : i32
    "tpu.region"() ({
      %run_scoped3A = tpu.sem_alloc : memref<!tpu.dma_semaphore, #tpu.memory_space<semaphore_mem>>
      %dma_start3A = tpu.memref_slice %arg4[%mul3A_39] : memref<4096xf32, #tpu.memory_space<hbm>> -> memref<512xf32, #tpu.memory_space<hbm>>
      %dma_start3A_96 = tpu.memref_slice %arg4[%mul3A_39] : memref<4096xf32, #tpu.memory_space<hbm>> -> memref<512xf32, #tpu.memory_space<hbm>>
      tpu.enqueue_dma source(%dma_start3A_96 : memref<512xf32, #tpu.memory_space<hbm>>) target(%arg9 : memref<512xf32, #tpu.memory_space<vmem>>) target_semaphore(%run_scoped3A : memref<!tpu.dma_semaphore, #tpu.memory_space<semaphore_mem>>)
      %dma_wait3A = tpu.memref_slice %arg4[%mul3A_39] : memref<4096xf32, #tpu.memory_space<hbm>> -> memref<512xf32, #tpu.memory_space<hbm>>
      %dma_wait3A_97 = tpu.memref_slice %arg4[%mul3A_39] : memref<4096xf32, #tpu.memory_space<hbm>> -> memref<512xf32, #tpu.memory_space<hbm>>
      tpu.wait_dma2 semaphore(%run_scoped3A : memref<!tpu.dma_semaphore, #tpu.memory_space<semaphore_mem>>) src(%dma_wait3A_97 : memref<512xf32, #tpu.memory_space<hbm>>) dst(%arg9 : memref<512xf32, #tpu.memory_space<vmem>>)
      tpu.yield
    }) : () -> ()
    %mul3A_40 = arith.constant 64 : i32
    %mul3A_41 = arith.muli %add3A_30, %mul3A_40 : i32
    "tpu.region"() ({
      %run_scoped3A = tpu.sem_alloc : memref<!tpu.dma_semaphore, #tpu.memory_space<semaphore_mem>>
      %dma_start3A = arith.constant 0 : i32
      %dma_start3A_96 = tpu.memref_slice %arg10[%dma_start3A] : memref<128xf32, #tpu.memory_space<vmem>> -> memref<64xf32, #tpu.memory_space<vmem>>
      %dma_start3A_97 = tpu.memref_slice %arg5[%mul3A_41] : memref<512xf32, #tpu.memory_space<hbm>> -> memref<64xf32, #tpu.memory_space<hbm>>
      %dma_start3A_98 = arith.constant 0 : i32
      %dma_start3A_99 = tpu.memref_slice %arg10[%dma_start3A_98] : memref<128xf32, #tpu.memory_space<vmem>> -> memref<64xf32, #tpu.memory_space<vmem>>
      %dma_start3A_100 = tpu.memref_slice %arg5[%mul3A_41] : memref<512xf32, #tpu.memory_space<hbm>> -> memref<64xf32, #tpu.memory_space<hbm>>
      tpu.enqueue_dma source(%dma_start3A_100 : memref<64xf32, #tpu.memory_space<hbm>>) target(%dma_start3A_99 : memref<64xf32, #tpu.memory_space<vmem>>) target_semaphore(%run_scoped3A : memref<!tpu.dma_semaphore, #tpu.memory_space<semaphore_mem>>)
      %dma_wait3A = arith.constant 0 : i32
      %dma_wait3A_101 = tpu.memref_slice %arg10[%dma_wait3A] : memref<128xf32, #tpu.memory_space<vmem>> -> memref<64xf32, #tpu.memory_space<vmem>>
      %dma_wait3A_102 = tpu.memref_slice %arg5[%mul3A_41] : memref<512xf32, #tpu.memory_space<hbm>> -> memref<64xf32, #tpu.memory_space<hbm>>
      %dma_wait3A_103 = arith.constant 0 : i32
      %dma_wait3A_104 = tpu.memref_slice %arg10[%dma_wait3A_103] : memref<128xf32, #tpu.memory_space<vmem>> -> memref<64xf32, #tpu.memory_space<vmem>>
      %dma_wait3A_105 = tpu.memref_slice %arg5[%mul3A_41] : memref<512xf32, #tpu.memory_space<hbm>> -> memref<64xf32, #tpu.memory_space<hbm>>
      tpu.wait_dma2 semaphore(%run_scoped3A : memref<!tpu.dma_semaphore, #tpu.memory_space<semaphore_mem>>) src(%dma_wait3A_105 : memref<64xf32, #tpu.memory_space<hbm>>) dst(%dma_wait3A_104 : memref<64xf32, #tpu.memory_space<vmem>>)
      tpu.yield
    }) : () -> ()
    %iota3A = tpu.iota {dimensions = array<i32: 0>} : vector<16xi32>
    %mul3A_42 = arith.constant 1024 : i32
    %mul3A_43 = arith.muli %select_n3A_28, %mul3A_42 : i32
    %mul3A_44 = arith.constant 4 : i32
    %mul3A_45 = vector.broadcast %mul3A_44 : i32 to vector<16xi32>
    %mul3A_46 = arith.muli %iota3A, %mul3A_45 : vector<16xi32>
    %broadcast_in_dim3A = arith.constant 0.000000e+00 : f32
    %broadcast_in_dim3A_47 = vector.broadcast %broadcast_in_dim3A : f32 to vector<16xf32>
    %scan3A = arith.constant 1.562500e-02 : f32
    %scan3A_48 = arith.constant 7.812500e-03 : f32
    %scan3A_49 = arith.constant 0 : i32
    %scan3A_50 = arith.constant 64 : i32
    %scan3A_51 = arith.addi %scan3A_49, %scan3A_50 : i32
    %scan3A_52 = arith.constant 1 : i32
    %scan3A_53:3 = scf.for %scan3A_96 = %scan3A_49 to %scan3A_51 step %scan3A_52 iter_args(%scan3A_97 = %broadcast_in_dim3A_47, %scan3A_98 = %broadcast_in_dim3A_47, %scan3A_99 = %broadcast_in_dim3A_47) -> (vector<16xf32>, vector<16xf32>, vector<16xf32>)  : i32 {
      %mul3A_100 = arith.constant 16 : i32
      %mul3A_101 = arith.muli %scan3A_96, %mul3A_100 : i32
      %add3A_102 = arith.addi %mul3A_43, %mul3A_101 : i32
      %add3A_103 = vector.broadcast %add3A_102 : i32 to vector<16xi32>
      %add3A_104 = arith.addi %add3A_103, %iota3A : vector<16xi32>
      %and3A_105 = arith.constant 63 : i32
      %and3A_106 = vector.broadcast %and3A_105 : i32 to vector<16xi32>
      %and3A_107 = arith.andi %add3A_104, %and3A_106 : vector<16xi32>
      %convert_element_type3A_108 = arith.sitofp %and3A_107 : vector<16xi32> to vector<16xf32>
      %mul3A_109 = vector.broadcast %scan3A : f32 to vector<16xf32>
      %mul3A_110 = arith.mulf %convert_element_type3A_108, %mul3A_109 : vector<16xf32>
      %add3A_111 = vector.broadcast %scan3A_48 : f32 to vector<16xf32>
      %add3A_112 = arith.addf %mul3A_110, %add3A_111 : vector<16xf32>
      %shift_right_arithmetic3A = arith.constant 6 : i32
      %shift_right_arithmetic3A_113 = vector.broadcast %shift_right_arithmetic3A : i32 to vector<16xi32>
      %shift_right_arithmetic3A_114 = arith.shrsi %add3A_104, %shift_right_arithmetic3A_113 : vector<16xi32>
      %convert_element_type3A_115 = arith.sitofp %shift_right_arithmetic3A_114 : vector<16xi32> to vector<16xf32>
      %mul3A_116 = vector.broadcast %scan3A : f32 to vector<16xf32>
      %mul3A_117 = arith.mulf %convert_element_type3A_115, %mul3A_116 : vector<16xf32>
      %add3A_118 = vector.broadcast %scan3A_48 : f32 to vector<16xf32>
      %add3A_119 = arith.addf %mul3A_117, %add3A_118 : vector<16xf32>
      %broadcast_in_dim3A_120 = arith.constant 1.000000e+09 : f32
      %broadcast_in_dim3A_121 = vector.broadcast %broadcast_in_dim3A_120 : f32 to vector<16xf32>
      %broadcast_in_dim3A_122 = arith.constant 0 : i32
      %broadcast_in_dim3A_123 = vector.broadcast %broadcast_in_dim3A_122 : i32 to vector<16xi32>
      %get3A = arith.constant 0 : index
      %get3A_124 = tpu.vector_load %arg9[%get3A] {strides = array<i32>} : memref<512xf32, #tpu.memory_space<vmem>>, vector<16xf32>,
      %sub3A_125 = arith.subf %add3A_112, %get3A_124 : vector<16xf32>
      %get3A_126 = arith.constant 256 : index
      %get3A_127 = tpu.vector_load %arg9[%get3A_126] {strides = array<i32>} : memref<512xf32, #tpu.memory_space<vmem>>, vector<16xf32>,
      %sub3A_128 = arith.subf %add3A_119, %get3A_127 : vector<16xf32>
      %mul3A_129 = arith.mulf %sub3A_125, %sub3A_125 : vector<16xf32>
      %mul3A_130 = arith.mulf %sub3A_128, %sub3A_128 : vector<16xf32>
      %add3A_131 = arith.addf %mul3A_129, %mul3A_130 : vector<16xf32>
      %lt3A_132 = arith.cmpf olt, %add3A_131, %broadcast_in_dim3A_121 : vector<16xf32>
      %select_n3A_133 = arith.select %lt3A_132, %add3A_131, %broadcast_in_dim3A_121 : vector<16xi1>, vector<16xf32>
      %jit3A_134 = arith.constant 0 : i32
      %broadcast_in_dim3A_135 = vector.broadcast %jit3A_134 : i32 to vector<16xi32>
      %select_n3A_136 = arith.select %lt3A_132, %broadcast_in_dim3A_135, %broadcast_in_dim3A_123 : vector<16xi1>, vector<16xi32>
      %get3A_137 = arith.constant 16 : index
      %get3A_138 = tpu.vector_load %arg9[%get3A_137] {strides = array<i32>} : memref<512xf32, #tpu.memory_space<vmem>>, vector<16xf32>,
      %sub3A_139 = arith.subf %add3A_112, %get3A_138 : vector<16xf32>
      %get3A_140 = arith.constant 272 : index
      %get3A_141 = tpu.vector_load %arg9[%get3A_140] {strides = array<i32>} : memref<512xf32, #tpu.memory_space<vmem>>, vector<16xf32>,
      %sub3A_142 = arith.subf %add3A_119, %get3A_141 : vector<16xf32>
      %mul3A_143 = arith.mulf %sub3A_139, %sub3A_139 : vector<16xf32>
      %mul3A_144 = arith.mulf %sub3A_142, %sub3A_142 : vector<16xf32>
      %add3A_145 = arith.addf %mul3A_143, %mul3A_144 : vector<16xf32>
      %lt3A_146 = arith.cmpf olt, %add3A_145, %select_n3A_133 : vector<16xf32>
      %select_n3A_147 = arith.select %lt3A_146, %add3A_145, %select_n3A_133 : vector<16xi1>, vector<16xf32>
      %jit3A_148 = arith.constant 1 : i32
      %broadcast_in_dim3A_149 = vector.broadcast %jit3A_148 : i32 to vector<16xi32>
      %select_n3A_150 = arith.select %lt3A_146, %broadcast_in_dim3A_149, %select_n3A_136 : vector<16xi1>, vector<16xi32>
      %get3A_151 = arith.constant 32 : index
      %get3A_152 = tpu.vector_load %arg9[%get3A_151] {strides = array<i32>} : memref<512xf32, #tpu.memory_space<vmem>>, vector<16xf32>,
      %sub3A_153 = arith.subf %add3A_112, %get3A_152 : vector<16xf32>
      %get3A_154 = arith.constant 288 : index
      %get3A_155 = tpu.vector_load %arg9[%get3A_154] {strides = array<i32>} : memref<512xf32, #tpu.memory_space<vmem>>, vector<16xf32>,
      %sub3A_156 = arith.subf %add3A_119, %get3A_155 : vector<16xf32>
      %mul3A_157 = arith.mulf %sub3A_153, %sub3A_153 : vector<16xf32>
      %mul3A_158 = arith.mulf %sub3A_156, %sub3A_156 : vector<16xf32>
      %add3A_159 = arith.addf %mul3A_157, %mul3A_158 : vector<16xf32>
      %lt3A_160 = arith.cmpf olt, %add3A_159, %select_n3A_147 : vector<16xf32>
      %select_n3A_161 = arith.select %lt3A_160, %add3A_159, %select_n3A_147 : vector<16xi1>, vector<16xf32>
      %jit3A_162 = arith.constant 2 : i32
      %broadcast_in_dim3A_163 = vector.broadcast %jit3A_162 : i32 to vector<16xi32>
      %select_n3A_164 = arith.select %lt3A_160, %broadcast_in_dim3A_163, %select_n3A_150 : vector<16xi1>, vector<16xi32>
      %get3A_165 = arith.constant 48 : index
      %get3A_166 = tpu.vector_load %arg9[%get3A_165] {strides = array<i32>} : memref<512xf32, #tpu.memory_space<vmem>>, vector<16xf32>,
      %sub3A_167 = arith.subf %add3A_112, %get3A_166 : vector<16xf32>
      %get3A_168 = arith.constant 304 : index
      %get3A_169 = tpu.vector_load %arg9[%get3A_168] {strides = array<i32>} : memref<512xf32, #tpu.memory_space<vmem>>, vector<16xf32>,
      %sub3A_170 = arith.subf %add3A_119, %get3A_169 : vector<16xf32>
      %mul3A_171 = arith.mulf %sub3A_167, %sub3A_167 : vector<16xf32>
      %mul3A_172 = arith.mulf %sub3A_170, %sub3A_170 : vector<16xf32>
      %add3A_173 = arith.addf %mul3A_171, %mul3A_172 : vector<16xf32>
      %lt3A_174 = arith.cmpf olt, %add3A_173, %select_n3A_161 : vector<16xf32>
      %select_n3A_175 = arith.select %lt3A_174, %add3A_173, %select_n3A_161 : vector<16xi1>, vector<16xf32>
      %jit3A_176 = arith.constant 3 : i32
      %broadcast_in_dim3A_177 = vector.broadcast %jit3A_176 : i32 to vector<16xi32>
      %select_n3A_178 = arith.select %lt3A_174, %broadcast_in_dim3A_177, %select_n3A_164 : vector<16xi1>, vector<16xi32>
      %get3A_179 = arith.constant 64 : index
      %get3A_180 = tpu.vector_load %arg9[%get3A_179] {strides = array<i32>} : memref<512xf32, #tpu.memory_space<vmem>>, vector<16xf32>,
      %sub3A_181 = arith.subf %add3A_112, %get3A_180 : vector<16xf32>
      %get3A_182 = arith.constant 320 : index
      %get3A_183 = tpu.vector_load %arg9[%get3A_182] {strides = array<i32>} : memref<512xf32, #tpu.memory_space<vmem>>, vector<16xf32>,
      %sub3A_184 = arith.subf %add3A_119, %get3A_183 : vector<16xf32>
      %mul3A_185 = arith.mulf %sub3A_181, %sub3A_181 : vector<16xf32>
      %mul3A_186 = arith.mulf %sub3A_184, %sub3A_184 : vector<16xf32>
      %add3A_187 = arith.addf %mul3A_185, %mul3A_186 : vector<16xf32>
      %lt3A_188 = arith.cmpf olt, %add3A_187, %select_n3A_175 : vector<16xf32>
      %select_n3A_189 = arith.select %lt3A_188, %add3A_187, %select_n3A_175 : vector<16xi1>, vector<16xf32>
      %jit3A_190 = arith.constant 4 : i32
      %broadcast_in_dim3A_191 = vector.broadcast %jit3A_190 : i32 to vector<16xi32>
      %select_n3A_192 = arith.select %lt3A_188, %broadcast_in_dim3A_191, %select_n3A_178 : vector<16xi1>, vector<16xi32>
      %get3A_193 = arith.constant 80 : index
      %get3A_194 = tpu.vector_load %arg9[%get3A_193] {strides = array<i32>} : memref<512xf32, #tpu.memory_space<vmem>>, vector<16xf32>,
      %sub3A_195 = arith.subf %add3A_112, %get3A_194 : vector<16xf32>
      %get3A_196 = arith.constant 336 : index
      %get3A_197 = tpu.vector_load %arg9[%get3A_196] {strides = array<i32>} : memref<512xf32, #tpu.memory_space<vmem>>, vector<16xf32>,
      %sub3A_198 = arith.subf %add3A_119, %get3A_197 : vector<16xf32>
      %mul3A_199 = arith.mulf %sub3A_195, %sub3A_195 : vector<16xf32>
      %mul3A_200 = arith.mulf %sub3A_198, %sub3A_198 : vector<16xf32>
      %add3A_201 = arith.addf %mul3A_199, %mul3A_200 : vector<16xf32>
      %lt3A_202 = arith.cmpf olt, %add3A_201, %select_n3A_189 : vector<16xf32>
      %select_n3A_203 = arith.select %lt3A_202, %add3A_201, %select_n3A_189 : vector<16xi1>, vector<16xf32>
      %jit3A_204 = arith.constant 5 : i32
      %broadcast_in_dim3A_205 = vector.broadcast %jit3A_204 : i32 to vector<16xi32>
      %select_n3A_206 = arith.select %lt3A_202, %broadcast_in_dim3A_205, %select_n3A_192 : vector<16xi1>, vector<16xi32>
      %get3A_207 = arith.constant 96 : index
      %get3A_208 = tpu.vector_load %arg9[%get3A_207] {strides = array<i32>} : memref<512xf32, #tpu.memory_space<vmem>>, vector<16xf32>,
      %sub3A_209 = arith.subf %add3A_112, %get3A_208 : vector<16xf32>
      %get3A_210 = arith.constant 352 : index
      %get3A_211 = tpu.vector_load %arg9[%get3A_210] {strides = array<i32>} : memref<512xf32, #tpu.memory_space<vmem>>, vector<16xf32>,
      %sub3A_212 = arith.subf %add3A_119, %get3A_211 : vector<16xf32>
      %mul3A_213 = arith.mulf %sub3A_209, %sub3A_209 : vector<16xf32>
      %mul3A_214 = arith.mulf %sub3A_212, %sub3A_212 : vector<16xf32>
      %add3A_215 = arith.addf %mul3A_213, %mul3A_214 : vector<16xf32>
      %lt3A_216 = arith.cmpf olt, %add3A_215, %select_n3A_203 : vector<16xf32>
      %select_n3A_217 = arith.select %lt3A_216, %add3A_215, %select_n3A_203 : vector<16xi1>, vector<16xf32>
      %jit3A_218 = arith.constant 6 : i32
      %broadcast_in_dim3A_219 = vector.broadcast %jit3A_218 : i32 to vector<16xi32>
      %select_n3A_220 = arith.select %lt3A_216, %broadcast_in_dim3A_219, %select_n3A_206 : vector<16xi1>, vector<16xi32>
      %get3A_221 = arith.constant 112 : index
      %get3A_222 = tpu.vector_load %arg9[%get3A_221] {strides = array<i32>} : memref<512xf32, #tpu.memory_space<vmem>>, vector<16xf32>,
      %sub3A_223 = arith.subf %add3A_112, %get3A_222 : vector<16xf32>
      %get3A_224 = arith.constant 368 : index
      %get3A_225 = tpu.vector_load %arg9[%get3A_224] {strides = array<i32>} : memref<512xf32, #tpu.memory_space<vmem>>, vector<16xf32>,
      %sub3A_226 = arith.subf %add3A_119, %get3A_225 : vector<16xf32>
      %mul3A_227 = arith.mulf %sub3A_223, %sub3A_223 : vector<16xf32>
      %mul3A_228 = arith.mulf %sub3A_226, %sub3A_226 : vector<16xf32>
      %add3A_229 = arith.addf %mul3A_227, %mul3A_228 : vector<16xf32>
      %lt3A_230 = arith.cmpf olt, %add3A_229, %select_n3A_217 : vector<16xf32>
      %select_n3A_231 = arith.select %lt3A_230, %add3A_229, %select_n3A_217 : vector<16xi1>, vector<16xf32>
      %jit3A_232 = arith.constant 7 : i32
      %broadcast_in_dim3A_233 = vector.broadcast %jit3A_232 : i32 to vector<16xi32>
      %select_n3A_234 = arith.select %lt3A_230, %broadcast_in_dim3A_233, %select_n3A_220 : vector<16xi1>, vector<16xi32>
      %get3A_235 = arith.constant 128 : index
      %get3A_236 = tpu.vector_load %arg9[%get3A_235] {strides = array<i32>} : memref<512xf32, #tpu.memory_space<vmem>>, vector<16xf32>,
      %sub3A_237 = arith.subf %add3A_112, %get3A_236 : vector<16xf32>
      %get3A_238 = arith.constant 384 : index
      %get3A_239 = tpu.vector_load %arg9[%get3A_238] {strides = array<i32>} : memref<512xf32, #tpu.memory_space<vmem>>, vector<16xf32>,
      %sub3A_240 = arith.subf %add3A_119, %get3A_239 : vector<16xf32>
      %mul3A_241 = arith.mulf %sub3A_237, %sub3A_237 : vector<16xf32>
      %mul3A_242 = arith.mulf %sub3A_240, %sub3A_240 : vector<16xf32>
      %add3A_243 = arith.addf %mul3A_241, %mul3A_242 : vector<16xf32>
      %lt3A_244 = arith.cmpf olt, %add3A_243, %select_n3A_231 : vector<16xf32>
      %select_n3A_245 = arith.select %lt3A_244, %add3A_243, %select_n3A_231 : vector<16xi1>, vector<16xf32>
      %jit3A_246 = arith.constant 8 : i32
      %broadcast_in_dim3A_247 = vector.broadcast %jit3A_246 : i32 to vector<16xi32>
      %select_n3A_248 = arith.select %lt3A_244, %broadcast_in_dim3A_247, %select_n3A_234 : vector<16xi1>, vector<16xi32>
      %get3A_249 = arith.constant 144 : index
      %get3A_250 = tpu.vector_load %arg9[%get3A_249] {strides = array<i32>} : memref<512xf32, #tpu.memory_space<vmem>>, vector<16xf32>,
      %sub3A_251 = arith.subf %add3A_112, %get3A_250 : vector<16xf32>
      %get3A_252 = arith.constant 400 : index
      %get3A_253 = tpu.vector_load %arg9[%get3A_252] {strides = array<i32>} : memref<512xf32, #tpu.memory_space<vmem>>, vector<16xf32>,
      %sub3A_254 = arith.subf %add3A_119, %get3A_253 : vector<16xf32>
      %mul3A_255 = arith.mulf %sub3A_251, %sub3A_251 : vector<16xf32>
      %mul3A_256 = arith.mulf %sub3A_254, %sub3A_254 : vector<16xf32>
      %add3A_257 = arith.addf %mul3A_255, %mul3A_256 : vector<16xf32>
      %lt3A_258 = arith.cmpf olt, %add3A_257, %select_n3A_245 : vector<16xf32>
      %select_n3A_259 = arith.select %lt3A_258, %add3A_257, %select_n3A_245 : vector<16xi1>, vector<16xf32>
      %jit3A_260 = arith.constant 9 : i32
      %broadcast_in_dim3A_261 = vector.broadcast %jit3A_260 : i32 to vector<16xi32>
      %select_n3A_262 = arith.select %lt3A_258, %broadcast_in_dim3A_261, %select_n3A_248 : vector<16xi1>, vector<16xi32>
      %get3A_263 = arith.constant 160 : index
      %get3A_264 = tpu.vector_load %arg9[%get3A_263] {strides = array<i32>} : memref<512xf32, #tpu.memory_space<vmem>>, vector<16xf32>,
      %sub3A_265 = arith.subf %add3A_112, %get3A_264 : vector<16xf32>
      %get3A_266 = arith.constant 416 : index
      %get3A_267 = tpu.vector_load %arg9[%get3A_266] {strides = array<i32>} : memref<512xf32, #tpu.memory_space<vmem>>, vector<16xf32>,
      %sub3A_268 = arith.subf %add3A_119, %get3A_267 : vector<16xf32>
      %mul3A_269 = arith.mulf %sub3A_265, %sub3A_265 : vector<16xf32>
      %mul3A_270 = arith.mulf %sub3A_268, %sub3A_268 : vector<16xf32>
      %add3A_271 = arith.addf %mul3A_269, %mul3A_270 : vector<16xf32>
      %lt3A_272 = arith.cmpf olt, %add3A_271, %select_n3A_259 : vector<16xf32>
      %select_n3A_273 = arith.select %lt3A_272, %add3A_271, %select_n3A_259 : vector<16xi1>, vector<16xf32>
      %jit3A_274 = arith.constant 10 : i32
      %broadcast_in_dim3A_275 = vector.broadcast %jit3A_274 : i32 to vector<16xi32>
      %select_n3A_276 = arith.select %lt3A_272, %broadcast_in_dim3A_275, %select_n3A_262 : vector<16xi1>, vector<16xi32>
      %get3A_277 = arith.constant 176 : index
      %get3A_278 = tpu.vector_load %arg9[%get3A_277] {strides = array<i32>} : memref<512xf32, #tpu.memory_space<vmem>>, vector<16xf32>,
      %sub3A_279 = arith.subf %add3A_112, %get3A_278 : vector<16xf32>
      %get3A_280 = arith.constant 432 : index
      %get3A_281 = tpu.vector_load %arg9[%get3A_280] {strides = array<i32>} : memref<512xf32, #tpu.memory_space<vmem>>, vector<16xf32>,
      %sub3A_282 = arith.subf %add3A_119, %get3A_281 : vector<16xf32>
      %mul3A_283 = arith.mulf %sub3A_279, %sub3A_279 : vector<16xf32>
      %mul3A_284 = arith.mulf %sub3A_282, %sub3A_282 : vector<16xf32>
      %add3A_285 = arith.addf %mul3A_283, %mul3A_284 : vector<16xf32>
      %lt3A_286 = arith.cmpf olt, %add3A_285, %select_n3A_273 : vector<16xf32>
      %select_n3A_287 = arith.select %lt3A_286, %add3A_285, %select_n3A_273 : vector<16xi1>, vector<16xf32>
      %jit3A_288 = arith.constant 11 : i32
      %broadcast_in_dim3A_289 = vector.broadcast %jit3A_288 : i32 to vector<16xi32>
      %select_n3A_290 = arith.select %lt3A_286, %broadcast_in_dim3A_289, %select_n3A_276 : vector<16xi1>, vector<16xi32>
      %get3A_291 = arith.constant 192 : index
      %get3A_292 = tpu.vector_load %arg9[%get3A_291] {strides = array<i32>} : memref<512xf32, #tpu.memory_space<vmem>>, vector<16xf32>,
      %sub3A_293 = arith.subf %add3A_112, %get3A_292 : vector<16xf32>
      %get3A_294 = arith.constant 448 : index
      %get3A_295 = tpu.vector_load %arg9[%get3A_294] {strides = array<i32>} : memref<512xf32, #tpu.memory_space<vmem>>, vector<16xf32>,
      %sub3A_296 = arith.subf %add3A_119, %get3A_295 : vector<16xf32>
      %mul3A_297 = arith.mulf %sub3A_293, %sub3A_293 : vector<16xf32>
      %mul3A_298 = arith.mulf %sub3A_296, %sub3A_296 : vector<16xf32>
      %add3A_299 = arith.addf %mul3A_297, %mul3A_298 : vector<16xf32>
      %lt3A_300 = arith.cmpf olt, %add3A_299, %select_n3A_287 : vector<16xf32>
      %select_n3A_301 = arith.select %lt3A_300, %add3A_299, %select_n3A_287 : vector<16xi1>, vector<16xf32>
      %jit3A_302 = arith.constant 12 : i32
      %broadcast_in_dim3A_303 = vector.broadcast %jit3A_302 : i32 to vector<16xi32>
      %select_n3A_304 = arith.select %lt3A_300, %broadcast_in_dim3A_303, %select_n3A_290 : vector<16xi1>, vector<16xi32>
      %get3A_305 = arith.constant 208 : index
      %get3A_306 = tpu.vector_load %arg9[%get3A_305] {strides = array<i32>} : memref<512xf32, #tpu.memory_space<vmem>>, vector<16xf32>,
      %sub3A_307 = arith.subf %add3A_112, %get3A_306 : vector<16xf32>
      %get3A_308 = arith.constant 464 : index
      %get3A_309 = tpu.vector_load %arg9[%get3A_308] {strides = array<i32>} : memref<512xf32, #tpu.memory_space<vmem>>, vector<16xf32>,
      %sub3A_310 = arith.subf %add3A_119, %get3A_309 : vector<16xf32>
      %mul3A_311 = arith.mulf %sub3A_307, %sub3A_307 : vector<16xf32>
      %mul3A_312 = arith.mulf %sub3A_310, %sub3A_310 : vector<16xf32>
      %add3A_313 = arith.addf %mul3A_311, %mul3A_312 : vector<16xf32>
      %lt3A_314 = arith.cmpf olt, %add3A_313, %select_n3A_301 : vector<16xf32>
      %select_n3A_315 = arith.select %lt3A_314, %add3A_313, %select_n3A_301 : vector<16xi1>, vector<16xf32>
      %jit3A_316 = arith.constant 13 : i32
      %broadcast_in_dim3A_317 = vector.broadcast %jit3A_316 : i32 to vector<16xi32>
      %select_n3A_318 = arith.select %lt3A_314, %broadcast_in_dim3A_317, %select_n3A_304 : vector<16xi1>, vector<16xi32>
      %get3A_319 = arith.constant 224 : index
      %get3A_320 = tpu.vector_load %arg9[%get3A_319] {strides = array<i32>} : memref<512xf32, #tpu.memory_space<vmem>>, vector<16xf32>,
      %sub3A_321 = arith.subf %add3A_112, %get3A_320 : vector<16xf32>
      %get3A_322 = arith.constant 480 : index
      %get3A_323 = tpu.vector_load %arg9[%get3A_322] {strides = array<i32>} : memref<512xf32, #tpu.memory_space<vmem>>, vector<16xf32>,
      %sub3A_324 = arith.subf %add3A_119, %get3A_323 : vector<16xf32>
      %mul3A_325 = arith.mulf %sub3A_321, %sub3A_321 : vector<16xf32>
      %mul3A_326 = arith.mulf %sub3A_324, %sub3A_324 : vector<16xf32>
      %add3A_327 = arith.addf %mul3A_325, %mul3A_326 : vector<16xf32>
      %lt3A_328 = arith.cmpf olt, %add3A_327, %select_n3A_315 : vector<16xf32>
      %select_n3A_329 = arith.select %lt3A_328, %add3A_327, %select_n3A_315 : vector<16xi1>, vector<16xf32>
      %jit3A_330 = arith.constant 14 : i32
      %broadcast_in_dim3A_331 = vector.broadcast %jit3A_330 : i32 to vector<16xi32>
      %select_n3A_332 = arith.select %lt3A_328, %broadcast_in_dim3A_331, %select_n3A_318 : vector<16xi1>, vector<16xi32>
      %get3A_333 = arith.constant 240 : index
      %get3A_334 = tpu.vector_load %arg9[%get3A_333] {strides = array<i32>} : memref<512xf32, #tpu.memory_space<vmem>>, vector<16xf32>,
      %sub3A_335 = arith.subf %add3A_112, %get3A_334 : vector<16xf32>
      %get3A_336 = arith.constant 496 : index
      %get3A_337 = tpu.vector_load %arg9[%get3A_336] {strides = array<i32>} : memref<512xf32, #tpu.memory_space<vmem>>, vector<16xf32>,
      %sub3A_338 = arith.subf %add3A_119, %get3A_337 : vector<16xf32>
      %mul3A_339 = arith.mulf %sub3A_335, %sub3A_335 : vector<16xf32>
      %mul3A_340 = arith.mulf %sub3A_338, %sub3A_338 : vector<16xf32>
      %add3A_341 = arith.addf %mul3A_339, %mul3A_340 : vector<16xf32>
      %lt3A_342 = arith.cmpf olt, %add3A_341, %select_n3A_329 : vector<16xf32>
      %select_n3A_343 = arith.select %lt3A_342, %add3A_341, %select_n3A_329 : vector<16xi1>, vector<16xf32>
      %jit3A_344 = arith.constant 15 : i32
      %broadcast_in_dim3A_345 = vector.broadcast %jit3A_344 : i32 to vector<16xi32>
      %select_n3A_346 = arith.select %lt3A_342, %broadcast_in_dim3A_345, %select_n3A_332 : vector<16xi1>, vector<16xi32>
      %add3A_347 = arith.constant 9.99999996E-13 : f32
      %add3A_348 = vector.broadcast %add3A_347 : f32 to vector<16xf32>
      %add3A_349 = arith.addf %select_n3A_343, %add3A_348 : vector<16xf32>
      %lt3A_350 = arith.constant 5.49316406E-4 : f32
      %lt3A_351 = vector.broadcast %lt3A_350 : f32 to vector<16xf32>
      %lt3A_352 = arith.cmpf olt, %add3A_349, %lt3A_351 : vector<16xf32>
      %convert_element_type3A_353 = arith.extui %lt3A_352 : vector<16xi1> to vector<16xi32>
      %convert_element_type3A_354 = arith.sitofp %convert_element_type3A_353 : vector<16xi32> to vector<16xf32>
      %gather3A = tpu.vector_load_idx %arg10[%select_n3A_346] : memref<128xf32, #tpu.memory_space<vmem>>[vector<16xi32>], vector<16xf32>,
      %add3A_355 = arith.constant 16 : i32
      %add3A_356 = vector.broadcast %add3A_355 : i32 to vector<16xi32>
      %add3A_357 = arith.addi %select_n3A_346, %add3A_356 : vector<16xi32>
      %gather3A_358 = tpu.vector_load_idx %arg10[%add3A_357] : memref<128xf32, #tpu.memory_space<vmem>>[vector<16xi32>], vector<16xf32>,
      %add3A_359 = arith.constant 32 : i32
      %add3A_360 = vector.broadcast %add3A_359 : i32 to vector<16xi32>
      %add3A_361 = arith.addi %select_n3A_346, %add3A_360 : vector<16xi32>
      %gather3A_362 = tpu.vector_load_idx %arg10[%add3A_361] : memref<128xf32, #tpu.memory_space<vmem>>[vector<16xi32>], vector<16xf32>,
      %add3A_363 = arith.constant 48 : i32
      %add3A_364 = vector.broadcast %add3A_363 : i32 to vector<16xi32>
      %add3A_365 = arith.addi %select_n3A_346, %add3A_364 : vector<16xi32>
      %gather3A_366 = tpu.vector_load_idx %arg10[%add3A_365] : memref<128xf32, #tpu.memory_space<vmem>>[vector<16xi32>], vector<16xf32>,
      %mul3A_367 = arith.constant 64 : i32
      %mul3A_368 = arith.muli %scan3A_96, %mul3A_367 : i32
      %add3A_369 = vector.broadcast %mul3A_368 : i32 to vector<16xi32>
      %add3A_370 = arith.addi %add3A_369, %mul3A_46 : vector<16xi32>
      %broadcast_in_dim3A_371 = arith.constant 0.000000e+00 : f32
      %broadcast_in_dim3A_372 = vector.broadcast %broadcast_in_dim3A_371 : f32 to vector<16xf32>
      %add3A_373 = arith.addf %gather3A, %gather3A_362 : vector<16xf32>
      %mul3A_374 = arith.constant 5.000000e-01 : f32
      %mul3A_375 = vector.broadcast %mul3A_374 : f32 to vector<16xf32>
      %mul3A_376 = arith.mulf %add3A_373, %mul3A_375 : vector<16xf32>
      %add3A_377 = arith.addf %gather3A_358, %gather3A_366 : vector<16xf32>
      %mul3A_378 = arith.constant 5.000000e-01 : f32
      %mul3A_379 = vector.broadcast %mul3A_378 : f32 to vector<16xf32>
      %mul3A_380 = arith.mulf %add3A_377, %mul3A_379 : vector<16xf32>
      %sub3A_381 = arith.subf %gather3A_362, %gather3A : vector<16xf32>
      %sub3A_382 = arith.subf %gather3A_366, %gather3A_358 : vector<16xf32>
      %add3A_383 = arith.constant 0 : i32
      %add3A_384 = vector.broadcast %add3A_383 : i32 to vector<16xi32>
      %add3A_385 = arith.addi %add3A_370, %add3A_384 : vector<16xi32>
      %gather3A_386 = tpu.vector_load_idx %arg7[%add3A_385] : memref<4096xf32, #tpu.memory_space<vmem>>[vector<16xi32>], vector<16xf32>,
      %sub3A_387 = arith.subf %gather3A_386, %mul3A_376 : vector<16xf32>
      %abs3A = math.absf %sub3A_387 : vector<16xf32>
      %lt3A_388 = arith.constant 1.000000e+00 : f32
      %lt3A_389 = vector.broadcast %lt3A_388 : f32 to vector<16xf32>
      %lt3A_390 = arith.cmpf olt, %abs3A, %lt3A_389 : vector<16xf32>
      %mul3A_391 = arith.constant 5.000000e-01 : f32
      %mul3A_392 = vector.broadcast %mul3A_391 : f32 to vector<16xf32>
      %mul3A_393 = arith.mulf %mul3A_392, %abs3A : vector<16xf32>
      %mul3A_394 = arith.mulf %mul3A_393, %abs3A : vector<16xf32>
      %sub3A_395 = arith.constant 5.000000e-01 : f32
      %sub3A_396 = vector.broadcast %sub3A_395 : f32 to vector<16xf32>
      %sub3A_397 = arith.subf %abs3A, %sub3A_396 : vector<16xf32>
      %select_n3A_398 = arith.select %lt3A_390, %mul3A_394, %sub3A_397 : vector<16xi1>, vector<16xf32>
      %add3A_399 = arith.addf %broadcast_in_dim3A_372, %select_n3A_398 : vector<16xf32>
      %add3A_400 = arith.constant 1 : i32
      %add3A_401 = vector.broadcast %add3A_400 : i32 to vector<16xi32>
      %add3A_402 = arith.addi %add3A_370, %add3A_401 : vector<16xi32>
      %gather3A_403 = tpu.vector_load_idx %arg7[%add3A_402] : memref<4096xf32, #tpu.memory_space<vmem>>[vector<16xi32>], vector<16xf32>,
      %sub3A_404 = arith.subf %gather3A_403, %mul3A_380 : vector<16xf32>
      %abs3A_405 = math.absf %sub3A_404 : vector<16xf32>
      %lt3A_406 = arith.constant 1.000000e+00 : f32
      %lt3A_407 = vector.broadcast %lt3A_406 : f32 to vector<16xf32>
      %lt3A_408 = arith.cmpf olt, %abs3A_405, %lt3A_407 : vector<16xf32>
      %mul3A_409 = arith.constant 5.000000e-01 : f32
      %mul3A_410 = vector.broadcast %mul3A_409 : f32 to vector<16xf32>
      %mul3A_411 = arith.mulf %mul3A_410, %abs3A_405 : vector<16xf32>
      %mul3A_412 = arith.mulf %mul3A_411, %abs3A_405 : vector<16xf32>
      %sub3A_413 = arith.constant 5.000000e-01 : f32
      %sub3A_414 = vector.broadcast %sub3A_413 : f32 to vector<16xf32>
      %sub3A_415 = arith.subf %abs3A_405, %sub3A_414 : vector<16xf32>
      %select_n3A_416 = arith.select %lt3A_408, %mul3A_412, %sub3A_415 : vector<16xi1>, vector<16xf32>
      %add3A_417 = arith.addf %add3A_399, %select_n3A_416 : vector<16xf32>
      %add3A_418 = arith.constant 2 : i32
      %add3A_419 = vector.broadcast %add3A_418 : i32 to vector<16xi32>
      %add3A_420 = arith.addi %add3A_370, %add3A_419 : vector<16xi32>
      %gather3A_421 = tpu.vector_load_idx %arg7[%add3A_420] : memref<4096xf32, #tpu.memory_space<vmem>>[vector<16xi32>], vector<16xf32>,
      %sub3A_422 = arith.subf %gather3A_421, %sub3A_381 : vector<16xf32>
      %abs3A_423 = math.absf %sub3A_422 : vector<16xf32>
      %lt3A_424 = arith.constant 1.000000e+00 : f32
      %lt3A_425 = vector.broadcast %lt3A_424 : f32 to vector<16xf32>
      %lt3A_426 = arith.cmpf olt, %abs3A_423, %lt3A_425 : vector<16xf32>
      %mul3A_427 = arith.constant 5.000000e-01 : f32
      %mul3A_428 = vector.broadcast %mul3A_427 : f32 to vector<16xf32>
      %mul3A_429 = arith.mulf %mul3A_428, %abs3A_423 : vector<16xf32>
      %mul3A_430 = arith.mulf %mul3A_429, %abs3A_423 : vector<16xf32>
      %sub3A_431 = arith.constant 5.000000e-01 : f32
      %sub3A_432 = vector.broadcast %sub3A_431 : f32 to vector<16xf32>
      %sub3A_433 = arith.subf %abs3A_423, %sub3A_432 : vector<16xf32>
      %select_n3A_434 = arith.select %lt3A_426, %mul3A_430, %sub3A_433 : vector<16xi1>, vector<16xf32>
      %add3A_435 = arith.addf %add3A_417, %select_n3A_434 : vector<16xf32>
      %add3A_436 = arith.constant 3 : i32
      %add3A_437 = vector.broadcast %add3A_436 : i32 to vector<16xi32>
      %add3A_438 = arith.addi %add3A_370, %add3A_437 : vector<16xi32>
      %gather3A_439 = tpu.vector_load_idx %arg7[%add3A_438] : memref<4096xf32, #tpu.memory_space<vmem>>[vector<16xi32>], vector<16xf32>,
      %sub3A_440 = arith.subf %gather3A_439, %sub3A_382 : vector<16xf32>
      %abs3A_441 = math.absf %sub3A_440 : vector<16xf32>
      %lt3A_442 = arith.constant 1.000000e+00 : f32
      %lt3A_443 = vector.broadcast %lt3A_442 : f32 to vector<16xf32>
      %lt3A_444 = arith.cmpf olt, %abs3A_441, %lt3A_443 : vector<16xf32>
      %mul3A_445 = arith.constant 5.000000e-01 : f32
      %mul3A_446 = vector.broadcast %mul3A_445 : f32 to vector<16xf32>
      %mul3A_447 = arith.mulf %mul3A_446, %abs3A_441 : vector<16xf32>
      %mul3A_448 = arith.mulf %mul3A_447, %abs3A_441 : vector<16xf32>
      %sub3A_449 = arith.constant 5.000000e-01 : f32
      %sub3A_450 = vector.broadcast %sub3A_449 : f32 to vector<16xf32>
      %sub3A_451 = arith.subf %abs3A_441, %sub3A_450 : vector<16xf32>
      %select_n3A_452 = arith.select %lt3A_444, %mul3A_448, %sub3A_451 : vector<16xi1>, vector<16xf32>
      %add3A_453 = arith.addf %add3A_435, %select_n3A_452 : vector<16xf32>
      %sub3A_454 = arith.subf %add3A_112, %gather3A : vector<16xf32>
      %max3A = arith.constant 9.99999997E-7 : f32
      %max3A_455 = vector.broadcast %max3A : f32 to vector<16xf32>
      %max3A_456 = arith.maximumf %sub3A_454, %max3A_455 : vector<16xf32>
      %sub3A_457 = arith.subf %gather3A_362, %add3A_112 : vector<16xf32>
      %max3A_458 = arith.constant 9.99999997E-7 : f32
      %max3A_459 = vector.broadcast %max3A_458 : f32 to vector<16xf32>
      %max3A_460 = arith.maximumf %sub3A_457, %max3A_459 : vector<16xf32>
      %sub3A_461 = arith.subf %add3A_119, %gather3A_358 : vector<16xf32>
      %max3A_462 = arith.constant 9.99999997E-7 : f32
      %max3A_463 = vector.broadcast %max3A_462 : f32 to vector<16xf32>
      %max3A_464 = arith.maximumf %sub3A_461, %max3A_463 : vector<16xf32>
      %sub3A_465 = arith.subf %gather3A_366, %add3A_119 : vector<16xf32>
      %max3A_466 = arith.constant 9.99999997E-7 : f32
      %max3A_467 = vector.broadcast %max3A_466 : f32 to vector<16xf32>
      %max3A_468 = arith.maximumf %sub3A_465, %max3A_467 : vector<16xf32>
      %min3A = arith.minimumf %max3A_456, %max3A_460 : vector<16xf32>
      %max3A_469 = arith.maximumf %max3A_456, %max3A_460 : vector<16xf32>
      %div3A_470 = arith.divf %min3A, %max3A_469 : vector<16xf32>
      %min3A_471 = arith.minimumf %max3A_464, %max3A_468 : vector<16xf32>
      %max3A_472 = arith.maximumf %max3A_464, %max3A_468 : vector<16xf32>
      %div3A_473 = arith.divf %min3A_471, %max3A_472 : vector<16xf32>
      %mul3A_474 = arith.mulf %div3A_470, %div3A_473 : vector<16xf32>
      %bitcast3A = vector.bitcast %mul3A_474 : vector<16xf32> to vector<16xi32>
      %shift_right_arithmetic3A_475 = arith.constant 1 : i32
      %shift_right_arithmetic3A_476 = vector.broadcast %shift_right_arithmetic3A_475 : i32 to vector<16xi32>
      %shift_right_arithmetic3A_477 = arith.shrsi %bitcast3A, %shift_right_arithmetic3A_476 : vector<16xi32>
      %sub3A_478 = arith.constant 1597463007 : i32
      %sub3A_479 = vector.broadcast %sub3A_478 : i32 to vector<16xi32>
      %sub3A_480 = arith.subi %sub3A_479, %shift_right_arithmetic3A_477 : vector<16xi32>
      %bitcast3A_481 = vector.bitcast %sub3A_480 : vector<16xi32> to vector<16xf32>
      %mul3A_482 = arith.constant 5.000000e-01 : f32
      %mul3A_483 = vector.broadcast %mul3A_482 : f32 to vector<16xf32>
      %mul3A_484 = arith.mulf %mul3A_483, %mul3A_474 : vector<16xf32>
      %mul3A_485 = arith.mulf %mul3A_484, %bitcast3A_481 : vector<16xf32>
      %mul3A_486 = arith.mulf %mul3A_485, %bitcast3A_481 : vector<16xf32>
      %sub3A_487 = arith.constant 1.500000e+00 : f32
      %sub3A_488 = vector.broadcast %sub3A_487 : f32 to vector<16xf32>
      %sub3A_489 = arith.subf %sub3A_488, %mul3A_486 : vector<16xf32>
      %mul3A_490 = arith.mulf %bitcast3A_481, %sub3A_489 : vector<16xf32>
      %mul3A_491 = arith.constant 5.000000e-01 : f32
      %mul3A_492 = vector.broadcast %mul3A_491 : f32 to vector<16xf32>
      %mul3A_493 = arith.mulf %mul3A_492, %mul3A_474 : vector<16xf32>
      %mul3A_494 = arith.mulf %mul3A_493, %mul3A_490 : vector<16xf32>
      %mul3A_495 = arith.mulf %mul3A_494, %mul3A_490 : vector<16xf32>
      %sub3A_496 = arith.constant 1.500000e+00 : f32
      %sub3A_497 = vector.broadcast %sub3A_496 : f32 to vector<16xf32>
      %sub3A_498 = arith.subf %sub3A_497, %mul3A_495 : vector<16xf32>
      %mul3A_499 = arith.mulf %mul3A_490, %sub3A_498 : vector<16xf32>
      %mul3A_500 = arith.constant 5.000000e-01 : f32
      %mul3A_501 = vector.broadcast %mul3A_500 : f32 to vector<16xf32>
      %mul3A_502 = arith.mulf %mul3A_501, %mul3A_474 : vector<16xf32>
      %mul3A_503 = arith.mulf %mul3A_502, %mul3A_499 : vector<16xf32>
      %mul3A_504 = arith.mulf %mul3A_503, %mul3A_499 : vector<16xf32>
      %sub3A_505 = arith.constant 1.500000e+00 : f32
      %sub3A_506 = vector.broadcast %sub3A_505 : f32 to vector<16xf32>
      %sub3A_507 = arith.subf %sub3A_506, %mul3A_504 : vector<16xf32>
      %mul3A_508 = arith.mulf %mul3A_499, %sub3A_507 : vector<16xf32>
      %mul3A_509 = arith.mulf %mul3A_474, %mul3A_508 : vector<16xf32>
      %jit3A_510 = arith.constant 0.000000e+00 : f32
      %jit3A_511 = arith.constant 1.000000e+00 : f32
      %max3A_512 = vector.broadcast %jit3A_510 : f32 to vector<16xf32>
      %max3A_513 = arith.maximumf %max3A_512, %mul3A_509 : vector<16xf32>
      %min3A_514 = vector.broadcast %jit3A_511 : f32 to vector<16xf32>
      %min3A_515 = arith.minimumf %min3A_514, %max3A_513 : vector<16xf32>
      %mul3A_516 = arith.constant 16 : i32
      %mul3A_517 = arith.muli %scan3A_96, %mul3A_516 : i32
      %add3A_518 = vector.broadcast %mul3A_517 : i32 to vector<16xi32>
      %add3A_519 = arith.addi %add3A_518, %iota3A : vector<16xi32>
      %gather3A_520 = tpu.vector_load_idx %arg8[%add3A_519] : memref<1024xf32, #tpu.memory_space<vmem>>[vector<16xi32>], vector<16xf32>,
      %max3A_521 = arith.constant 0.000000e+00 : f32
      %max3A_522 = vector.broadcast %max3A_521 : f32 to vector<16xf32>
      %max3A_523 = arith.maximumf %gather3A_520, %max3A_522 : vector<16xf32>
      %mul3A_524 = arith.mulf %gather3A_520, %min3A_515 : vector<16xf32>
      %sub3A_525 = arith.subf %max3A_523, %mul3A_524 : vector<16xf32>
      %abs3A_526 = math.absf %gather3A_520 : vector<16xf32>
      %neg3A = arith.constant 0.000000e+00 : f32
      %neg3A_527 = vector.broadcast %neg3A : f32 to vector<16xf32>
      %neg3A_528 = arith.subf %neg3A_527, %abs3A_526 : vector<16xf32>
      %exp3A = math.exp %neg3A_528 : vector<16xf32>
      %add3A_529 = arith.constant 1.000000e+00 : f32
      %add3A_530 = vector.broadcast %add3A_529 : f32 to vector<16xf32>
      %add3A_531 = arith.addf %add3A_530, %exp3A : vector<16xf32>
      %bitcast3A_532 = vector.bitcast %add3A_531 : vector<16xf32> to vector<16xi32>
      %shift_right_arithmetic3A_533 = arith.constant 23 : i32
      %shift_right_arithmetic3A_534 = vector.broadcast %shift_right_arithmetic3A_533 : i32 to vector<16xi32>
      %shift_right_arithmetic3A_535 = arith.shrsi %bitcast3A_532, %shift_right_arithmetic3A_534 : vector<16xi32>
      %sub3A_536 = arith.constant 127 : i32
      %sub3A_537 = vector.broadcast %sub3A_536 : i32 to vector<16xi32>
      %sub3A_538 = arith.subi %shift_right_arithmetic3A_535, %sub3A_537 : vector<16xi32>
      %and3A_539 = arith.constant 8388607 : i32
      %and3A_540 = vector.broadcast %and3A_539 : i32 to vector<16xi32>
      %and3A_541 = arith.andi %bitcast3A_532, %and3A_540 : vector<16xi32>
      %or3A = arith.constant 1065353216 : i32
      %or3A_542 = vector.broadcast %or3A : i32 to vector<16xi32>
      %or3A_543 = arith.ori %and3A_541, %or3A_542 : vector<16xi32>
      %bitcast3A_544 = vector.bitcast %or3A_543 : vector<16xi32> to vector<16xf32>
      %gt3A = arith.constant 1.41421354 : f32
      %gt3A_545 = vector.broadcast %gt3A : f32 to vector<16xf32>
      %gt3A_546 = arith.cmpf ogt, %bitcast3A_544, %gt3A_545 : vector<16xf32>
      %mul3A_547 = arith.constant 5.000000e-01 : f32
      %mul3A_548 = vector.broadcast %mul3A_547 : f32 to vector<16xf32>
      %mul3A_549 = arith.mulf %bitcast3A_544, %mul3A_548 : vector<16xf32>
      %select_n3A_550 = arith.select %gt3A_546, %mul3A_549, %bitcast3A_544 : vector<16xi1>, vector<16xf32>
      %jit3A_551 = arith.constant 1 : i32
      %jit3A_552 = arith.constant 0 : i32
      %broadcast_in_dim3A_553 = vector.broadcast %jit3A_551 : i32 to vector<16xi32>
      %broadcast_in_dim3A_554 = vector.broadcast %jit3A_552 : i32 to vector<16xi32>
      %select_n3A_555 = arith.select %gt3A_546, %broadcast_in_dim3A_553, %broadcast_in_dim3A_554 : vector<16xi1>, vector<16xi32>
      %add3A_556 = arith.addi %sub3A_538, %select_n3A_555 : vector<16xi32>
      %convert_element_type3A_557 = arith.sitofp %add3A_556 : vector<16xi32> to vector<16xf32>
      %sub3A_558 = arith.constant 1.000000e+00 : f32
      %sub3A_559 = vector.broadcast %sub3A_558 : f32 to vector<16xf32>
      %sub3A_560 = arith.subf %select_n3A_550, %sub3A_559 : vector<16xf32>
      %broadcast_in_dim3A_561 = arith.constant 0.0703768358 : f32
      %broadcast_in_dim3A_562 = vector.broadcast %broadcast_in_dim3A_561 : f32 to vector<16xf32>
      %mul3A_563 = arith.mulf %broadcast_in_dim3A_562, %sub3A_560 : vector<16xf32>
      %add3A_564 = arith.constant -0.115146101 : f32
      %add3A_565 = vector.broadcast %add3A_564 : f32 to vector<16xf32>
      %add3A_566 = arith.addf %mul3A_563, %add3A_565 : vector<16xf32>
      %mul3A_567 = arith.mulf %add3A_566, %sub3A_560 : vector<16xf32>
      %add3A_568 = arith.constant 0.116769984 : f32
      %add3A_569 = vector.broadcast %add3A_568 : f32 to vector<16xf32>
      %add3A_570 = arith.addf %mul3A_567, %add3A_569 : vector<16xf32>
      %mul3A_571 = arith.mulf %add3A_570, %sub3A_560 : vector<16xf32>
      %add3A_572 = arith.constant -0.12420141 : f32
      %add3A_573 = vector.broadcast %add3A_572 : f32 to vector<16xf32>
      %add3A_574 = arith.addf %mul3A_571, %add3A_573 : vector<16xf32>
      %mul3A_575 = arith.mulf %add3A_574, %sub3A_560 : vector<16xf32>
      %add3A_576 = arith.constant 0.142493233 : f32
      %add3A_577 = vector.broadcast %add3A_576 : f32 to vector<16xf32>
      %add3A_578 = arith.addf %mul3A_575, %add3A_577 : vector<16xf32>
      %mul3A_579 = arith.mulf %add3A_578, %sub3A_560 : vector<16xf32>
      %add3A_580 = arith.constant -0.166680574 : f32
      %add3A_581 = vector.broadcast %add3A_580 : f32 to vector<16xf32>
      %add3A_582 = arith.addf %mul3A_579, %add3A_581 : vector<16xf32>
      %mul3A_583 = arith.mulf %add3A_582, %sub3A_560 : vector<16xf32>
      %add3A_584 = arith.constant 0.200007141 : f32
      %add3A_585 = vector.broadcast %add3A_584 : f32 to vector<16xf32>
      %add3A_586 = arith.addf %mul3A_583, %add3A_585 : vector<16xf32>
      %mul3A_587 = arith.mulf %add3A_586, %sub3A_560 : vector<16xf32>
      %add3A_588 = arith.constant -0.24999994 : f32
      %add3A_589 = vector.broadcast %add3A_588 : f32 to vector<16xf32>
      %add3A_590 = arith.addf %mul3A_587, %add3A_589 : vector<16xf32>
      %mul3A_591 = arith.mulf %add3A_590, %sub3A_560 : vector<16xf32>
      %add3A_592 = arith.constant 0.333333313 : f32
      %add3A_593 = vector.broadcast %add3A_592 : f32 to vector<16xf32>
      %add3A_594 = arith.addf %mul3A_591, %add3A_593 : vector<16xf32>
      %mul3A_595 = arith.mulf %sub3A_560, %sub3A_560 : vector<16xf32>
      %mul3A_596 = arith.mulf %mul3A_595, %sub3A_560 : vector<16xf32>
      %mul3A_597 = arith.mulf %mul3A_596, %add3A_594 : vector<16xf32>
      %mul3A_598 = arith.constant 5.000000e-01 : f32
      %mul3A_599 = vector.broadcast %mul3A_598 : f32 to vector<16xf32>
      %mul3A_600 = arith.mulf %mul3A_599, %mul3A_595 : vector<16xf32>
      %sub3A_601 = arith.subf %mul3A_597, %mul3A_600 : vector<16xf32>
      %add3A_602 = arith.addf %sub3A_560, %sub3A_601 : vector<16xf32>
      %mul3A_603 = arith.constant -2.12194442E-4 : f32
      %mul3A_604 = vector.broadcast %mul3A_603 : f32 to vector<16xf32>
      %mul3A_605 = arith.mulf %convert_element_type3A_557, %mul3A_604 : vector<16xf32>
      %add3A_606 = arith.addf %add3A_602, %mul3A_605 : vector<16xf32>
      %mul3A_607 = arith.constant 0.693359375 : f32
      %mul3A_608 = vector.broadcast %mul3A_607 : f32 to vector<16xf32>
      %mul3A_609 = arith.mulf %convert_element_type3A_557, %mul3A_608 : vector<16xf32>
      %add3A_610 = arith.addf %add3A_606, %mul3A_609 : vector<16xf32>
      %add3A_611 = arith.addf %sub3A_525, %add3A_610 : vector<16xf32>
      %add3A_612 = arith.addf %scan3A_97, %convert_element_type3A_354 : vector<16xf32>
      %mul3A_613 = arith.mulf %add3A_453, %convert_element_type3A_354 : vector<16xf32>
      %add3A_614 = arith.addf %scan3A_98, %mul3A_613 : vector<16xf32>
      %mul3A_615 = arith.mulf %add3A_611, %convert_element_type3A_354 : vector<16xf32>
      %add3A_616 = arith.addf %scan3A_99, %mul3A_615 : vector<16xf32>
      scf.yield %add3A_612, %add3A_614, %add3A_616 : vector<16xf32>, vector<16xf32>, vector<16xf32>
    }
    %scan3A_54 = arith.constant 64 : i32
    %reduce_sum3A = arith.constant true
    %reduce_sum3A_55 = vector.broadcast %reduce_sum3A : i1 to vector<16xi1>
    %reduce_sum3A_56 = tpu.scan <sum>, %scan3A_53#0 masked %reduce_sum3A_55 : vector<16xf32>, vector<16xi1> -> vector<16xf32>
    %reduce_sum3A_57 = vector.extract %reduce_sum3A_56[15] : f32 from vector<16xf32>
    %reduce_sum3A_58 = arith.constant true
    %reduce_sum3A_59 = vector.broadcast %reduce_sum3A_58 : i1 to vector<16xi1>
    %reduce_sum3A_60 = tpu.scan <sum>, %scan3A_53#1 masked %reduce_sum3A_59 : vector<16xf32>, vector<16xi1> -> vector<16xf32>
    %reduce_sum3A_61 = vector.extract %reduce_sum3A_60[15] : f32 from vector<16xf32>
    %reduce_sum3A_62 = arith.constant true
    %reduce_sum3A_63 = vector.broadcast %reduce_sum3A_62 : i1 to vector<16xi1>
    %reduce_sum3A_64 = tpu.scan <sum>, %scan3A_53#2 masked %reduce_sum3A_63 : vector<16xf32>, vector<16xi1> -> vector<16xf32>
    %reduce_sum3A_65 = vector.extract %reduce_sum3A_64[15] : f32 from vector<16xf32>
    %eq3A_66 = vector.broadcast %select_n3A : i32 to vector<16xi32>
    %eq3A_67 = arith.cmpi eq, %iota3A, %eq3A_66 : vector<16xi32>
    %broadcast_in_dim3A_68 = vector.broadcast %reduce_sum3A_57 : f32 to vector<16xf32>
    %jit3A_69 = arith.constant 0.000000e+00 : f32
    %broadcast_in_dim3A_70 = vector.broadcast %jit3A_69 : f32 to vector<16xf32>
    %select_n3A_71 = arith.select %eq3A_67, %broadcast_in_dim3A_68, %broadcast_in_dim3A_70 : vector<16xi1>, vector<16xf32>
    %swap3A = arith.constant 0 : i32
    %swap3A_72 = arith.index_cast %swap3A : i32 to index
    %swap3A_73 = arith.constant 0 : index
    %swap3A_74 = tpu.vector_load %arg11[%swap3A_72, %swap3A_73] {strides = array<i32>} : memref<3x128xf32, #tpu.memory_space<vmem>>, vector<16xf32>,
    tpu.vector_store %arg11[%swap3A_72, %swap3A_73], %select_n3A_71 {strides = array<i32>} : memref<3x128xf32, #tpu.memory_space<vmem>>, vector<16xf32>,
    %broadcast_in_dim3A_75 = vector.broadcast %reduce_sum3A_61 : f32 to vector<16xf32>
    %jit3A_76 = arith.constant 0.000000e+00 : f32
    %broadcast_in_dim3A_77 = vector.broadcast %jit3A_76 : f32 to vector<16xf32>
    %select_n3A_78 = arith.select %eq3A_67, %broadcast_in_dim3A_75, %broadcast_in_dim3A_77 : vector<16xi1>, vector<16xf32>
    %swap3A_79 = arith.constant 1 : i32
    %swap3A_80 = arith.index_cast %swap3A_79 : i32 to index
    %swap3A_81 = arith.constant 0 : index
    %swap3A_82 = tpu.vector_load %arg11[%swap3A_80, %swap3A_81] {strides = array<i32>} : memref<3x128xf32, #tpu.memory_space<vmem>>, vector<16xf32>,
    tpu.vector_store %arg11[%swap3A_80, %swap3A_81], %select_n3A_78 {strides = array<i32>} : memref<3x128xf32, #tpu.memory_space<vmem>>, vector<16xf32>,
    %broadcast_in_dim3A_83 = vector.broadcast %reduce_sum3A_65 : f32 to vector<16xf32>
    %jit3A_84 = arith.constant 0.000000e+00 : f32
    %broadcast_in_dim3A_85 = vector.broadcast %jit3A_84 : f32 to vector<16xf32>
    %select_n3A_86 = arith.select %eq3A_67, %broadcast_in_dim3A_83, %broadcast_in_dim3A_85 : vector<16xi1>, vector<16xf32>
    %swap3A_87 = arith.constant 2 : i32
    %swap3A_88 = arith.index_cast %swap3A_87 : i32 to index
    %swap3A_89 = arith.constant 0 : index
    %swap3A_90 = tpu.vector_load %arg11[%swap3A_88, %swap3A_89] {strides = array<i32>} : memref<3x128xf32, #tpu.memory_space<vmem>>, vector<16xf32>,
    tpu.vector_store %arg11[%swap3A_88, %swap3A_89], %select_n3A_86 {strides = array<i32>} : memref<3x128xf32, #tpu.memory_space<vmem>>, vector<16xf32>,
    %mul3A_91 = arith.constant 3 : i32
    %mul3A_92 = arith.muli %arg1, %mul3A_91 : i32
    "tpu.region"() ({
      %run_scoped3A = tpu.sem_alloc : memref<!tpu.dma_semaphore, #tpu.memory_space<semaphore_mem>>
      %dma_start3A = arith.constant 0 : i32
      %dma_start3A_96 = tpu.memref_slice %arg14[%mul3A_92, %dma_start3A] : memref<48x128xf32, #tpu.memory_space<vmem_shared>> -> memref<3x128xf32, #tpu.memory_space<vmem_shared>>
      %dma_start3A_97 = arith.constant 0 : i32
      %dma_start3A_98 = tpu.memref_slice %arg14[%mul3A_92, %dma_start3A_97] : memref<48x128xf32, #tpu.memory_space<vmem_shared>> -> memref<3x128xf32, #tpu.memory_space<vmem_shared>>
      tpu.enqueue_dma source(%arg11 : memref<3x128xf32, #tpu.memory_space<vmem>>) target(%dma_start3A_98 : memref<3x128xf32, #tpu.memory_space<vmem_shared>>) target_semaphore(%run_scoped3A : memref<!tpu.dma_semaphore, #tpu.memory_space<semaphore_mem>>)
      %dma_wait3A = arith.constant 0 : i32
      %dma_wait3A_99 = tpu.memref_slice %arg14[%mul3A_92, %dma_wait3A] : memref<48x128xf32, #tpu.memory_space<vmem_shared>> -> memref<3x128xf32, #tpu.memory_space<vmem_shared>>
      %dma_wait3A_100 = arith.constant 0 : i32
      %dma_wait3A_101 = tpu.memref_slice %arg14[%mul3A_92, %dma_wait3A_100] : memref<48x128xf32, #tpu.memory_space<vmem_shared>> -> memref<3x128xf32, #tpu.memory_space<vmem_shared>>
      tpu.wait_dma2 semaphore(%run_scoped3A : memref<!tpu.dma_semaphore, #tpu.memory_space<semaphore_mem>>) src(%arg11 : memref<3x128xf32, #tpu.memory_space<vmem>>) dst(%dma_wait3A_101 : memref<3x128xf32, #tpu.memory_space<vmem_shared>>)
      tpu.yield
    }) : () -> ()
    %barrier3A = arith.constant 0 : index
    tpu.barrier barrier_id(%barrier3A)
    %eq3A_93 = arith.constant 0 : i32
    %eq3A_94 = arith.cmpi eq, %arg1, %eq3A_93 : i32
    %convert_element_type3A = arith.extui %eq3A_94 : i1 to i32
    %cond3A = arith.constant 0 : i32
    %cond3A_95 = arith.cmpi ne, %convert_element_type3A, %cond3A : i32
    scf.if %cond3A_95 {
      "tpu.region"() ({
        %run_scoped3A = tpu.sem_alloc : memref<!tpu.dma_semaphore, #tpu.memory_space<semaphore_mem>>
        tpu.enqueue_dma source(%arg14 : memref<48x128xf32, #tpu.memory_space<vmem_shared>>) target(%arg12 : memref<48x128xf32, #tpu.memory_space<vmem>>) target_semaphore(%run_scoped3A : memref<!tpu.dma_semaphore, #tpu.memory_space<semaphore_mem>>)
        tpu.wait_dma2 semaphore(%run_scoped3A : memref<!tpu.dma_semaphore, #tpu.memory_space<semaphore_mem>>) src(%arg14 : memref<48x128xf32, #tpu.memory_space<vmem_shared>>) dst(%arg12 : memref<48x128xf32, #tpu.memory_space<vmem>>)
        tpu.yield
      }) : () -> ()
      %broadcast_in_dim3A_96 = arith.constant 0.000000e+00 : f32
      %broadcast_in_dim3A_97 = vector.broadcast %broadcast_in_dim3A_96 : f32 to vector<16xf32>
      %broadcast_in_dim3A_98 = arith.constant 0.000000e+00 : f32
      %broadcast_in_dim3A_99 = vector.broadcast %broadcast_in_dim3A_98 : f32 to vector<16xf32>
      %broadcast_in_dim3A_100 = arith.constant 0.000000e+00 : f32
      %broadcast_in_dim3A_101 = vector.broadcast %broadcast_in_dim3A_100 : f32 to vector<16xf32>
      %get3A = arith.constant 0 : i32
      %get3A_102 = arith.index_cast %get3A : i32 to index
      %get3A_103 = arith.constant 0 : index
      %get3A_104 = tpu.vector_load %arg12[%get3A_102, %get3A_103] {strides = array<i32>} : memref<48x128xf32, #tpu.memory_space<vmem>>, vector<16xf32>,
      %add3A_105 = arith.addf %broadcast_in_dim3A_97, %get3A_104 : vector<16xf32>
      %get3A_106 = arith.constant 1 : i32
      %get3A_107 = arith.index_cast %get3A_106 : i32 to index
      %get3A_108 = arith.constant 0 : index
      %get3A_109 = tpu.vector_load %arg12[%get3A_107, %get3A_108] {strides = array<i32>} : memref<48x128xf32, #tpu.memory_space<vmem>>, vector<16xf32>,
      %add3A_110 = arith.addf %broadcast_in_dim3A_99, %get3A_109 : vector<16xf32>
      %get3A_111 = arith.constant 2 : i32
      %get3A_112 = arith.index_cast %get3A_111 : i32 to index
      %get3A_113 = arith.constant 0 : index
      %get3A_114 = tpu.vector_load %arg12[%get3A_112, %get3A_113] {strides = array<i32>} : memref<48x128xf32, #tpu.memory_space<vmem>>, vector<16xf32>,
      %add3A_115 = arith.addf %broadcast_in_dim3A_101, %get3A_114 : vector<16xf32>
      %get3A_116 = arith.constant 3 : i32
      %get3A_117 = arith.index_cast %get3A_116 : i32 to index
      %get3A_118 = arith.constant 0 : index
      %get3A_119 = tpu.vector_load %arg12[%get3A_117, %get3A_118] {strides = array<i32>} : memref<48x128xf32, #tpu.memory_space<vmem>>, vector<16xf32>,
      %add3A_120 = arith.addf %add3A_105, %get3A_119 : vector<16xf32>
      %get3A_121 = arith.constant 4 : i32
      %get3A_122 = arith.index_cast %get3A_121 : i32 to index
      %get3A_123 = arith.constant 0 : index
      %get3A_124 = tpu.vector_load %arg12[%get3A_122, %get3A_123] {strides = array<i32>} : memref<48x128xf32, #tpu.memory_space<vmem>>, vector<16xf32>,
      %add3A_125 = arith.addf %add3A_110, %get3A_124 : vector<16xf32>
      %get3A_126 = arith.constant 5 : i32
      %get3A_127 = arith.index_cast %get3A_126 : i32 to index
      %get3A_128 = arith.constant 0 : index
      %get3A_129 = tpu.vector_load %arg12[%get3A_127, %get3A_128] {strides = array<i32>} : memref<48x128xf32, #tpu.memory_space<vmem>>, vector<16xf32>,
      %add3A_130 = arith.addf %add3A_115, %get3A_129 : vector<16xf32>
      %get3A_131 = arith.constant 6 : i32
      %get3A_132 = arith.index_cast %get3A_131 : i32 to index
      %get3A_133 = arith.constant 0 : index
      %get3A_134 = tpu.vector_load %arg12[%get3A_132, %get3A_133] {strides = array<i32>} : memref<48x128xf32, #tpu.memory_space<vmem>>, vector<16xf32>,
      %add3A_135 = arith.addf %add3A_120, %get3A_134 : vector<16xf32>
      %get3A_136 = arith.constant 7 : i32
      %get3A_137 = arith.index_cast %get3A_136 : i32 to index
      %get3A_138 = arith.constant 0 : index
      %get3A_139 = tpu.vector_load %arg12[%get3A_137, %get3A_138] {strides = array<i32>} : memref<48x128xf32, #tpu.memory_space<vmem>>, vector<16xf32>,
      %add3A_140 = arith.addf %add3A_125, %get3A_139 : vector<16xf32>
      %get3A_141 = arith.constant 8 : i32
      %get3A_142 = arith.index_cast %get3A_141 : i32 to index
      %get3A_143 = arith.constant 0 : index
      %get3A_144 = tpu.vector_load %arg12[%get3A_142, %get3A_143] {strides = array<i32>} : memref<48x128xf32, #tpu.memory_space<vmem>>, vector<16xf32>,
      %add3A_145 = arith.addf %add3A_130, %get3A_144 : vector<16xf32>
      %get3A_146 = arith.constant 9 : i32
      %get3A_147 = arith.index_cast %get3A_146 : i32 to index
      %get3A_148 = arith.constant 0 : index
      %get3A_149 = tpu.vector_load %arg12[%get3A_147, %get3A_148] {strides = array<i32>} : memref<48x128xf32, #tpu.memory_space<vmem>>, vector<16xf32>,
      %add3A_150 = arith.addf %add3A_135, %get3A_149 : vector<16xf32>
      %get3A_151 = arith.constant 10 : i32
      %get3A_152 = arith.index_cast %get3A_151 : i32 to index
      %get3A_153 = arith.constant 0 : index
      %get3A_154 = tpu.vector_load %arg12[%get3A_152, %get3A_153] {strides = array<i32>} : memref<48x128xf32, #tpu.memory_space<vmem>>, vector<16xf32>,
      %add3A_155 = arith.addf %add3A_140, %get3A_154 : vector<16xf32>
      %get3A_156 = arith.constant 11 : i32
      %get3A_157 = arith.index_cast %get3A_156 : i32 to index
      %get3A_158 = arith.constant 0 : index
      %get3A_159 = tpu.vector_load %arg12[%get3A_157, %get3A_158] {strides = array<i32>} : memref<48x128xf32, #tpu.memory_space<vmem>>, vector<16xf32>,
      %add3A_160 = arith.addf %add3A_145, %get3A_159 : vector<16xf32>
      %get3A_161 = arith.constant 12 : i32
      %get3A_162 = arith.index_cast %get3A_161 : i32 to index
      %get3A_163 = arith.constant 0 : index
      %get3A_164 = tpu.vector_load %arg12[%get3A_162, %get3A_163] {strides = array<i32>} : memref<48x128xf32, #tpu.memory_space<vmem>>, vector<16xf32>,
      %add3A_165 = arith.addf %add3A_150, %get3A_164 : vector<16xf32>
      %get3A_166 = arith.constant 13 : i32
      %get3A_167 = arith.index_cast %get3A_166 : i32 to index
      %get3A_168 = arith.constant 0 : index
      %get3A_169 = tpu.vector_load %arg12[%get3A_167, %get3A_168] {strides = array<i32>} : memref<48x128xf32, #tpu.memory_space<vmem>>, vector<16xf32>,
      %add3A_170 = arith.addf %add3A_155, %get3A_169 : vector<16xf32>
      %get3A_171 = arith.constant 14 : i32
      %get3A_172 = arith.index_cast %get3A_171 : i32 to index
      %get3A_173 = arith.constant 0 : index
      %get3A_174 = tpu.vector_load %arg12[%get3A_172, %get3A_173] {strides = array<i32>} : memref<48x128xf32, #tpu.memory_space<vmem>>, vector<16xf32>,
      %add3A_175 = arith.addf %add3A_160, %get3A_174 : vector<16xf32>
      %get3A_176 = arith.constant 15 : i32
      %get3A_177 = arith.index_cast %get3A_176 : i32 to index
      %get3A_178 = arith.constant 0 : index
      %get3A_179 = tpu.vector_load %arg12[%get3A_177, %get3A_178] {strides = array<i32>} : memref<48x128xf32, #tpu.memory_space<vmem>>, vector<16xf32>,
      %add3A_180 = arith.addf %add3A_165, %get3A_179 : vector<16xf32>
      %get3A_181 = arith.constant 16 : i32
      %get3A_182 = arith.index_cast %get3A_181 : i32 to index
      %get3A_183 = arith.constant 0 : index
      %get3A_184 = tpu.vector_load %arg12[%get3A_182, %get3A_183] {strides = array<i32>} : memref<48x128xf32, #tpu.memory_space<vmem>>, vector<16xf32>,
      %add3A_185 = arith.addf %add3A_170, %get3A_184 : vector<16xf32>
      %get3A_186 = arith.constant 17 : i32
      %get3A_187 = arith.index_cast %get3A_186 : i32 to index
      %get3A_188 = arith.constant 0 : index
      %get3A_189 = tpu.vector_load %arg12[%get3A_187, %get3A_188] {strides = array<i32>} : memref<48x128xf32, #tpu.memory_space<vmem>>, vector<16xf32>,
      %add3A_190 = arith.addf %add3A_175, %get3A_189 : vector<16xf32>
      %get3A_191 = arith.constant 18 : i32
      %get3A_192 = arith.index_cast %get3A_191 : i32 to index
      %get3A_193 = arith.constant 0 : index
      %get3A_194 = tpu.vector_load %arg12[%get3A_192, %get3A_193] {strides = array<i32>} : memref<48x128xf32, #tpu.memory_space<vmem>>, vector<16xf32>,
      %add3A_195 = arith.addf %add3A_180, %get3A_194 : vector<16xf32>
      %get3A_196 = arith.constant 19 : i32
      %get3A_197 = arith.index_cast %get3A_196 : i32 to index
      %get3A_198 = arith.constant 0 : index
      %get3A_199 = tpu.vector_load %arg12[%get3A_197, %get3A_198] {strides = array<i32>} : memref<48x128xf32, #tpu.memory_space<vmem>>, vector<16xf32>,
      %add3A_200 = arith.addf %add3A_185, %get3A_199 : vector<16xf32>
      %get3A_201 = arith.constant 20 : i32
      %get3A_202 = arith.index_cast %get3A_201 : i32 to index
      %get3A_203 = arith.constant 0 : index
      %get3A_204 = tpu.vector_load %arg12[%get3A_202, %get3A_203] {strides = array<i32>} : memref<48x128xf32, #tpu.memory_space<vmem>>, vector<16xf32>,
      %add3A_205 = arith.addf %add3A_190, %get3A_204 : vector<16xf32>
      %get3A_206 = arith.constant 21 : i32
      %get3A_207 = arith.index_cast %get3A_206 : i32 to index
      %get3A_208 = arith.constant 0 : index
      %get3A_209 = tpu.vector_load %arg12[%get3A_207, %get3A_208] {strides = array<i32>} : memref<48x128xf32, #tpu.memory_space<vmem>>, vector<16xf32>,
      %add3A_210 = arith.addf %add3A_195, %get3A_209 : vector<16xf32>
      %get3A_211 = arith.constant 22 : i32
      %get3A_212 = arith.index_cast %get3A_211 : i32 to index
      %get3A_213 = arith.constant 0 : index
      %get3A_214 = tpu.vector_load %arg12[%get3A_212, %get3A_213] {strides = array<i32>} : memref<48x128xf32, #tpu.memory_space<vmem>>, vector<16xf32>,
      %add3A_215 = arith.addf %add3A_200, %get3A_214 : vector<16xf32>
      %get3A_216 = arith.constant 23 : i32
      %get3A_217 = arith.index_cast %get3A_216 : i32 to index
      %get3A_218 = arith.constant 0 : index
      %get3A_219 = tpu.vector_load %arg12[%get3A_217, %get3A_218] {strides = array<i32>} : memref<48x128xf32, #tpu.memory_space<vmem>>, vector<16xf32>,
      %add3A_220 = arith.addf %add3A_205, %get3A_219 : vector<16xf32>
      %get3A_221 = arith.constant 24 : i32
      %get3A_222 = arith.index_cast %get3A_221 : i32 to index
      %get3A_223 = arith.constant 0 : index
      %get3A_224 = tpu.vector_load %arg12[%get3A_222, %get3A_223] {strides = array<i32>} : memref<48x128xf32, #tpu.memory_space<vmem>>, vector<16xf32>,
      %add3A_225 = arith.addf %add3A_210, %get3A_224 : vector<16xf32>
      %get3A_226 = arith.constant 25 : i32
      %get3A_227 = arith.index_cast %get3A_226 : i32 to index
      %get3A_228 = arith.constant 0 : index
      %get3A_229 = tpu.vector_load %arg12[%get3A_227, %get3A_228] {strides = array<i32>} : memref<48x128xf32, #tpu.memory_space<vmem>>, vector<16xf32>,
      %add3A_230 = arith.addf %add3A_215, %get3A_229 : vector<16xf32>
      %get3A_231 = arith.constant 26 : i32
      %get3A_232 = arith.index_cast %get3A_231 : i32 to index
      %get3A_233 = arith.constant 0 : index
      %get3A_234 = tpu.vector_load %arg12[%get3A_232, %get3A_233] {strides = array<i32>} : memref<48x128xf32, #tpu.memory_space<vmem>>, vector<16xf32>,
      %add3A_235 = arith.addf %add3A_220, %get3A_234 : vector<16xf32>
      %get3A_236 = arith.constant 27 : i32
      %get3A_237 = arith.index_cast %get3A_236 : i32 to index
      %get3A_238 = arith.constant 0 : index
      %get3A_239 = tpu.vector_load %arg12[%get3A_237, %get3A_238] {strides = array<i32>} : memref<48x128xf32, #tpu.memory_space<vmem>>, vector<16xf32>,
      %add3A_240 = arith.addf %add3A_225, %get3A_239 : vector<16xf32>
      %get3A_241 = arith.constant 28 : i32
      %get3A_242 = arith.index_cast %get3A_241 : i32 to index
      %get3A_243 = arith.constant 0 : index
      %get3A_244 = tpu.vector_load %arg12[%get3A_242, %get3A_243] {strides = array<i32>} : memref<48x128xf32, #tpu.memory_space<vmem>>, vector<16xf32>,
      %add3A_245 = arith.addf %add3A_230, %get3A_244 : vector<16xf32>
      %get3A_246 = arith.constant 29 : i32
      %get3A_247 = arith.index_cast %get3A_246 : i32 to index
      %get3A_248 = arith.constant 0 : index
      %get3A_249 = tpu.vector_load %arg12[%get3A_247, %get3A_248] {strides = array<i32>} : memref<48x128xf32, #tpu.memory_space<vmem>>, vector<16xf32>,
      %add3A_250 = arith.addf %add3A_235, %get3A_249 : vector<16xf32>
      %get3A_251 = arith.constant 30 : i32
      %get3A_252 = arith.index_cast %get3A_251 : i32 to index
      %get3A_253 = arith.constant 0 : index
      %get3A_254 = tpu.vector_load %arg12[%get3A_252, %get3A_253] {strides = array<i32>} : memref<48x128xf32, #tpu.memory_space<vmem>>, vector<16xf32>,
      %add3A_255 = arith.addf %add3A_240, %get3A_254 : vector<16xf32>
      %get3A_256 = arith.constant 31 : i32
      %get3A_257 = arith.index_cast %get3A_256 : i32 to index
      %get3A_258 = arith.constant 0 : index
      %get3A_259 = tpu.vector_load %arg12[%get3A_257, %get3A_258] {strides = array<i32>} : memref<48x128xf32, #tpu.memory_space<vmem>>, vector<16xf32>,
      %add3A_260 = arith.addf %add3A_245, %get3A_259 : vector<16xf32>
      %get3A_261 = arith.constant 32 : i32
      %get3A_262 = arith.index_cast %get3A_261 : i32 to index
      %get3A_263 = arith.constant 0 : index
      %get3A_264 = tpu.vector_load %arg12[%get3A_262, %get3A_263] {strides = array<i32>} : memref<48x128xf32, #tpu.memory_space<vmem>>, vector<16xf32>,
      %add3A_265 = arith.addf %add3A_250, %get3A_264 : vector<16xf32>
      %get3A_266 = arith.constant 33 : i32
      %get3A_267 = arith.index_cast %get3A_266 : i32 to index
      %get3A_268 = arith.constant 0 : index
      %get3A_269 = tpu.vector_load %arg12[%get3A_267, %get3A_268] {strides = array<i32>} : memref<48x128xf32, #tpu.memory_space<vmem>>, vector<16xf32>,
      %add3A_270 = arith.addf %add3A_255, %get3A_269 : vector<16xf32>
      %get3A_271 = arith.constant 34 : i32
      %get3A_272 = arith.index_cast %get3A_271 : i32 to index
      %get3A_273 = arith.constant 0 : index
      %get3A_274 = tpu.vector_load %arg12[%get3A_272, %get3A_273] {strides = array<i32>} : memref<48x128xf32, #tpu.memory_space<vmem>>, vector<16xf32>,
      %add3A_275 = arith.addf %add3A_260, %get3A_274 : vector<16xf32>
      %get3A_276 = arith.constant 35 : i32
      %get3A_277 = arith.index_cast %get3A_276 : i32 to index
      %get3A_278 = arith.constant 0 : index
      %get3A_279 = tpu.vector_load %arg12[%get3A_277, %get3A_278] {strides = array<i32>} : memref<48x128xf32, #tpu.memory_space<vmem>>, vector<16xf32>,
      %add3A_280 = arith.addf %add3A_265, %get3A_279 : vector<16xf32>
      %get3A_281 = arith.constant 36 : i32
      %get3A_282 = arith.index_cast %get3A_281 : i32 to index
      %get3A_283 = arith.constant 0 : index
      %get3A_284 = tpu.vector_load %arg12[%get3A_282, %get3A_283] {strides = array<i32>} : memref<48x128xf32, #tpu.memory_space<vmem>>, vector<16xf32>,
      %add3A_285 = arith.addf %add3A_270, %get3A_284 : vector<16xf32>
      %get3A_286 = arith.constant 37 : i32
      %get3A_287 = arith.index_cast %get3A_286 : i32 to index
      %get3A_288 = arith.constant 0 : index
      %get3A_289 = tpu.vector_load %arg12[%get3A_287, %get3A_288] {strides = array<i32>} : memref<48x128xf32, #tpu.memory_space<vmem>>, vector<16xf32>,
      %add3A_290 = arith.addf %add3A_275, %get3A_289 : vector<16xf32>
      %get3A_291 = arith.constant 38 : i32
      %get3A_292 = arith.index_cast %get3A_291 : i32 to index
      %get3A_293 = arith.constant 0 : index
      %get3A_294 = tpu.vector_load %arg12[%get3A_292, %get3A_293] {strides = array<i32>} : memref<48x128xf32, #tpu.memory_space<vmem>>, vector<16xf32>,
      %add3A_295 = arith.addf %add3A_280, %get3A_294 : vector<16xf32>
      %get3A_296 = arith.constant 39 : i32
      %get3A_297 = arith.index_cast %get3A_296 : i32 to index
      %get3A_298 = arith.constant 0 : index
      %get3A_299 = tpu.vector_load %arg12[%get3A_297, %get3A_298] {strides = array<i32>} : memref<48x128xf32, #tpu.memory_space<vmem>>, vector<16xf32>,
      %add3A_300 = arith.addf %add3A_285, %get3A_299 : vector<16xf32>
      %get3A_301 = arith.constant 40 : i32
      %get3A_302 = arith.index_cast %get3A_301 : i32 to index
      %get3A_303 = arith.constant 0 : index
      %get3A_304 = tpu.vector_load %arg12[%get3A_302, %get3A_303] {strides = array<i32>} : memref<48x128xf32, #tpu.memory_space<vmem>>, vector<16xf32>,
      %add3A_305 = arith.addf %add3A_290, %get3A_304 : vector<16xf32>
      %get3A_306 = arith.constant 41 : i32
      %get3A_307 = arith.index_cast %get3A_306 : i32 to index
      %get3A_308 = arith.constant 0 : index
      %get3A_309 = tpu.vector_load %arg12[%get3A_307, %get3A_308] {strides = array<i32>} : memref<48x128xf32, #tpu.memory_space<vmem>>, vector<16xf32>,
      %add3A_310 = arith.addf %add3A_295, %get3A_309 : vector<16xf32>
      %get3A_311 = arith.constant 42 : i32
      %get3A_312 = arith.index_cast %get3A_311 : i32 to index
      %get3A_313 = arith.constant 0 : index
      %get3A_314 = tpu.vector_load %arg12[%get3A_312, %get3A_313] {strides = array<i32>} : memref<48x128xf32, #tpu.memory_space<vmem>>, vector<16xf32>,
      %add3A_315 = arith.addf %add3A_300, %get3A_314 : vector<16xf32>
      %get3A_316 = arith.constant 43 : i32
      %get3A_317 = arith.index_cast %get3A_316 : i32 to index
      %get3A_318 = arith.constant 0 : index
      %get3A_319 = tpu.vector_load %arg12[%get3A_317, %get3A_318] {strides = array<i32>} : memref<48x128xf32, #tpu.memory_space<vmem>>, vector<16xf32>,
      %add3A_320 = arith.addf %add3A_305, %get3A_319 : vector<16xf32>
      %get3A_321 = arith.constant 44 : i32
      %get3A_322 = arith.index_cast %get3A_321 : i32 to index
      %get3A_323 = arith.constant 0 : index
      %get3A_324 = tpu.vector_load %arg12[%get3A_322, %get3A_323] {strides = array<i32>} : memref<48x128xf32, #tpu.memory_space<vmem>>, vector<16xf32>,
      %add3A_325 = arith.addf %add3A_310, %get3A_324 : vector<16xf32>
      %get3A_326 = arith.constant 45 : i32
      %get3A_327 = arith.index_cast %get3A_326 : i32 to index
      %get3A_328 = arith.constant 0 : index
      %get3A_329 = tpu.vector_load %arg12[%get3A_327, %get3A_328] {strides = array<i32>} : memref<48x128xf32, #tpu.memory_space<vmem>>, vector<16xf32>,
      %add3A_330 = arith.addf %add3A_315, %get3A_329 : vector<16xf32>
      %get3A_331 = arith.constant 46 : i32
      %get3A_332 = arith.index_cast %get3A_331 : i32 to index
      %get3A_333 = arith.constant 0 : index
      %get3A_334 = tpu.vector_load %arg12[%get3A_332, %get3A_333] {strides = array<i32>} : memref<48x128xf32, #tpu.memory_space<vmem>>, vector<16xf32>,
      %add3A_335 = arith.addf %add3A_320, %get3A_334 : vector<16xf32>
      %get3A_336 = arith.constant 47 : i32
      %get3A_337 = arith.index_cast %get3A_336 : i32 to index
      %get3A_338 = arith.constant 0 : index
      %get3A_339 = tpu.vector_load %arg12[%get3A_337, %get3A_338] {strides = array<i32>} : memref<48x128xf32, #tpu.memory_space<vmem>>, vector<16xf32>,
      %add3A_340 = arith.addf %add3A_325, %get3A_339 : vector<16xf32>
      %gt3A = arith.constant 0.000000e+00 : f32
      %gt3A_341 = vector.broadcast %gt3A : f32 to vector<16xf32>
      %gt3A_342 = arith.cmpf ogt, %add3A_330, %gt3A_341 : vector<16xf32>
      %mul3A_343 = arith.constant 4.000000e+00 : f32
      %mul3A_344 = vector.broadcast %mul3A_343 : f32 to vector<16xf32>
      %mul3A_345 = arith.mulf %add3A_330, %mul3A_344 : vector<16xf32>
      %max3A = arith.constant 1.000000e+00 : f32
      %max3A_346 = vector.broadcast %max3A : f32 to vector<16xf32>
      %max3A_347 = arith.maximumf %mul3A_345, %max3A_346 : vector<16xf32>
      %div3A_348 = arith.divf %add3A_335, %max3A_347 : vector<16xf32>
      %jit3A_349 = arith.constant 0.000000e+00 : f32
      %broadcast_in_dim3A_350 = vector.broadcast %jit3A_349 : f32 to vector<16xf32>
      %select_n3A_351 = arith.select %gt3A_342, %div3A_348, %broadcast_in_dim3A_350 : vector<16xi1>, vector<16xf32>
      %max3A_352 = arith.constant 1.000000e+00 : f32
      %max3A_353 = vector.broadcast %max3A_352 : f32 to vector<16xf32>
      %max3A_354 = arith.maximumf %add3A_330, %max3A_353 : vector<16xf32>
      %div3A_355 = arith.divf %add3A_340, %max3A_354 : vector<16xf32>
      %jit3A_356 = arith.constant 0.000000e+00 : f32
      %broadcast_in_dim3A_357 = vector.broadcast %jit3A_356 : f32 to vector<16xf32>
      %select_n3A_358 = arith.select %gt3A_342, %div3A_355, %broadcast_in_dim3A_357 : vector<16xi1>, vector<16xf32>
      %reduce_sum3A_359 = arith.constant true
      %reduce_sum3A_360 = vector.broadcast %reduce_sum3A_359 : i1 to vector<16xi1>
      %reduce_sum3A_361 = tpu.scan <sum>, %select_n3A_351 masked %reduce_sum3A_360 : vector<16xf32>, vector<16xi1> -> vector<16xf32>
      %reduce_sum3A_362 = vector.extract %reduce_sum3A_361[15] : f32 from vector<16xf32>
      %reduce_sum3A_363 = arith.constant true
      %reduce_sum3A_364 = vector.broadcast %reduce_sum3A_363 : i1 to vector<16xi1>
      %reduce_sum3A_365 = tpu.scan <sum>, %select_n3A_358 masked %reduce_sum3A_364 : vector<16xf32>, vector<16xi1> -> vector<16xf32>
      %reduce_sum3A_366 = vector.extract %reduce_sum3A_365[15] : f32 from vector<16xf32>
      %eq3A_367 = arith.constant 0 : i32
      %eq3A_368 = vector.broadcast %eq3A_367 : i32 to vector<16xi32>
      %eq3A_369 = arith.cmpi eq, %iota3A, %eq3A_368 : vector<16xi32>
      %broadcast_in_dim3A_370 = vector.broadcast %reduce_sum3A_362 : f32 to vector<16xf32>
      %eq3A_371 = arith.constant 1 : i32
      %eq3A_372 = vector.broadcast %eq3A_371 : i32 to vector<16xi32>
      %eq3A_373 = arith.cmpi eq, %iota3A, %eq3A_372 : vector<16xi32>
      %broadcast_in_dim3A_374 = vector.broadcast %reduce_sum3A_366 : f32 to vector<16xf32>
      %jit3A_375 = arith.constant 0.000000e+00 : f32
      %broadcast_in_dim3A_376 = vector.broadcast %jit3A_375 : f32 to vector<16xf32>
      %select_n3A_377 = arith.select %eq3A_373, %broadcast_in_dim3A_374, %broadcast_in_dim3A_376 : vector<16xi1>, vector<16xf32>
      %select_n3A_378 = arith.select %eq3A_369, %broadcast_in_dim3A_370, %select_n3A_377 : vector<16xi1>, vector<16xf32>
      %swap3A_379 = arith.constant 0 : index
      %swap3A_380 = tpu.vector_load %arg13[%swap3A_379] {strides = array<i32>} : memref<128xf32, #tpu.memory_space<vmem>>, vector<16xf32>,
      tpu.vector_store %arg13[%swap3A_379], %select_n3A_378 {strides = array<i32>} : memref<128xf32, #tpu.memory_space<vmem>>, vector<16xf32>,
      %broadcast_in_dim3A_381 = arith.constant 0.000000e+00 : f32
      %broadcast_in_dim3A_382 = vector.broadcast %broadcast_in_dim3A_381 : f32 to vector<16xf32>
      %swap3A_383 = arith.constant 16 : index
      %swap3A_384 = tpu.vector_load %arg13[%swap3A_383] {strides = array<i32>} : memref<128xf32, #tpu.memory_space<vmem>>, vector<16xf32>,
      tpu.vector_store %arg13[%swap3A_383], %broadcast_in_dim3A_382 {strides = array<i32>} : memref<128xf32, #tpu.memory_space<vmem>>, vector<16xf32>,
      %broadcast_in_dim3A_385 = arith.constant 0.000000e+00 : f32
      %broadcast_in_dim3A_386 = vector.broadcast %broadcast_in_dim3A_385 : f32 to vector<16xf32>
      %swap3A_387 = arith.constant 32 : index
      %swap3A_388 = tpu.vector_load %arg13[%swap3A_387] {strides = array<i32>} : memref<128xf32, #tpu.memory_space<vmem>>, vector<16xf32>,
      tpu.vector_store %arg13[%swap3A_387], %broadcast_in_dim3A_386 {strides = array<i32>} : memref<128xf32, #tpu.memory_space<vmem>>, vector<16xf32>,
      %broadcast_in_dim3A_389 = arith.constant 0.000000e+00 : f32
      %broadcast_in_dim3A_390 = vector.broadcast %broadcast_in_dim3A_389 : f32 to vector<16xf32>
      %swap3A_391 = arith.constant 48 : index
      %swap3A_392 = tpu.vector_load %arg13[%swap3A_391] {strides = array<i32>} : memref<128xf32, #tpu.memory_space<vmem>>, vector<16xf32>,
      tpu.vector_store %arg13[%swap3A_391], %broadcast_in_dim3A_390 {strides = array<i32>} : memref<128xf32, #tpu.memory_space<vmem>>, vector<16xf32>,
      %broadcast_in_dim3A_393 = arith.constant 0.000000e+00 : f32
      %broadcast_in_dim3A_394 = vector.broadcast %broadcast_in_dim3A_393 : f32 to vector<16xf32>
      %swap3A_395 = arith.constant 64 : index
      %swap3A_396 = tpu.vector_load %arg13[%swap3A_395] {strides = array<i32>} : memref<128xf32, #tpu.memory_space<vmem>>, vector<16xf32>,
      tpu.vector_store %arg13[%swap3A_395], %broadcast_in_dim3A_394 {strides = array<i32>} : memref<128xf32, #tpu.memory_space<vmem>>, vector<16xf32>,
      %broadcast_in_dim3A_397 = arith.constant 0.000000e+00 : f32
      %broadcast_in_dim3A_398 = vector.broadcast %broadcast_in_dim3A_397 : f32 to vector<16xf32>
      %swap3A_399 = arith.constant 80 : index
      %swap3A_400 = tpu.vector_load %arg13[%swap3A_399] {strides = array<i32>} : memref<128xf32, #tpu.memory_space<vmem>>, vector<16xf32>,
      tpu.vector_store %arg13[%swap3A_399], %broadcast_in_dim3A_398 {strides = array<i32>} : memref<128xf32, #tpu.memory_space<vmem>>, vector<16xf32>,
      %broadcast_in_dim3A_401 = arith.constant 0.000000e+00 : f32
      %broadcast_in_dim3A_402 = vector.broadcast %broadcast_in_dim3A_401 : f32 to vector<16xf32>
      %swap3A_403 = arith.constant 96 : index
      %swap3A_404 = tpu.vector_load %arg13[%swap3A_403] {strides = array<i32>} : memref<128xf32, #tpu.memory_space<vmem>>, vector<16xf32>,
      tpu.vector_store %arg13[%swap3A_403], %broadcast_in_dim3A_402 {strides = array<i32>} : memref<128xf32, #tpu.memory_space<vmem>>, vector<16xf32>,
      %broadcast_in_dim3A_405 = arith.constant 0.000000e+00 : f32
      %broadcast_in_dim3A_406 = vector.broadcast %broadcast_in_dim3A_405 : f32 to vector<16xf32>
      %swap3A_407 = arith.constant 112 : index
      %swap3A_408 = tpu.vector_load %arg13[%swap3A_407] {strides = array<i32>} : memref<128xf32, #tpu.memory_space<vmem>>, vector<16xf32>,
      tpu.vector_store %arg13[%swap3A_407], %broadcast_in_dim3A_406 {strides = array<i32>} : memref<128xf32, #tpu.memory_space<vmem>>, vector<16xf32>,
      "tpu.region"() ({
        %run_scoped3A = tpu.sem_alloc : memref<!tpu.dma_semaphore, #tpu.memory_space<semaphore_mem>>
        %dma_start3A = arith.constant 0 : i32
        %dma_start3A_409 = tpu.memref_slice %arg6[%arg0, %dma_start3A] : memref<2x128xf32, #tpu.memory_space<hbm>> -> memref<1x128xf32, #tpu.memory_space<hbm>>
        %dma_start3A_410 = tpu.memref_squeeze %dma_start3A_409 : memref<1x128xf32, #tpu.memory_space<hbm>> -> memref<128xf32, #tpu.memory_space<hbm>>
        %dma_start3A_411 = arith.constant 0 : i32
        %dma_start3A_412 = tpu.memref_slice %arg6[%arg0, %dma_start3A_411] : memref<2x128xf32, #tpu.memory_space<hbm>> -> memref<1x128xf32, #tpu.memory_space<hbm>>
        %dma_start3A_413 = tpu.memref_squeeze %dma_start3A_412 : memref<1x128xf32, #tpu.memory_space<hbm>> -> memref<128xf32, #tpu.memory_space<hbm>>
        tpu.enqueue_dma source(%arg13 : memref<128xf32, #tpu.memory_space<vmem>>) target(%dma_start3A_413 : memref<128xf32, #tpu.memory_space<hbm>>) target_semaphore(%run_scoped3A : memref<!tpu.dma_semaphore, #tpu.memory_space<semaphore_mem>>)
        %dma_wait3A = arith.constant 0 : i32
        %dma_wait3A_414 = tpu.memref_slice %arg6[%arg0, %dma_wait3A] : memref<2x128xf32, #tpu.memory_space<hbm>> -> memref<1x128xf32, #tpu.memory_space<hbm>>
        %dma_wait3A_415 = tpu.memref_squeeze %dma_wait3A_414 : memref<1x128xf32, #tpu.memory_space<hbm>> -> memref<128xf32, #tpu.memory_space<hbm>>
        %dma_wait3A_416 = arith.constant 0 : i32
        %dma_wait3A_417 = tpu.memref_slice %arg6[%arg0, %dma_wait3A_416] : memref<2x128xf32, #tpu.memory_space<hbm>> -> memref<1x128xf32, #tpu.memory_space<hbm>>
        %dma_wait3A_418 = tpu.memref_squeeze %dma_wait3A_417 : memref<1x128xf32, #tpu.memory_space<hbm>> -> memref<128xf32, #tpu.memory_space<hbm>>
        tpu.wait_dma2 semaphore(%run_scoped3A : memref<!tpu.dma_semaphore, #tpu.memory_space<semaphore_mem>>) src(%arg13 : memref<128xf32, #tpu.memory_space<vmem>>) dst(%dma_wait3A_418 : memref<128xf32, #tpu.memory_space<hbm>>)
        tpu.yield
      }) : () -> ()
    } else {
    }
    return
  }
}

module attributes {stable_mosaic.version = 14 : i64} {
  func.func @_tc_body(%arg0: i32, %arg1: memref<1x16x4xf32, #tpu.memory_space<smem>>, %arg2: memref<1x1x16xi32, #tpu.memory_space<smem>>, %arg3: memref<1x4096x80xf32, #tpu.memory_space<vmem>>, %arg4: memref<1x1xf32, #tpu.memory_space<vmem>>, %arg5: memref<4096x32xf32, #tpu.memory_space<vmem>>, %arg6: memref<4096x128xf32, #tpu.memory_space<vmem>>) attributes {dimension_semantics = [#tpu.dimension_semantics<arbitrary>], iteration_bounds = array<i64: 8>, scalar_prefetch = 0 : i64, scratch_operands = 2 : i64, tpu.core_type = #tpu.core_type<tc>, window_params = [{transform_indices = @transform_0, window_bounds = array<i64: 1, 16, 4>}, {transform_indices = @transform_1, window_bounds = array<i64: 1, 1, 16>}, {transform_indices = @transform_2, window_bounds = array<i64: 1, 4096, 80>}, {pipeline_mode = #tpu.pipeline_mode<synchronous>, transform_indices = @transform_3, window_bounds = array<i64: 1, 1>}]} {
    %eq3A = arith.constant 0 : i32
    %eq3A_0 = arith.cmpi eq, %arg0, %eq3A : i32
    %convert_element_type3A = arith.extui %eq3A_0 : i1 to i32
    %cond3A = arith.constant 0 : i32
    %cond3A_1 = arith.cmpi ne, %convert_element_type3A, %cond3A : i32
    scf.if %cond3A_1 {
      %iota3A_878 = tpu.iota {dimensions = array<i32: 0>} : vector<4096x32xi32>
      %iota3A_879 = tpu.iota {dimensions = array<i32: 1>} : vector<4096x32xi32>
      %shift_right_arithmetic3A_880 = arith.constant 7 : i32
      %shift_right_arithmetic3A_881 = vector.broadcast %shift_right_arithmetic3A_880 : i32 to vector<4096x32xi32>
      %shift_right_arithmetic3A_882 = arith.shrsi %iota3A_878, %shift_right_arithmetic3A_881 : vector<4096x32xi32>
      %eq3A_883 = arith.cmpi eq, %shift_right_arithmetic3A_882, %iota3A_879 : vector<4096x32xi32>
      %convert_element_type3A_884 = arith.extui %eq3A_883 : vector<4096x32xi1> to vector<4096x32xi32>
      %convert_element_type3A_885 = arith.sitofp %convert_element_type3A_884 : vector<4096x32xi32> to vector<4096x32xf32>
      %swap3A_886 = arith.constant 0 : index
      %swap3A_887 = arith.constant 0 : index
      %swap3A_888 = vector.load %arg5[%swap3A_886, %swap3A_887] : memref<4096x32xf32, #tpu.memory_space<vmem>>, vector<4096x32xf32>
      tpu.vector_store %arg5[%swap3A_886, %swap3A_887], %convert_element_type3A_885 {strides = array<i32>} : memref<4096x32xf32, #tpu.memory_space<vmem>>, vector<4096x32xf32>,
      %iota3A_889 = tpu.iota {dimensions = array<i32: 0>} : vector<4096x128xi32>
      %iota3A_890 = tpu.iota {dimensions = array<i32: 1>} : vector<4096x128xi32>
      %and3A_891 = arith.constant 127 : i32
      %and3A_892 = vector.broadcast %and3A_891 : i32 to vector<4096x128xi32>
      %and3A_893 = arith.andi %iota3A_889, %and3A_892 : vector<4096x128xi32>
      %eq3A_894 = arith.cmpi eq, %and3A_893, %iota3A_890 : vector<4096x128xi32>
      %convert_element_type3A_895 = arith.extui %eq3A_894 : vector<4096x128xi1> to vector<4096x128xi32>
      %convert_element_type3A_896 = arith.sitofp %convert_element_type3A_895 : vector<4096x128xi32> to vector<4096x128xf32>
      %swap3A_897 = arith.constant 0 : index
      %swap3A_898 = arith.constant 0 : index
      %swap3A_899 = vector.load %arg6[%swap3A_897, %swap3A_898] : memref<4096x128xf32, #tpu.memory_space<vmem>>, vector<4096x128xf32>
      tpu.vector_store %arg6[%swap3A_897, %swap3A_898], %convert_element_type3A_896 {strides = array<i32>} : memref<4096x128xf32, #tpu.memory_space<vmem>>, vector<4096x128xf32>,
      %broadcast_in_dim3A_900 = arith.constant 0.000000e+00 : f32
      %broadcast_in_dim3A_901 = vector.broadcast %broadcast_in_dim3A_900 : f32 to vector<1x1xf32>
      %swap3A_902 = arith.constant 0 : index
      %swap3A_903 = arith.constant 0 : index
      %swap3A_904 = vector.load %arg4[%swap3A_902, %swap3A_903] : memref<1x1xf32, #tpu.memory_space<vmem>>, vector<1x1xf32>
      tpu.vector_store %arg4[%swap3A_902, %swap3A_903], %broadcast_in_dim3A_901 {strides = array<i32>} : memref<1x1xf32, #tpu.memory_space<vmem>>, vector<1x1xf32>,
    } else {
    }
    %iota3A = tpu.iota {dimensions = array<i32: 0>} : vector<32x128xi32>
    %iota3A_2 = tpu.iota {dimensions = array<i32: 1>} : vector<32x128xi32>
    %mul3A = arith.constant 128 : i32
    %mul3A_3 = vector.broadcast %mul3A : i32 to vector<32x128xi32>
    %mul3A_4 = arith.muli %iota3A, %mul3A_3 : vector<32x128xi32>
    %add3A = arith.addi %mul3A_4, %iota3A_2 : vector<32x128xi32>
    %and3A = arith.constant 63 : i32
    %and3A_5 = vector.broadcast %and3A : i32 to vector<32x128xi32>
    %and3A_6 = arith.andi %add3A, %and3A_5 : vector<32x128xi32>
    %convert_element_type3A_7 = arith.sitofp %and3A_6 : vector<32x128xi32> to vector<32x128xf32>
    %add3A_8 = arith.constant 5.000000e-01 : f32
    %add3A_9 = vector.broadcast %add3A_8 : f32 to vector<32x128xf32>
    %add3A_10 = arith.addf %convert_element_type3A_7, %add3A_9 : vector<32x128xf32>
    %mul3A_11 = arith.constant 1.562500e-02 : f32
    %mul3A_12 = vector.broadcast %mul3A_11 : f32 to vector<32x128xf32>
    %mul3A_13 = arith.mulf %add3A_10, %mul3A_12 : vector<32x128xf32>
    %shift_right_arithmetic3A = arith.constant 6 : i32
    %shift_right_arithmetic3A_14 = vector.broadcast %shift_right_arithmetic3A : i32 to vector<32x128xi32>
    %shift_right_arithmetic3A_15 = arith.shrsi %add3A, %shift_right_arithmetic3A_14 : vector<32x128xi32>
    %convert_element_type3A_16 = arith.sitofp %shift_right_arithmetic3A_15 : vector<32x128xi32> to vector<32x128xf32>
    %mul3A_17 = arith.constant 1.562500e-02 : f32
    %mul3A_18 = vector.broadcast %mul3A_17 : f32 to vector<32x128xf32>
    %mul3A_19 = arith.mulf %convert_element_type3A_16, %mul3A_18 : vector<32x128xf32>
    %add3A_20 = arith.constant 7.812500e-03 : f32
    %add3A_21 = vector.broadcast %add3A_20 : f32 to vector<32x128xf32>
    %add3A_22 = arith.addf %mul3A_19, %add3A_21 : vector<32x128xf32>
    %broadcast_in_dim3A = arith.constant 0x7F800000 : f32
    %broadcast_in_dim3A_23 = vector.broadcast %broadcast_in_dim3A : f32 to vector<32x128xf32>
    %broadcast_in_dim3A_24 = arith.constant 0 : i32
    %broadcast_in_dim3A_25 = vector.broadcast %broadcast_in_dim3A_24 : i32 to vector<32x128xi32>
    %get3A = arith.constant 0 : index
    %get3A_26 = arith.constant 0 : index
    %get3A_27 = arith.constant 0 : index
    %get3A_28 = memref.load %arg1[%get3A, %get3A_26, %get3A_27] : memref<1x16x4xf32, #tpu.memory_space<smem>>
    %mul3A_29 = arith.constant 0.001953125 : f32
    %mul3A_30 = arith.mulf %get3A_28, %mul3A_29 : f32
    %get3A_31 = arith.constant 0 : index
    %get3A_32 = arith.constant 0 : index
    %get3A_33 = arith.constant 1 : index
    %get3A_34 = memref.load %arg1[%get3A_31, %get3A_32, %get3A_33] : memref<1x16x4xf32, #tpu.memory_space<smem>>
    %mul3A_35 = arith.constant 0.001953125 : f32
    %mul3A_36 = arith.mulf %get3A_34, %mul3A_35 : f32
    %get3A_37 = arith.constant 0 : index
    %get3A_38 = arith.constant 0 : index
    %get3A_39 = arith.constant 2 : index
    %get3A_40 = memref.load %arg1[%get3A_37, %get3A_38, %get3A_39] : memref<1x16x4xf32, #tpu.memory_space<smem>>
    %mul3A_41 = arith.constant 0.001953125 : f32
    %mul3A_42 = arith.mulf %get3A_40, %mul3A_41 : f32
    %get3A_43 = arith.constant 0 : index
    %get3A_44 = arith.constant 0 : index
    %get3A_45 = arith.constant 3 : index
    %get3A_46 = memref.load %arg1[%get3A_43, %get3A_44, %get3A_45] : memref<1x16x4xf32, #tpu.memory_space<smem>>
    %mul3A_47 = arith.constant 0.001953125 : f32
    %mul3A_48 = arith.mulf %get3A_46, %mul3A_47 : f32
    %add3A_49 = arith.addf %mul3A_30, %mul3A_42 : f32
    %mul3A_50 = arith.constant 5.000000e-01 : f32
    %mul3A_51 = arith.mulf %add3A_49, %mul3A_50 : f32
    %sub3A = vector.broadcast %mul3A_51 : f32 to vector<32x128xf32>
    %sub3A_52 = arith.subf %mul3A_13, %sub3A : vector<32x128xf32>
    %add3A_53 = arith.addf %mul3A_36, %mul3A_48 : f32
    %mul3A_54 = arith.constant 5.000000e-01 : f32
    %mul3A_55 = arith.mulf %add3A_53, %mul3A_54 : f32
    %sub3A_56 = vector.broadcast %mul3A_55 : f32 to vector<32x128xf32>
    %sub3A_57 = arith.subf %add3A_22, %sub3A_56 : vector<32x128xf32>
    %mul3A_58 = arith.mulf %sub3A_52, %sub3A_52 : vector<32x128xf32>
    %mul3A_59 = arith.mulf %sub3A_57, %sub3A_57 : vector<32x128xf32>
    %add3A_60 = arith.addf %mul3A_58, %mul3A_59 : vector<32x128xf32>
    %add3A_61 = arith.constant 9.99999996E-13 : f32
    %add3A_62 = vector.broadcast %add3A_61 : f32 to vector<32x128xf32>
    %add3A_63 = arith.addf %add3A_60, %add3A_62 : vector<32x128xf32>
    %sqrt3A = math.sqrt %add3A_63 : vector<32x128xf32>
    %lt3A = arith.cmpf olt, %sqrt3A, %broadcast_in_dim3A_23 : vector<32x128xf32>
    %select_n3A = arith.select %lt3A, %sqrt3A, %broadcast_in_dim3A_23 : vector<32x128xi1>, vector<32x128xf32>
    %get3A_64 = arith.constant 0 : index
    %get3A_65 = arith.constant 0 : index
    %get3A_66 = arith.constant 0 : index
    %get3A_67 = memref.load %arg2[%get3A_64, %get3A_65, %get3A_66] : memref<1x1x16xi32, #tpu.memory_space<smem>>
    %broadcast_in_dim3A_68 = vector.broadcast %get3A_67 : i32 to vector<32x128xi32>
    %select_n3A_69 = arith.select %lt3A, %broadcast_in_dim3A_68, %broadcast_in_dim3A_25 : vector<32x128xi1>, vector<32x128xi32>
    %get3A_70 = arith.constant 0 : index
    %get3A_71 = arith.constant 1 : index
    %get3A_72 = arith.constant 0 : index
    %get3A_73 = memref.load %arg1[%get3A_70, %get3A_71, %get3A_72] : memref<1x16x4xf32, #tpu.memory_space<smem>>
    %mul3A_74 = arith.constant 0.001953125 : f32
    %mul3A_75 = arith.mulf %get3A_73, %mul3A_74 : f32
    %get3A_76 = arith.constant 0 : index
    %get3A_77 = arith.constant 1 : index
    %get3A_78 = arith.constant 1 : index
    %get3A_79 = memref.load %arg1[%get3A_76, %get3A_77, %get3A_78] : memref<1x16x4xf32, #tpu.memory_space<smem>>
    %mul3A_80 = arith.constant 0.001953125 : f32
    %mul3A_81 = arith.mulf %get3A_79, %mul3A_80 : f32
    %get3A_82 = arith.constant 0 : index
    %get3A_83 = arith.constant 1 : index
    %get3A_84 = arith.constant 2 : index
    %get3A_85 = memref.load %arg1[%get3A_82, %get3A_83, %get3A_84] : memref<1x16x4xf32, #tpu.memory_space<smem>>
    %mul3A_86 = arith.constant 0.001953125 : f32
    %mul3A_87 = arith.mulf %get3A_85, %mul3A_86 : f32
    %get3A_88 = arith.constant 0 : index
    %get3A_89 = arith.constant 1 : index
    %get3A_90 = arith.constant 3 : index
    %get3A_91 = memref.load %arg1[%get3A_88, %get3A_89, %get3A_90] : memref<1x16x4xf32, #tpu.memory_space<smem>>
    %mul3A_92 = arith.constant 0.001953125 : f32
    %mul3A_93 = arith.mulf %get3A_91, %mul3A_92 : f32
    %add3A_94 = arith.addf %mul3A_75, %mul3A_87 : f32
    %mul3A_95 = arith.constant 5.000000e-01 : f32
    %mul3A_96 = arith.mulf %add3A_94, %mul3A_95 : f32
    %sub3A_97 = vector.broadcast %mul3A_96 : f32 to vector<32x128xf32>
    %sub3A_98 = arith.subf %mul3A_13, %sub3A_97 : vector<32x128xf32>
    %add3A_99 = arith.addf %mul3A_81, %mul3A_93 : f32
    %mul3A_100 = arith.constant 5.000000e-01 : f32
    %mul3A_101 = arith.mulf %add3A_99, %mul3A_100 : f32
    %sub3A_102 = vector.broadcast %mul3A_101 : f32 to vector<32x128xf32>
    %sub3A_103 = arith.subf %add3A_22, %sub3A_102 : vector<32x128xf32>
    %mul3A_104 = arith.mulf %sub3A_98, %sub3A_98 : vector<32x128xf32>
    %mul3A_105 = arith.mulf %sub3A_103, %sub3A_103 : vector<32x128xf32>
    %add3A_106 = arith.addf %mul3A_104, %mul3A_105 : vector<32x128xf32>
    %add3A_107 = arith.constant 9.99999996E-13 : f32
    %add3A_108 = vector.broadcast %add3A_107 : f32 to vector<32x128xf32>
    %add3A_109 = arith.addf %add3A_106, %add3A_108 : vector<32x128xf32>
    %sqrt3A_110 = math.sqrt %add3A_109 : vector<32x128xf32>
    %lt3A_111 = arith.cmpf olt, %sqrt3A_110, %select_n3A : vector<32x128xf32>
    %select_n3A_112 = arith.select %lt3A_111, %sqrt3A_110, %select_n3A : vector<32x128xi1>, vector<32x128xf32>
    %get3A_113 = arith.constant 0 : index
    %get3A_114 = arith.constant 0 : index
    %get3A_115 = arith.constant 1 : index
    %get3A_116 = memref.load %arg2[%get3A_113, %get3A_114, %get3A_115] : memref<1x1x16xi32, #tpu.memory_space<smem>>
    %broadcast_in_dim3A_117 = vector.broadcast %get3A_116 : i32 to vector<32x128xi32>
    %select_n3A_118 = arith.select %lt3A_111, %broadcast_in_dim3A_117, %select_n3A_69 : vector<32x128xi1>, vector<32x128xi32>
    %get3A_119 = arith.constant 0 : index
    %get3A_120 = arith.constant 2 : index
    %get3A_121 = arith.constant 0 : index
    %get3A_122 = memref.load %arg1[%get3A_119, %get3A_120, %get3A_121] : memref<1x16x4xf32, #tpu.memory_space<smem>>
    %mul3A_123 = arith.constant 0.001953125 : f32
    %mul3A_124 = arith.mulf %get3A_122, %mul3A_123 : f32
    %get3A_125 = arith.constant 0 : index
    %get3A_126 = arith.constant 2 : index
    %get3A_127 = arith.constant 1 : index
    %get3A_128 = memref.load %arg1[%get3A_125, %get3A_126, %get3A_127] : memref<1x16x4xf32, #tpu.memory_space<smem>>
    %mul3A_129 = arith.constant 0.001953125 : f32
    %mul3A_130 = arith.mulf %get3A_128, %mul3A_129 : f32
    %get3A_131 = arith.constant 0 : index
    %get3A_132 = arith.constant 2 : index
    %get3A_133 = arith.constant 2 : index
    %get3A_134 = memref.load %arg1[%get3A_131, %get3A_132, %get3A_133] : memref<1x16x4xf32, #tpu.memory_space<smem>>
    %mul3A_135 = arith.constant 0.001953125 : f32
    %mul3A_136 = arith.mulf %get3A_134, %mul3A_135 : f32
    %get3A_137 = arith.constant 0 : index
    %get3A_138 = arith.constant 2 : index
    %get3A_139 = arith.constant 3 : index
    %get3A_140 = memref.load %arg1[%get3A_137, %get3A_138, %get3A_139] : memref<1x16x4xf32, #tpu.memory_space<smem>>
    %mul3A_141 = arith.constant 0.001953125 : f32
    %mul3A_142 = arith.mulf %get3A_140, %mul3A_141 : f32
    %add3A_143 = arith.addf %mul3A_124, %mul3A_136 : f32
    %mul3A_144 = arith.constant 5.000000e-01 : f32
    %mul3A_145 = arith.mulf %add3A_143, %mul3A_144 : f32
    %sub3A_146 = vector.broadcast %mul3A_145 : f32 to vector<32x128xf32>
    %sub3A_147 = arith.subf %mul3A_13, %sub3A_146 : vector<32x128xf32>
    %add3A_148 = arith.addf %mul3A_130, %mul3A_142 : f32
    %mul3A_149 = arith.constant 5.000000e-01 : f32
    %mul3A_150 = arith.mulf %add3A_148, %mul3A_149 : f32
    %sub3A_151 = vector.broadcast %mul3A_150 : f32 to vector<32x128xf32>
    %sub3A_152 = arith.subf %add3A_22, %sub3A_151 : vector<32x128xf32>
    %mul3A_153 = arith.mulf %sub3A_147, %sub3A_147 : vector<32x128xf32>
    %mul3A_154 = arith.mulf %sub3A_152, %sub3A_152 : vector<32x128xf32>
    %add3A_155 = arith.addf %mul3A_153, %mul3A_154 : vector<32x128xf32>
    %add3A_156 = arith.constant 9.99999996E-13 : f32
    %add3A_157 = vector.broadcast %add3A_156 : f32 to vector<32x128xf32>
    %add3A_158 = arith.addf %add3A_155, %add3A_157 : vector<32x128xf32>
    %sqrt3A_159 = math.sqrt %add3A_158 : vector<32x128xf32>
    %lt3A_160 = arith.cmpf olt, %sqrt3A_159, %select_n3A_112 : vector<32x128xf32>
    %select_n3A_161 = arith.select %lt3A_160, %sqrt3A_159, %select_n3A_112 : vector<32x128xi1>, vector<32x128xf32>
    %get3A_162 = arith.constant 0 : index
    %get3A_163 = arith.constant 0 : index
    %get3A_164 = arith.constant 2 : index
    %get3A_165 = memref.load %arg2[%get3A_162, %get3A_163, %get3A_164] : memref<1x1x16xi32, #tpu.memory_space<smem>>
    %broadcast_in_dim3A_166 = vector.broadcast %get3A_165 : i32 to vector<32x128xi32>
    %select_n3A_167 = arith.select %lt3A_160, %broadcast_in_dim3A_166, %select_n3A_118 : vector<32x128xi1>, vector<32x128xi32>
    %get3A_168 = arith.constant 0 : index
    %get3A_169 = arith.constant 3 : index
    %get3A_170 = arith.constant 0 : index
    %get3A_171 = memref.load %arg1[%get3A_168, %get3A_169, %get3A_170] : memref<1x16x4xf32, #tpu.memory_space<smem>>
    %mul3A_172 = arith.constant 0.001953125 : f32
    %mul3A_173 = arith.mulf %get3A_171, %mul3A_172 : f32
    %get3A_174 = arith.constant 0 : index
    %get3A_175 = arith.constant 3 : index
    %get3A_176 = arith.constant 1 : index
    %get3A_177 = memref.load %arg1[%get3A_174, %get3A_175, %get3A_176] : memref<1x16x4xf32, #tpu.memory_space<smem>>
    %mul3A_178 = arith.constant 0.001953125 : f32
    %mul3A_179 = arith.mulf %get3A_177, %mul3A_178 : f32
    %get3A_180 = arith.constant 0 : index
    %get3A_181 = arith.constant 3 : index
    %get3A_182 = arith.constant 2 : index
    %get3A_183 = memref.load %arg1[%get3A_180, %get3A_181, %get3A_182] : memref<1x16x4xf32, #tpu.memory_space<smem>>
    %mul3A_184 = arith.constant 0.001953125 : f32
    %mul3A_185 = arith.mulf %get3A_183, %mul3A_184 : f32
    %get3A_186 = arith.constant 0 : index
    %get3A_187 = arith.constant 3 : index
    %get3A_188 = arith.constant 3 : index
    %get3A_189 = memref.load %arg1[%get3A_186, %get3A_187, %get3A_188] : memref<1x16x4xf32, #tpu.memory_space<smem>>
    %mul3A_190 = arith.constant 0.001953125 : f32
    %mul3A_191 = arith.mulf %get3A_189, %mul3A_190 : f32
    %add3A_192 = arith.addf %mul3A_173, %mul3A_185 : f32
    %mul3A_193 = arith.constant 5.000000e-01 : f32
    %mul3A_194 = arith.mulf %add3A_192, %mul3A_193 : f32
    %sub3A_195 = vector.broadcast %mul3A_194 : f32 to vector<32x128xf32>
    %sub3A_196 = arith.subf %mul3A_13, %sub3A_195 : vector<32x128xf32>
    %add3A_197 = arith.addf %mul3A_179, %mul3A_191 : f32
    %mul3A_198 = arith.constant 5.000000e-01 : f32
    %mul3A_199 = arith.mulf %add3A_197, %mul3A_198 : f32
    %sub3A_200 = vector.broadcast %mul3A_199 : f32 to vector<32x128xf32>
    %sub3A_201 = arith.subf %add3A_22, %sub3A_200 : vector<32x128xf32>
    %mul3A_202 = arith.mulf %sub3A_196, %sub3A_196 : vector<32x128xf32>
    %mul3A_203 = arith.mulf %sub3A_201, %sub3A_201 : vector<32x128xf32>
    %add3A_204 = arith.addf %mul3A_202, %mul3A_203 : vector<32x128xf32>
    %add3A_205 = arith.constant 9.99999996E-13 : f32
    %add3A_206 = vector.broadcast %add3A_205 : f32 to vector<32x128xf32>
    %add3A_207 = arith.addf %add3A_204, %add3A_206 : vector<32x128xf32>
    %sqrt3A_208 = math.sqrt %add3A_207 : vector<32x128xf32>
    %lt3A_209 = arith.cmpf olt, %sqrt3A_208, %select_n3A_161 : vector<32x128xf32>
    %select_n3A_210 = arith.select %lt3A_209, %sqrt3A_208, %select_n3A_161 : vector<32x128xi1>, vector<32x128xf32>
    %get3A_211 = arith.constant 0 : index
    %get3A_212 = arith.constant 0 : index
    %get3A_213 = arith.constant 3 : index
    %get3A_214 = memref.load %arg2[%get3A_211, %get3A_212, %get3A_213] : memref<1x1x16xi32, #tpu.memory_space<smem>>
    %broadcast_in_dim3A_215 = vector.broadcast %get3A_214 : i32 to vector<32x128xi32>
    %select_n3A_216 = arith.select %lt3A_209, %broadcast_in_dim3A_215, %select_n3A_167 : vector<32x128xi1>, vector<32x128xi32>
    %get3A_217 = arith.constant 0 : index
    %get3A_218 = arith.constant 4 : index
    %get3A_219 = arith.constant 0 : index
    %get3A_220 = memref.load %arg1[%get3A_217, %get3A_218, %get3A_219] : memref<1x16x4xf32, #tpu.memory_space<smem>>
    %mul3A_221 = arith.constant 0.001953125 : f32
    %mul3A_222 = arith.mulf %get3A_220, %mul3A_221 : f32
    %get3A_223 = arith.constant 0 : index
    %get3A_224 = arith.constant 4 : index
    %get3A_225 = arith.constant 1 : index
    %get3A_226 = memref.load %arg1[%get3A_223, %get3A_224, %get3A_225] : memref<1x16x4xf32, #tpu.memory_space<smem>>
    %mul3A_227 = arith.constant 0.001953125 : f32
    %mul3A_228 = arith.mulf %get3A_226, %mul3A_227 : f32
    %get3A_229 = arith.constant 0 : index
    %get3A_230 = arith.constant 4 : index
    %get3A_231 = arith.constant 2 : index
    %get3A_232 = memref.load %arg1[%get3A_229, %get3A_230, %get3A_231] : memref<1x16x4xf32, #tpu.memory_space<smem>>
    %mul3A_233 = arith.constant 0.001953125 : f32
    %mul3A_234 = arith.mulf %get3A_232, %mul3A_233 : f32
    %get3A_235 = arith.constant 0 : index
    %get3A_236 = arith.constant 4 : index
    %get3A_237 = arith.constant 3 : index
    %get3A_238 = memref.load %arg1[%get3A_235, %get3A_236, %get3A_237] : memref<1x16x4xf32, #tpu.memory_space<smem>>
    %mul3A_239 = arith.constant 0.001953125 : f32
    %mul3A_240 = arith.mulf %get3A_238, %mul3A_239 : f32
    %add3A_241 = arith.addf %mul3A_222, %mul3A_234 : f32
    %mul3A_242 = arith.constant 5.000000e-01 : f32
    %mul3A_243 = arith.mulf %add3A_241, %mul3A_242 : f32
    %sub3A_244 = vector.broadcast %mul3A_243 : f32 to vector<32x128xf32>
    %sub3A_245 = arith.subf %mul3A_13, %sub3A_244 : vector<32x128xf32>
    %add3A_246 = arith.addf %mul3A_228, %mul3A_240 : f32
    %mul3A_247 = arith.constant 5.000000e-01 : f32
    %mul3A_248 = arith.mulf %add3A_246, %mul3A_247 : f32
    %sub3A_249 = vector.broadcast %mul3A_248 : f32 to vector<32x128xf32>
    %sub3A_250 = arith.subf %add3A_22, %sub3A_249 : vector<32x128xf32>
    %mul3A_251 = arith.mulf %sub3A_245, %sub3A_245 : vector<32x128xf32>
    %mul3A_252 = arith.mulf %sub3A_250, %sub3A_250 : vector<32x128xf32>
    %add3A_253 = arith.addf %mul3A_251, %mul3A_252 : vector<32x128xf32>
    %add3A_254 = arith.constant 9.99999996E-13 : f32
    %add3A_255 = vector.broadcast %add3A_254 : f32 to vector<32x128xf32>
    %add3A_256 = arith.addf %add3A_253, %add3A_255 : vector<32x128xf32>
    %sqrt3A_257 = math.sqrt %add3A_256 : vector<32x128xf32>
    %lt3A_258 = arith.cmpf olt, %sqrt3A_257, %select_n3A_210 : vector<32x128xf32>
    %select_n3A_259 = arith.select %lt3A_258, %sqrt3A_257, %select_n3A_210 : vector<32x128xi1>, vector<32x128xf32>
    %get3A_260 = arith.constant 0 : index
    %get3A_261 = arith.constant 0 : index
    %get3A_262 = arith.constant 4 : index
    %get3A_263 = memref.load %arg2[%get3A_260, %get3A_261, %get3A_262] : memref<1x1x16xi32, #tpu.memory_space<smem>>
    %broadcast_in_dim3A_264 = vector.broadcast %get3A_263 : i32 to vector<32x128xi32>
    %select_n3A_265 = arith.select %lt3A_258, %broadcast_in_dim3A_264, %select_n3A_216 : vector<32x128xi1>, vector<32x128xi32>
    %get3A_266 = arith.constant 0 : index
    %get3A_267 = arith.constant 5 : index
    %get3A_268 = arith.constant 0 : index
    %get3A_269 = memref.load %arg1[%get3A_266, %get3A_267, %get3A_268] : memref<1x16x4xf32, #tpu.memory_space<smem>>
    %mul3A_270 = arith.constant 0.001953125 : f32
    %mul3A_271 = arith.mulf %get3A_269, %mul3A_270 : f32
    %get3A_272 = arith.constant 0 : index
    %get3A_273 = arith.constant 5 : index
    %get3A_274 = arith.constant 1 : index
    %get3A_275 = memref.load %arg1[%get3A_272, %get3A_273, %get3A_274] : memref<1x16x4xf32, #tpu.memory_space<smem>>
    %mul3A_276 = arith.constant 0.001953125 : f32
    %mul3A_277 = arith.mulf %get3A_275, %mul3A_276 : f32
    %get3A_278 = arith.constant 0 : index
    %get3A_279 = arith.constant 5 : index
    %get3A_280 = arith.constant 2 : index
    %get3A_281 = memref.load %arg1[%get3A_278, %get3A_279, %get3A_280] : memref<1x16x4xf32, #tpu.memory_space<smem>>
    %mul3A_282 = arith.constant 0.001953125 : f32
    %mul3A_283 = arith.mulf %get3A_281, %mul3A_282 : f32
    %get3A_284 = arith.constant 0 : index
    %get3A_285 = arith.constant 5 : index
    %get3A_286 = arith.constant 3 : index
    %get3A_287 = memref.load %arg1[%get3A_284, %get3A_285, %get3A_286] : memref<1x16x4xf32, #tpu.memory_space<smem>>
    %mul3A_288 = arith.constant 0.001953125 : f32
    %mul3A_289 = arith.mulf %get3A_287, %mul3A_288 : f32
    %add3A_290 = arith.addf %mul3A_271, %mul3A_283 : f32
    %mul3A_291 = arith.constant 5.000000e-01 : f32
    %mul3A_292 = arith.mulf %add3A_290, %mul3A_291 : f32
    %sub3A_293 = vector.broadcast %mul3A_292 : f32 to vector<32x128xf32>
    %sub3A_294 = arith.subf %mul3A_13, %sub3A_293 : vector<32x128xf32>
    %add3A_295 = arith.addf %mul3A_277, %mul3A_289 : f32
    %mul3A_296 = arith.constant 5.000000e-01 : f32
    %mul3A_297 = arith.mulf %add3A_295, %mul3A_296 : f32
    %sub3A_298 = vector.broadcast %mul3A_297 : f32 to vector<32x128xf32>
    %sub3A_299 = arith.subf %add3A_22, %sub3A_298 : vector<32x128xf32>
    %mul3A_300 = arith.mulf %sub3A_294, %sub3A_294 : vector<32x128xf32>
    %mul3A_301 = arith.mulf %sub3A_299, %sub3A_299 : vector<32x128xf32>
    %add3A_302 = arith.addf %mul3A_300, %mul3A_301 : vector<32x128xf32>
    %add3A_303 = arith.constant 9.99999996E-13 : f32
    %add3A_304 = vector.broadcast %add3A_303 : f32 to vector<32x128xf32>
    %add3A_305 = arith.addf %add3A_302, %add3A_304 : vector<32x128xf32>
    %sqrt3A_306 = math.sqrt %add3A_305 : vector<32x128xf32>
    %lt3A_307 = arith.cmpf olt, %sqrt3A_306, %select_n3A_259 : vector<32x128xf32>
    %select_n3A_308 = arith.select %lt3A_307, %sqrt3A_306, %select_n3A_259 : vector<32x128xi1>, vector<32x128xf32>
    %get3A_309 = arith.constant 0 : index
    %get3A_310 = arith.constant 0 : index
    %get3A_311 = arith.constant 5 : index
    %get3A_312 = memref.load %arg2[%get3A_309, %get3A_310, %get3A_311] : memref<1x1x16xi32, #tpu.memory_space<smem>>
    %broadcast_in_dim3A_313 = vector.broadcast %get3A_312 : i32 to vector<32x128xi32>
    %select_n3A_314 = arith.select %lt3A_307, %broadcast_in_dim3A_313, %select_n3A_265 : vector<32x128xi1>, vector<32x128xi32>
    %get3A_315 = arith.constant 0 : index
    %get3A_316 = arith.constant 6 : index
    %get3A_317 = arith.constant 0 : index
    %get3A_318 = memref.load %arg1[%get3A_315, %get3A_316, %get3A_317] : memref<1x16x4xf32, #tpu.memory_space<smem>>
    %mul3A_319 = arith.constant 0.001953125 : f32
    %mul3A_320 = arith.mulf %get3A_318, %mul3A_319 : f32
    %get3A_321 = arith.constant 0 : index
    %get3A_322 = arith.constant 6 : index
    %get3A_323 = arith.constant 1 : index
    %get3A_324 = memref.load %arg1[%get3A_321, %get3A_322, %get3A_323] : memref<1x16x4xf32, #tpu.memory_space<smem>>
    %mul3A_325 = arith.constant 0.001953125 : f32
    %mul3A_326 = arith.mulf %get3A_324, %mul3A_325 : f32
    %get3A_327 = arith.constant 0 : index
    %get3A_328 = arith.constant 6 : index
    %get3A_329 = arith.constant 2 : index
    %get3A_330 = memref.load %arg1[%get3A_327, %get3A_328, %get3A_329] : memref<1x16x4xf32, #tpu.memory_space<smem>>
    %mul3A_331 = arith.constant 0.001953125 : f32
    %mul3A_332 = arith.mulf %get3A_330, %mul3A_331 : f32
    %get3A_333 = arith.constant 0 : index
    %get3A_334 = arith.constant 6 : index
    %get3A_335 = arith.constant 3 : index
    %get3A_336 = memref.load %arg1[%get3A_333, %get3A_334, %get3A_335] : memref<1x16x4xf32, #tpu.memory_space<smem>>
    %mul3A_337 = arith.constant 0.001953125 : f32
    %mul3A_338 = arith.mulf %get3A_336, %mul3A_337 : f32
    %add3A_339 = arith.addf %mul3A_320, %mul3A_332 : f32
    %mul3A_340 = arith.constant 5.000000e-01 : f32
    %mul3A_341 = arith.mulf %add3A_339, %mul3A_340 : f32
    %sub3A_342 = vector.broadcast %mul3A_341 : f32 to vector<32x128xf32>
    %sub3A_343 = arith.subf %mul3A_13, %sub3A_342 : vector<32x128xf32>
    %add3A_344 = arith.addf %mul3A_326, %mul3A_338 : f32
    %mul3A_345 = arith.constant 5.000000e-01 : f32
    %mul3A_346 = arith.mulf %add3A_344, %mul3A_345 : f32
    %sub3A_347 = vector.broadcast %mul3A_346 : f32 to vector<32x128xf32>
    %sub3A_348 = arith.subf %add3A_22, %sub3A_347 : vector<32x128xf32>
    %mul3A_349 = arith.mulf %sub3A_343, %sub3A_343 : vector<32x128xf32>
    %mul3A_350 = arith.mulf %sub3A_348, %sub3A_348 : vector<32x128xf32>
    %add3A_351 = arith.addf %mul3A_349, %mul3A_350 : vector<32x128xf32>
    %add3A_352 = arith.constant 9.99999996E-13 : f32
    %add3A_353 = vector.broadcast %add3A_352 : f32 to vector<32x128xf32>
    %add3A_354 = arith.addf %add3A_351, %add3A_353 : vector<32x128xf32>
    %sqrt3A_355 = math.sqrt %add3A_354 : vector<32x128xf32>
    %lt3A_356 = arith.cmpf olt, %sqrt3A_355, %select_n3A_308 : vector<32x128xf32>
    %select_n3A_357 = arith.select %lt3A_356, %sqrt3A_355, %select_n3A_308 : vector<32x128xi1>, vector<32x128xf32>
    %get3A_358 = arith.constant 0 : index
    %get3A_359 = arith.constant 0 : index
    %get3A_360 = arith.constant 6 : index
    %get3A_361 = memref.load %arg2[%get3A_358, %get3A_359, %get3A_360] : memref<1x1x16xi32, #tpu.memory_space<smem>>
    %broadcast_in_dim3A_362 = vector.broadcast %get3A_361 : i32 to vector<32x128xi32>
    %select_n3A_363 = arith.select %lt3A_356, %broadcast_in_dim3A_362, %select_n3A_314 : vector<32x128xi1>, vector<32x128xi32>
    %get3A_364 = arith.constant 0 : index
    %get3A_365 = arith.constant 7 : index
    %get3A_366 = arith.constant 0 : index
    %get3A_367 = memref.load %arg1[%get3A_364, %get3A_365, %get3A_366] : memref<1x16x4xf32, #tpu.memory_space<smem>>
    %mul3A_368 = arith.constant 0.001953125 : f32
    %mul3A_369 = arith.mulf %get3A_367, %mul3A_368 : f32
    %get3A_370 = arith.constant 0 : index
    %get3A_371 = arith.constant 7 : index
    %get3A_372 = arith.constant 1 : index
    %get3A_373 = memref.load %arg1[%get3A_370, %get3A_371, %get3A_372] : memref<1x16x4xf32, #tpu.memory_space<smem>>
    %mul3A_374 = arith.constant 0.001953125 : f32
    %mul3A_375 = arith.mulf %get3A_373, %mul3A_374 : f32
    %get3A_376 = arith.constant 0 : index
    %get3A_377 = arith.constant 7 : index
    %get3A_378 = arith.constant 2 : index
    %get3A_379 = memref.load %arg1[%get3A_376, %get3A_377, %get3A_378] : memref<1x16x4xf32, #tpu.memory_space<smem>>
    %mul3A_380 = arith.constant 0.001953125 : f32
    %mul3A_381 = arith.mulf %get3A_379, %mul3A_380 : f32
    %get3A_382 = arith.constant 0 : index
    %get3A_383 = arith.constant 7 : index
    %get3A_384 = arith.constant 3 : index
    %get3A_385 = memref.load %arg1[%get3A_382, %get3A_383, %get3A_384] : memref<1x16x4xf32, #tpu.memory_space<smem>>
    %mul3A_386 = arith.constant 0.001953125 : f32
    %mul3A_387 = arith.mulf %get3A_385, %mul3A_386 : f32
    %add3A_388 = arith.addf %mul3A_369, %mul3A_381 : f32
    %mul3A_389 = arith.constant 5.000000e-01 : f32
    %mul3A_390 = arith.mulf %add3A_388, %mul3A_389 : f32
    %sub3A_391 = vector.broadcast %mul3A_390 : f32 to vector<32x128xf32>
    %sub3A_392 = arith.subf %mul3A_13, %sub3A_391 : vector<32x128xf32>
    %add3A_393 = arith.addf %mul3A_375, %mul3A_387 : f32
    %mul3A_394 = arith.constant 5.000000e-01 : f32
    %mul3A_395 = arith.mulf %add3A_393, %mul3A_394 : f32
    %sub3A_396 = vector.broadcast %mul3A_395 : f32 to vector<32x128xf32>
    %sub3A_397 = arith.subf %add3A_22, %sub3A_396 : vector<32x128xf32>
    %mul3A_398 = arith.mulf %sub3A_392, %sub3A_392 : vector<32x128xf32>
    %mul3A_399 = arith.mulf %sub3A_397, %sub3A_397 : vector<32x128xf32>
    %add3A_400 = arith.addf %mul3A_398, %mul3A_399 : vector<32x128xf32>
    %add3A_401 = arith.constant 9.99999996E-13 : f32
    %add3A_402 = vector.broadcast %add3A_401 : f32 to vector<32x128xf32>
    %add3A_403 = arith.addf %add3A_400, %add3A_402 : vector<32x128xf32>
    %sqrt3A_404 = math.sqrt %add3A_403 : vector<32x128xf32>
    %lt3A_405 = arith.cmpf olt, %sqrt3A_404, %select_n3A_357 : vector<32x128xf32>
    %select_n3A_406 = arith.select %lt3A_405, %sqrt3A_404, %select_n3A_357 : vector<32x128xi1>, vector<32x128xf32>
    %get3A_407 = arith.constant 0 : index
    %get3A_408 = arith.constant 0 : index
    %get3A_409 = arith.constant 7 : index
    %get3A_410 = memref.load %arg2[%get3A_407, %get3A_408, %get3A_409] : memref<1x1x16xi32, #tpu.memory_space<smem>>
    %broadcast_in_dim3A_411 = vector.broadcast %get3A_410 : i32 to vector<32x128xi32>
    %select_n3A_412 = arith.select %lt3A_405, %broadcast_in_dim3A_411, %select_n3A_363 : vector<32x128xi1>, vector<32x128xi32>
    %get3A_413 = arith.constant 0 : index
    %get3A_414 = arith.constant 8 : index
    %get3A_415 = arith.constant 0 : index
    %get3A_416 = memref.load %arg1[%get3A_413, %get3A_414, %get3A_415] : memref<1x16x4xf32, #tpu.memory_space<smem>>
    %mul3A_417 = arith.constant 0.001953125 : f32
    %mul3A_418 = arith.mulf %get3A_416, %mul3A_417 : f32
    %get3A_419 = arith.constant 0 : index
    %get3A_420 = arith.constant 8 : index
    %get3A_421 = arith.constant 1 : index
    %get3A_422 = memref.load %arg1[%get3A_419, %get3A_420, %get3A_421] : memref<1x16x4xf32, #tpu.memory_space<smem>>
    %mul3A_423 = arith.constant 0.001953125 : f32
    %mul3A_424 = arith.mulf %get3A_422, %mul3A_423 : f32
    %get3A_425 = arith.constant 0 : index
    %get3A_426 = arith.constant 8 : index
    %get3A_427 = arith.constant 2 : index
    %get3A_428 = memref.load %arg1[%get3A_425, %get3A_426, %get3A_427] : memref<1x16x4xf32, #tpu.memory_space<smem>>
    %mul3A_429 = arith.constant 0.001953125 : f32
    %mul3A_430 = arith.mulf %get3A_428, %mul3A_429 : f32
    %get3A_431 = arith.constant 0 : index
    %get3A_432 = arith.constant 8 : index
    %get3A_433 = arith.constant 3 : index
    %get3A_434 = memref.load %arg1[%get3A_431, %get3A_432, %get3A_433] : memref<1x16x4xf32, #tpu.memory_space<smem>>
    %mul3A_435 = arith.constant 0.001953125 : f32
    %mul3A_436 = arith.mulf %get3A_434, %mul3A_435 : f32
    %add3A_437 = arith.addf %mul3A_418, %mul3A_430 : f32
    %mul3A_438 = arith.constant 5.000000e-01 : f32
    %mul3A_439 = arith.mulf %add3A_437, %mul3A_438 : f32
    %sub3A_440 = vector.broadcast %mul3A_439 : f32 to vector<32x128xf32>
    %sub3A_441 = arith.subf %mul3A_13, %sub3A_440 : vector<32x128xf32>
    %add3A_442 = arith.addf %mul3A_424, %mul3A_436 : f32
    %mul3A_443 = arith.constant 5.000000e-01 : f32
    %mul3A_444 = arith.mulf %add3A_442, %mul3A_443 : f32
    %sub3A_445 = vector.broadcast %mul3A_444 : f32 to vector<32x128xf32>
    %sub3A_446 = arith.subf %add3A_22, %sub3A_445 : vector<32x128xf32>
    %mul3A_447 = arith.mulf %sub3A_441, %sub3A_441 : vector<32x128xf32>
    %mul3A_448 = arith.mulf %sub3A_446, %sub3A_446 : vector<32x128xf32>
    %add3A_449 = arith.addf %mul3A_447, %mul3A_448 : vector<32x128xf32>
    %add3A_450 = arith.constant 9.99999996E-13 : f32
    %add3A_451 = vector.broadcast %add3A_450 : f32 to vector<32x128xf32>
    %add3A_452 = arith.addf %add3A_449, %add3A_451 : vector<32x128xf32>
    %sqrt3A_453 = math.sqrt %add3A_452 : vector<32x128xf32>
    %lt3A_454 = arith.cmpf olt, %sqrt3A_453, %select_n3A_406 : vector<32x128xf32>
    %select_n3A_455 = arith.select %lt3A_454, %sqrt3A_453, %select_n3A_406 : vector<32x128xi1>, vector<32x128xf32>
    %get3A_456 = arith.constant 0 : index
    %get3A_457 = arith.constant 0 : index
    %get3A_458 = arith.constant 8 : index
    %get3A_459 = memref.load %arg2[%get3A_456, %get3A_457, %get3A_458] : memref<1x1x16xi32, #tpu.memory_space<smem>>
    %broadcast_in_dim3A_460 = vector.broadcast %get3A_459 : i32 to vector<32x128xi32>
    %select_n3A_461 = arith.select %lt3A_454, %broadcast_in_dim3A_460, %select_n3A_412 : vector<32x128xi1>, vector<32x128xi32>
    %get3A_462 = arith.constant 0 : index
    %get3A_463 = arith.constant 9 : index
    %get3A_464 = arith.constant 0 : index
    %get3A_465 = memref.load %arg1[%get3A_462, %get3A_463, %get3A_464] : memref<1x16x4xf32, #tpu.memory_space<smem>>
    %mul3A_466 = arith.constant 0.001953125 : f32
    %mul3A_467 = arith.mulf %get3A_465, %mul3A_466 : f32
    %get3A_468 = arith.constant 0 : index
    %get3A_469 = arith.constant 9 : index
    %get3A_470 = arith.constant 1 : index
    %get3A_471 = memref.load %arg1[%get3A_468, %get3A_469, %get3A_470] : memref<1x16x4xf32, #tpu.memory_space<smem>>
    %mul3A_472 = arith.constant 0.001953125 : f32
    %mul3A_473 = arith.mulf %get3A_471, %mul3A_472 : f32
    %get3A_474 = arith.constant 0 : index
    %get3A_475 = arith.constant 9 : index
    %get3A_476 = arith.constant 2 : index
    %get3A_477 = memref.load %arg1[%get3A_474, %get3A_475, %get3A_476] : memref<1x16x4xf32, #tpu.memory_space<smem>>
    %mul3A_478 = arith.constant 0.001953125 : f32
    %mul3A_479 = arith.mulf %get3A_477, %mul3A_478 : f32
    %get3A_480 = arith.constant 0 : index
    %get3A_481 = arith.constant 9 : index
    %get3A_482 = arith.constant 3 : index
    %get3A_483 = memref.load %arg1[%get3A_480, %get3A_481, %get3A_482] : memref<1x16x4xf32, #tpu.memory_space<smem>>
    %mul3A_484 = arith.constant 0.001953125 : f32
    %mul3A_485 = arith.mulf %get3A_483, %mul3A_484 : f32
    %add3A_486 = arith.addf %mul3A_467, %mul3A_479 : f32
    %mul3A_487 = arith.constant 5.000000e-01 : f32
    %mul3A_488 = arith.mulf %add3A_486, %mul3A_487 : f32
    %sub3A_489 = vector.broadcast %mul3A_488 : f32 to vector<32x128xf32>
    %sub3A_490 = arith.subf %mul3A_13, %sub3A_489 : vector<32x128xf32>
    %add3A_491 = arith.addf %mul3A_473, %mul3A_485 : f32
    %mul3A_492 = arith.constant 5.000000e-01 : f32
    %mul3A_493 = arith.mulf %add3A_491, %mul3A_492 : f32
    %sub3A_494 = vector.broadcast %mul3A_493 : f32 to vector<32x128xf32>
    %sub3A_495 = arith.subf %add3A_22, %sub3A_494 : vector<32x128xf32>
    %mul3A_496 = arith.mulf %sub3A_490, %sub3A_490 : vector<32x128xf32>
    %mul3A_497 = arith.mulf %sub3A_495, %sub3A_495 : vector<32x128xf32>
    %add3A_498 = arith.addf %mul3A_496, %mul3A_497 : vector<32x128xf32>
    %add3A_499 = arith.constant 9.99999996E-13 : f32
    %add3A_500 = vector.broadcast %add3A_499 : f32 to vector<32x128xf32>
    %add3A_501 = arith.addf %add3A_498, %add3A_500 : vector<32x128xf32>
    %sqrt3A_502 = math.sqrt %add3A_501 : vector<32x128xf32>
    %lt3A_503 = arith.cmpf olt, %sqrt3A_502, %select_n3A_455 : vector<32x128xf32>
    %select_n3A_504 = arith.select %lt3A_503, %sqrt3A_502, %select_n3A_455 : vector<32x128xi1>, vector<32x128xf32>
    %get3A_505 = arith.constant 0 : index
    %get3A_506 = arith.constant 0 : index
    %get3A_507 = arith.constant 9 : index
    %get3A_508 = memref.load %arg2[%get3A_505, %get3A_506, %get3A_507] : memref<1x1x16xi32, #tpu.memory_space<smem>>
    %broadcast_in_dim3A_509 = vector.broadcast %get3A_508 : i32 to vector<32x128xi32>
    %select_n3A_510 = arith.select %lt3A_503, %broadcast_in_dim3A_509, %select_n3A_461 : vector<32x128xi1>, vector<32x128xi32>
    %get3A_511 = arith.constant 0 : index
    %get3A_512 = arith.constant 10 : index
    %get3A_513 = arith.constant 0 : index
    %get3A_514 = memref.load %arg1[%get3A_511, %get3A_512, %get3A_513] : memref<1x16x4xf32, #tpu.memory_space<smem>>
    %mul3A_515 = arith.constant 0.001953125 : f32
    %mul3A_516 = arith.mulf %get3A_514, %mul3A_515 : f32
    %get3A_517 = arith.constant 0 : index
    %get3A_518 = arith.constant 10 : index
    %get3A_519 = arith.constant 1 : index
    %get3A_520 = memref.load %arg1[%get3A_517, %get3A_518, %get3A_519] : memref<1x16x4xf32, #tpu.memory_space<smem>>
    %mul3A_521 = arith.constant 0.001953125 : f32
    %mul3A_522 = arith.mulf %get3A_520, %mul3A_521 : f32
    %get3A_523 = arith.constant 0 : index
    %get3A_524 = arith.constant 10 : index
    %get3A_525 = arith.constant 2 : index
    %get3A_526 = memref.load %arg1[%get3A_523, %get3A_524, %get3A_525] : memref<1x16x4xf32, #tpu.memory_space<smem>>
    %mul3A_527 = arith.constant 0.001953125 : f32
    %mul3A_528 = arith.mulf %get3A_526, %mul3A_527 : f32
    %get3A_529 = arith.constant 0 : index
    %get3A_530 = arith.constant 10 : index
    %get3A_531 = arith.constant 3 : index
    %get3A_532 = memref.load %arg1[%get3A_529, %get3A_530, %get3A_531] : memref<1x16x4xf32, #tpu.memory_space<smem>>
    %mul3A_533 = arith.constant 0.001953125 : f32
    %mul3A_534 = arith.mulf %get3A_532, %mul3A_533 : f32
    %add3A_535 = arith.addf %mul3A_516, %mul3A_528 : f32
    %mul3A_536 = arith.constant 5.000000e-01 : f32
    %mul3A_537 = arith.mulf %add3A_535, %mul3A_536 : f32
    %sub3A_538 = vector.broadcast %mul3A_537 : f32 to vector<32x128xf32>
    %sub3A_539 = arith.subf %mul3A_13, %sub3A_538 : vector<32x128xf32>
    %add3A_540 = arith.addf %mul3A_522, %mul3A_534 : f32
    %mul3A_541 = arith.constant 5.000000e-01 : f32
    %mul3A_542 = arith.mulf %add3A_540, %mul3A_541 : f32
    %sub3A_543 = vector.broadcast %mul3A_542 : f32 to vector<32x128xf32>
    %sub3A_544 = arith.subf %add3A_22, %sub3A_543 : vector<32x128xf32>
    %mul3A_545 = arith.mulf %sub3A_539, %sub3A_539 : vector<32x128xf32>
    %mul3A_546 = arith.mulf %sub3A_544, %sub3A_544 : vector<32x128xf32>
    %add3A_547 = arith.addf %mul3A_545, %mul3A_546 : vector<32x128xf32>
    %add3A_548 = arith.constant 9.99999996E-13 : f32
    %add3A_549 = vector.broadcast %add3A_548 : f32 to vector<32x128xf32>
    %add3A_550 = arith.addf %add3A_547, %add3A_549 : vector<32x128xf32>
    %sqrt3A_551 = math.sqrt %add3A_550 : vector<32x128xf32>
    %lt3A_552 = arith.cmpf olt, %sqrt3A_551, %select_n3A_504 : vector<32x128xf32>
    %select_n3A_553 = arith.select %lt3A_552, %sqrt3A_551, %select_n3A_504 : vector<32x128xi1>, vector<32x128xf32>
    %get3A_554 = arith.constant 0 : index
    %get3A_555 = arith.constant 0 : index
    %get3A_556 = arith.constant 10 : index
    %get3A_557 = memref.load %arg2[%get3A_554, %get3A_555, %get3A_556] : memref<1x1x16xi32, #tpu.memory_space<smem>>
    %broadcast_in_dim3A_558 = vector.broadcast %get3A_557 : i32 to vector<32x128xi32>
    %select_n3A_559 = arith.select %lt3A_552, %broadcast_in_dim3A_558, %select_n3A_510 : vector<32x128xi1>, vector<32x128xi32>
    %get3A_560 = arith.constant 0 : index
    %get3A_561 = arith.constant 11 : index
    %get3A_562 = arith.constant 0 : index
    %get3A_563 = memref.load %arg1[%get3A_560, %get3A_561, %get3A_562] : memref<1x16x4xf32, #tpu.memory_space<smem>>
    %mul3A_564 = arith.constant 0.001953125 : f32
    %mul3A_565 = arith.mulf %get3A_563, %mul3A_564 : f32
    %get3A_566 = arith.constant 0 : index
    %get3A_567 = arith.constant 11 : index
    %get3A_568 = arith.constant 1 : index
    %get3A_569 = memref.load %arg1[%get3A_566, %get3A_567, %get3A_568] : memref<1x16x4xf32, #tpu.memory_space<smem>>
    %mul3A_570 = arith.constant 0.001953125 : f32
    %mul3A_571 = arith.mulf %get3A_569, %mul3A_570 : f32
    %get3A_572 = arith.constant 0 : index
    %get3A_573 = arith.constant 11 : index
    %get3A_574 = arith.constant 2 : index
    %get3A_575 = memref.load %arg1[%get3A_572, %get3A_573, %get3A_574] : memref<1x16x4xf32, #tpu.memory_space<smem>>
    %mul3A_576 = arith.constant 0.001953125 : f32
    %mul3A_577 = arith.mulf %get3A_575, %mul3A_576 : f32
    %get3A_578 = arith.constant 0 : index
    %get3A_579 = arith.constant 11 : index
    %get3A_580 = arith.constant 3 : index
    %get3A_581 = memref.load %arg1[%get3A_578, %get3A_579, %get3A_580] : memref<1x16x4xf32, #tpu.memory_space<smem>>
    %mul3A_582 = arith.constant 0.001953125 : f32
    %mul3A_583 = arith.mulf %get3A_581, %mul3A_582 : f32
    %add3A_584 = arith.addf %mul3A_565, %mul3A_577 : f32
    %mul3A_585 = arith.constant 5.000000e-01 : f32
    %mul3A_586 = arith.mulf %add3A_584, %mul3A_585 : f32
    %sub3A_587 = vector.broadcast %mul3A_586 : f32 to vector<32x128xf32>
    %sub3A_588 = arith.subf %mul3A_13, %sub3A_587 : vector<32x128xf32>
    %add3A_589 = arith.addf %mul3A_571, %mul3A_583 : f32
    %mul3A_590 = arith.constant 5.000000e-01 : f32
    %mul3A_591 = arith.mulf %add3A_589, %mul3A_590 : f32
    %sub3A_592 = vector.broadcast %mul3A_591 : f32 to vector<32x128xf32>
    %sub3A_593 = arith.subf %add3A_22, %sub3A_592 : vector<32x128xf32>
    %mul3A_594 = arith.mulf %sub3A_588, %sub3A_588 : vector<32x128xf32>
    %mul3A_595 = arith.mulf %sub3A_593, %sub3A_593 : vector<32x128xf32>
    %add3A_596 = arith.addf %mul3A_594, %mul3A_595 : vector<32x128xf32>
    %add3A_597 = arith.constant 9.99999996E-13 : f32
    %add3A_598 = vector.broadcast %add3A_597 : f32 to vector<32x128xf32>
    %add3A_599 = arith.addf %add3A_596, %add3A_598 : vector<32x128xf32>
    %sqrt3A_600 = math.sqrt %add3A_599 : vector<32x128xf32>
    %lt3A_601 = arith.cmpf olt, %sqrt3A_600, %select_n3A_553 : vector<32x128xf32>
    %select_n3A_602 = arith.select %lt3A_601, %sqrt3A_600, %select_n3A_553 : vector<32x128xi1>, vector<32x128xf32>
    %get3A_603 = arith.constant 0 : index
    %get3A_604 = arith.constant 0 : index
    %get3A_605 = arith.constant 11 : index
    %get3A_606 = memref.load %arg2[%get3A_603, %get3A_604, %get3A_605] : memref<1x1x16xi32, #tpu.memory_space<smem>>
    %broadcast_in_dim3A_607 = vector.broadcast %get3A_606 : i32 to vector<32x128xi32>
    %select_n3A_608 = arith.select %lt3A_601, %broadcast_in_dim3A_607, %select_n3A_559 : vector<32x128xi1>, vector<32x128xi32>
    %get3A_609 = arith.constant 0 : index
    %get3A_610 = arith.constant 12 : index
    %get3A_611 = arith.constant 0 : index
    %get3A_612 = memref.load %arg1[%get3A_609, %get3A_610, %get3A_611] : memref<1x16x4xf32, #tpu.memory_space<smem>>
    %mul3A_613 = arith.constant 0.001953125 : f32
    %mul3A_614 = arith.mulf %get3A_612, %mul3A_613 : f32
    %get3A_615 = arith.constant 0 : index
    %get3A_616 = arith.constant 12 : index
    %get3A_617 = arith.constant 1 : index
    %get3A_618 = memref.load %arg1[%get3A_615, %get3A_616, %get3A_617] : memref<1x16x4xf32, #tpu.memory_space<smem>>
    %mul3A_619 = arith.constant 0.001953125 : f32
    %mul3A_620 = arith.mulf %get3A_618, %mul3A_619 : f32
    %get3A_621 = arith.constant 0 : index
    %get3A_622 = arith.constant 12 : index
    %get3A_623 = arith.constant 2 : index
    %get3A_624 = memref.load %arg1[%get3A_621, %get3A_622, %get3A_623] : memref<1x16x4xf32, #tpu.memory_space<smem>>
    %mul3A_625 = arith.constant 0.001953125 : f32
    %mul3A_626 = arith.mulf %get3A_624, %mul3A_625 : f32
    %get3A_627 = arith.constant 0 : index
    %get3A_628 = arith.constant 12 : index
    %get3A_629 = arith.constant 3 : index
    %get3A_630 = memref.load %arg1[%get3A_627, %get3A_628, %get3A_629] : memref<1x16x4xf32, #tpu.memory_space<smem>>
    %mul3A_631 = arith.constant 0.001953125 : f32
    %mul3A_632 = arith.mulf %get3A_630, %mul3A_631 : f32
    %add3A_633 = arith.addf %mul3A_614, %mul3A_626 : f32
    %mul3A_634 = arith.constant 5.000000e-01 : f32
    %mul3A_635 = arith.mulf %add3A_633, %mul3A_634 : f32
    %sub3A_636 = vector.broadcast %mul3A_635 : f32 to vector<32x128xf32>
    %sub3A_637 = arith.subf %mul3A_13, %sub3A_636 : vector<32x128xf32>
    %add3A_638 = arith.addf %mul3A_620, %mul3A_632 : f32
    %mul3A_639 = arith.constant 5.000000e-01 : f32
    %mul3A_640 = arith.mulf %add3A_638, %mul3A_639 : f32
    %sub3A_641 = vector.broadcast %mul3A_640 : f32 to vector<32x128xf32>
    %sub3A_642 = arith.subf %add3A_22, %sub3A_641 : vector<32x128xf32>
    %mul3A_643 = arith.mulf %sub3A_637, %sub3A_637 : vector<32x128xf32>
    %mul3A_644 = arith.mulf %sub3A_642, %sub3A_642 : vector<32x128xf32>
    %add3A_645 = arith.addf %mul3A_643, %mul3A_644 : vector<32x128xf32>
    %add3A_646 = arith.constant 9.99999996E-13 : f32
    %add3A_647 = vector.broadcast %add3A_646 : f32 to vector<32x128xf32>
    %add3A_648 = arith.addf %add3A_645, %add3A_647 : vector<32x128xf32>
    %sqrt3A_649 = math.sqrt %add3A_648 : vector<32x128xf32>
    %lt3A_650 = arith.cmpf olt, %sqrt3A_649, %select_n3A_602 : vector<32x128xf32>
    %select_n3A_651 = arith.select %lt3A_650, %sqrt3A_649, %select_n3A_602 : vector<32x128xi1>, vector<32x128xf32>
    %get3A_652 = arith.constant 0 : index
    %get3A_653 = arith.constant 0 : index
    %get3A_654 = arith.constant 12 : index
    %get3A_655 = memref.load %arg2[%get3A_652, %get3A_653, %get3A_654] : memref<1x1x16xi32, #tpu.memory_space<smem>>
    %broadcast_in_dim3A_656 = vector.broadcast %get3A_655 : i32 to vector<32x128xi32>
    %select_n3A_657 = arith.select %lt3A_650, %broadcast_in_dim3A_656, %select_n3A_608 : vector<32x128xi1>, vector<32x128xi32>
    %get3A_658 = arith.constant 0 : index
    %get3A_659 = arith.constant 13 : index
    %get3A_660 = arith.constant 0 : index
    %get3A_661 = memref.load %arg1[%get3A_658, %get3A_659, %get3A_660] : memref<1x16x4xf32, #tpu.memory_space<smem>>
    %mul3A_662 = arith.constant 0.001953125 : f32
    %mul3A_663 = arith.mulf %get3A_661, %mul3A_662 : f32
    %get3A_664 = arith.constant 0 : index
    %get3A_665 = arith.constant 13 : index
    %get3A_666 = arith.constant 1 : index
    %get3A_667 = memref.load %arg1[%get3A_664, %get3A_665, %get3A_666] : memref<1x16x4xf32, #tpu.memory_space<smem>>
    %mul3A_668 = arith.constant 0.001953125 : f32
    %mul3A_669 = arith.mulf %get3A_667, %mul3A_668 : f32
    %get3A_670 = arith.constant 0 : index
    %get3A_671 = arith.constant 13 : index
    %get3A_672 = arith.constant 2 : index
    %get3A_673 = memref.load %arg1[%get3A_670, %get3A_671, %get3A_672] : memref<1x16x4xf32, #tpu.memory_space<smem>>
    %mul3A_674 = arith.constant 0.001953125 : f32
    %mul3A_675 = arith.mulf %get3A_673, %mul3A_674 : f32
    %get3A_676 = arith.constant 0 : index
    %get3A_677 = arith.constant 13 : index
    %get3A_678 = arith.constant 3 : index
    %get3A_679 = memref.load %arg1[%get3A_676, %get3A_677, %get3A_678] : memref<1x16x4xf32, #tpu.memory_space<smem>>
    %mul3A_680 = arith.constant 0.001953125 : f32
    %mul3A_681 = arith.mulf %get3A_679, %mul3A_680 : f32
    %add3A_682 = arith.addf %mul3A_663, %mul3A_675 : f32
    %mul3A_683 = arith.constant 5.000000e-01 : f32
    %mul3A_684 = arith.mulf %add3A_682, %mul3A_683 : f32
    %sub3A_685 = vector.broadcast %mul3A_684 : f32 to vector<32x128xf32>
    %sub3A_686 = arith.subf %mul3A_13, %sub3A_685 : vector<32x128xf32>
    %add3A_687 = arith.addf %mul3A_669, %mul3A_681 : f32
    %mul3A_688 = arith.constant 5.000000e-01 : f32
    %mul3A_689 = arith.mulf %add3A_687, %mul3A_688 : f32
    %sub3A_690 = vector.broadcast %mul3A_689 : f32 to vector<32x128xf32>
    %sub3A_691 = arith.subf %add3A_22, %sub3A_690 : vector<32x128xf32>
    %mul3A_692 = arith.mulf %sub3A_686, %sub3A_686 : vector<32x128xf32>
    %mul3A_693 = arith.mulf %sub3A_691, %sub3A_691 : vector<32x128xf32>
    %add3A_694 = arith.addf %mul3A_692, %mul3A_693 : vector<32x128xf32>
    %add3A_695 = arith.constant 9.99999996E-13 : f32
    %add3A_696 = vector.broadcast %add3A_695 : f32 to vector<32x128xf32>
    %add3A_697 = arith.addf %add3A_694, %add3A_696 : vector<32x128xf32>
    %sqrt3A_698 = math.sqrt %add3A_697 : vector<32x128xf32>
    %lt3A_699 = arith.cmpf olt, %sqrt3A_698, %select_n3A_651 : vector<32x128xf32>
    %select_n3A_700 = arith.select %lt3A_699, %sqrt3A_698, %select_n3A_651 : vector<32x128xi1>, vector<32x128xf32>
    %get3A_701 = arith.constant 0 : index
    %get3A_702 = arith.constant 0 : index
    %get3A_703 = arith.constant 13 : index
    %get3A_704 = memref.load %arg2[%get3A_701, %get3A_702, %get3A_703] : memref<1x1x16xi32, #tpu.memory_space<smem>>
    %broadcast_in_dim3A_705 = vector.broadcast %get3A_704 : i32 to vector<32x128xi32>
    %select_n3A_706 = arith.select %lt3A_699, %broadcast_in_dim3A_705, %select_n3A_657 : vector<32x128xi1>, vector<32x128xi32>
    %get3A_707 = arith.constant 0 : index
    %get3A_708 = arith.constant 14 : index
    %get3A_709 = arith.constant 0 : index
    %get3A_710 = memref.load %arg1[%get3A_707, %get3A_708, %get3A_709] : memref<1x16x4xf32, #tpu.memory_space<smem>>
    %mul3A_711 = arith.constant 0.001953125 : f32
    %mul3A_712 = arith.mulf %get3A_710, %mul3A_711 : f32
    %get3A_713 = arith.constant 0 : index
    %get3A_714 = arith.constant 14 : index
    %get3A_715 = arith.constant 1 : index
    %get3A_716 = memref.load %arg1[%get3A_713, %get3A_714, %get3A_715] : memref<1x16x4xf32, #tpu.memory_space<smem>>
    %mul3A_717 = arith.constant 0.001953125 : f32
    %mul3A_718 = arith.mulf %get3A_716, %mul3A_717 : f32
    %get3A_719 = arith.constant 0 : index
    %get3A_720 = arith.constant 14 : index
    %get3A_721 = arith.constant 2 : index
    %get3A_722 = memref.load %arg1[%get3A_719, %get3A_720, %get3A_721] : memref<1x16x4xf32, #tpu.memory_space<smem>>
    %mul3A_723 = arith.constant 0.001953125 : f32
    %mul3A_724 = arith.mulf %get3A_722, %mul3A_723 : f32
    %get3A_725 = arith.constant 0 : index
    %get3A_726 = arith.constant 14 : index
    %get3A_727 = arith.constant 3 : index
    %get3A_728 = memref.load %arg1[%get3A_725, %get3A_726, %get3A_727] : memref<1x16x4xf32, #tpu.memory_space<smem>>
    %mul3A_729 = arith.constant 0.001953125 : f32
    %mul3A_730 = arith.mulf %get3A_728, %mul3A_729 : f32
    %add3A_731 = arith.addf %mul3A_712, %mul3A_724 : f32
    %mul3A_732 = arith.constant 5.000000e-01 : f32
    %mul3A_733 = arith.mulf %add3A_731, %mul3A_732 : f32
    %sub3A_734 = vector.broadcast %mul3A_733 : f32 to vector<32x128xf32>
    %sub3A_735 = arith.subf %mul3A_13, %sub3A_734 : vector<32x128xf32>
    %add3A_736 = arith.addf %mul3A_718, %mul3A_730 : f32
    %mul3A_737 = arith.constant 5.000000e-01 : f32
    %mul3A_738 = arith.mulf %add3A_736, %mul3A_737 : f32
    %sub3A_739 = vector.broadcast %mul3A_738 : f32 to vector<32x128xf32>
    %sub3A_740 = arith.subf %add3A_22, %sub3A_739 : vector<32x128xf32>
    %mul3A_741 = arith.mulf %sub3A_735, %sub3A_735 : vector<32x128xf32>
    %mul3A_742 = arith.mulf %sub3A_740, %sub3A_740 : vector<32x128xf32>
    %add3A_743 = arith.addf %mul3A_741, %mul3A_742 : vector<32x128xf32>
    %add3A_744 = arith.constant 9.99999996E-13 : f32
    %add3A_745 = vector.broadcast %add3A_744 : f32 to vector<32x128xf32>
    %add3A_746 = arith.addf %add3A_743, %add3A_745 : vector<32x128xf32>
    %sqrt3A_747 = math.sqrt %add3A_746 : vector<32x128xf32>
    %lt3A_748 = arith.cmpf olt, %sqrt3A_747, %select_n3A_700 : vector<32x128xf32>
    %select_n3A_749 = arith.select %lt3A_748, %sqrt3A_747, %select_n3A_700 : vector<32x128xi1>, vector<32x128xf32>
    %get3A_750 = arith.constant 0 : index
    %get3A_751 = arith.constant 0 : index
    %get3A_752 = arith.constant 14 : index
    %get3A_753 = memref.load %arg2[%get3A_750, %get3A_751, %get3A_752] : memref<1x1x16xi32, #tpu.memory_space<smem>>
    %broadcast_in_dim3A_754 = vector.broadcast %get3A_753 : i32 to vector<32x128xi32>
    %select_n3A_755 = arith.select %lt3A_748, %broadcast_in_dim3A_754, %select_n3A_706 : vector<32x128xi1>, vector<32x128xi32>
    %get3A_756 = arith.constant 0 : index
    %get3A_757 = arith.constant 15 : index
    %get3A_758 = arith.constant 0 : index
    %get3A_759 = memref.load %arg1[%get3A_756, %get3A_757, %get3A_758] : memref<1x16x4xf32, #tpu.memory_space<smem>>
    %mul3A_760 = arith.constant 0.001953125 : f32
    %mul3A_761 = arith.mulf %get3A_759, %mul3A_760 : f32
    %get3A_762 = arith.constant 0 : index
    %get3A_763 = arith.constant 15 : index
    %get3A_764 = arith.constant 1 : index
    %get3A_765 = memref.load %arg1[%get3A_762, %get3A_763, %get3A_764] : memref<1x16x4xf32, #tpu.memory_space<smem>>
    %mul3A_766 = arith.constant 0.001953125 : f32
    %mul3A_767 = arith.mulf %get3A_765, %mul3A_766 : f32
    %get3A_768 = arith.constant 0 : index
    %get3A_769 = arith.constant 15 : index
    %get3A_770 = arith.constant 2 : index
    %get3A_771 = memref.load %arg1[%get3A_768, %get3A_769, %get3A_770] : memref<1x16x4xf32, #tpu.memory_space<smem>>
    %mul3A_772 = arith.constant 0.001953125 : f32
    %mul3A_773 = arith.mulf %get3A_771, %mul3A_772 : f32
    %get3A_774 = arith.constant 0 : index
    %get3A_775 = arith.constant 15 : index
    %get3A_776 = arith.constant 3 : index
    %get3A_777 = memref.load %arg1[%get3A_774, %get3A_775, %get3A_776] : memref<1x16x4xf32, #tpu.memory_space<smem>>
    %mul3A_778 = arith.constant 0.001953125 : f32
    %mul3A_779 = arith.mulf %get3A_777, %mul3A_778 : f32
    %add3A_780 = arith.addf %mul3A_761, %mul3A_773 : f32
    %mul3A_781 = arith.constant 5.000000e-01 : f32
    %mul3A_782 = arith.mulf %add3A_780, %mul3A_781 : f32
    %sub3A_783 = vector.broadcast %mul3A_782 : f32 to vector<32x128xf32>
    %sub3A_784 = arith.subf %mul3A_13, %sub3A_783 : vector<32x128xf32>
    %add3A_785 = arith.addf %mul3A_767, %mul3A_779 : f32
    %mul3A_786 = arith.constant 5.000000e-01 : f32
    %mul3A_787 = arith.mulf %add3A_785, %mul3A_786 : f32
    %sub3A_788 = vector.broadcast %mul3A_787 : f32 to vector<32x128xf32>
    %sub3A_789 = arith.subf %add3A_22, %sub3A_788 : vector<32x128xf32>
    %mul3A_790 = arith.mulf %sub3A_784, %sub3A_784 : vector<32x128xf32>
    %mul3A_791 = arith.mulf %sub3A_789, %sub3A_789 : vector<32x128xf32>
    %add3A_792 = arith.addf %mul3A_790, %mul3A_791 : vector<32x128xf32>
    %add3A_793 = arith.constant 9.99999996E-13 : f32
    %add3A_794 = vector.broadcast %add3A_793 : f32 to vector<32x128xf32>
    %add3A_795 = arith.addf %add3A_792, %add3A_794 : vector<32x128xf32>
    %sqrt3A_796 = math.sqrt %add3A_795 : vector<32x128xf32>
    %lt3A_797 = arith.cmpf olt, %sqrt3A_796, %select_n3A_749 : vector<32x128xf32>
    %select_n3A_798 = arith.select %lt3A_797, %sqrt3A_796, %select_n3A_749 : vector<32x128xi1>, vector<32x128xf32>
    %get3A_799 = arith.constant 0 : index
    %get3A_800 = arith.constant 0 : index
    %get3A_801 = arith.constant 15 : index
    %get3A_802 = memref.load %arg2[%get3A_799, %get3A_800, %get3A_801] : memref<1x1x16xi32, #tpu.memory_space<smem>>
    %broadcast_in_dim3A_803 = vector.broadcast %get3A_802 : i32 to vector<32x128xi32>
    %select_n3A_804 = arith.select %lt3A_797, %broadcast_in_dim3A_803, %select_n3A_755 : vector<32x128xi1>, vector<32x128xi32>
    %lt3A_805 = arith.constant 2.343750e-02 : f32
    %lt3A_806 = vector.broadcast %lt3A_805 : f32 to vector<32x128xf32>
    %lt3A_807 = arith.cmpf olt, %select_n3A_798, %lt3A_806 : vector<32x128xf32>
    %jit3A = arith.constant 0 : i32
    %broadcast_in_dim3A_808 = vector.broadcast %jit3A : i32 to vector<32x128xi32>
    %select_n3A_809 = arith.select %lt3A_807, %select_n3A_804, %broadcast_in_dim3A_808 : vector<32x128xi1>, vector<32x128xi32>
    %convert_element_type3A_810 = arith.sitofp %select_n3A_809 : vector<32x128xi32> to vector<32x128xf32>
    %get3A_811 = arith.constant 0 : index
    %get3A_812 = arith.constant 0 : index
    %get3A_813 = vector.load %arg5[%get3A_811, %get3A_812] : memref<4096x32xf32, #tpu.memory_space<vmem>>, vector<4096x32xf32>
    %dot_general3A = arith.constant dense<0.000000e+00> : vector<4096x128xf32>
    %dot_general3A_814 = tpu.matmul %get3A_813, %convert_element_type3A_810, %dot_general3A {dimension_numbers = #tpu.dot_dimension_numbers<[1], [0], [0], [1], [0, 0, 1, 1], [], []>, transpose_lhs_hint = false} : vector<4096x32xf32>, vector<32x128xf32>, vector<4096x128xf32> -> vector<4096x128xf32>
    %broadcast_in_dim3A_815 = arith.constant 1.000000e+00 : f32
    %broadcast_in_dim3A_816 = vector.broadcast %broadcast_in_dim3A_815 : f32 to vector<128x1xf32>
    %get3A_817 = arith.constant 0 : index
    %get3A_818 = arith.constant 0 : index
    %get3A_819 = vector.load %arg6[%get3A_817, %get3A_818] : memref<4096x128xf32, #tpu.memory_space<vmem>>, vector<4096x128xf32>
    %mul3A_820 = arith.mulf %dot_general3A_814, %get3A_819 : vector<4096x128xf32>
    %dot_general3A_821 = arith.constant dense<0.000000e+00> : vector<4096x1xf32>
    %dot_general3A_822 = tpu.matmul %mul3A_820, %broadcast_in_dim3A_816, %dot_general3A_821 {dimension_numbers = #tpu.dot_dimension_numbers<[1], [0], [0], [1], [0, 0, 1, 1], [], []>, transpose_lhs_hint = false} : vector<4096x128xf32>, vector<128x1xf32>, vector<4096x1xf32> -> vector<4096x1xf32>
    %convert_element_type3A_823 = arith.fptosi %dot_general3A_822 : vector<4096x1xf32> to vector<4096x1xi32>
    %get3A_824 = arith.constant 0 : index
    %get3A_825 = arith.constant 0 : index
    %get3A_826 = arith.constant 0 : index
    %get3A_827 = vector.load %arg3[%get3A_824, %get3A_825, %get3A_826] : memref<1x4096x80xf32, #tpu.memory_space<vmem>>, vector<1x4096x80xf32>
    %get3A_828 = vector.shape_cast %get3A_827 : vector<1x4096x80xf32> to vector<4096x80xf32>
    %iota3A_829 = tpu.iota {dimensions = array<i32: 1>} : vector<4096x80xi32>
    %eq3A_830 = vector.broadcast %convert_element_type3A_823 : vector<4096x1xi32> to vector<4096x80xi32>
    %eq3A_831 = arith.cmpi eq, %iota3A_829, %eq3A_830 : vector<4096x80xi32>
    %jit3A_832 = arith.constant 0.000000e+00 : f32
    %broadcast_in_dim3A_833 = vector.broadcast %jit3A_832 : f32 to vector<4096x80xf32>
    %select_n3A_834 = arith.select %eq3A_831, %get3A_828, %broadcast_in_dim3A_833 : vector<4096x80xi1>, vector<4096x80xf32>
    %exp3A = math.exp %get3A_828 : vector<4096x80xf32>
    %broadcast_in_dim3A_835 = arith.constant 1.000000e+00 : f32
    %broadcast_in_dim3A_836 = vector.broadcast %broadcast_in_dim3A_835 : f32 to vector<80x128xf32>
    %convert_element_type3A_837 = arith.truncf %exp3A : vector<4096x80xf32> to vector<4096x80xbf16>
    %convert_element_type3A_838 = arith.extf %convert_element_type3A_837 : vector<4096x80xbf16> to vector<4096x80xf32>
    %sub3A_839 = arith.subf %exp3A, %convert_element_type3A_838 : vector<4096x80xf32>
    %dot_general3A_840 = arith.constant dense<0.000000e+00> : vector<4096x128xf32>
    %dot_general3A_841 = tpu.matmul %convert_element_type3A_838, %broadcast_in_dim3A_836, %dot_general3A_840 {dimension_numbers = #tpu.dot_dimension_numbers<[1], [0], [0], [1], [0, 0, 1, 1], [], []>, transpose_lhs_hint = false} : vector<4096x80xf32>, vector<80x128xf32>, vector<4096x128xf32> -> vector<4096x128xf32>
    %dot_general3A_842 = arith.constant dense<0.000000e+00> : vector<4096x128xf32>
    %dot_general3A_843 = tpu.matmul %sub3A_839, %broadcast_in_dim3A_836, %dot_general3A_842 {dimension_numbers = #tpu.dot_dimension_numbers<[1], [0], [0], [1], [0, 0, 1, 1], [], []>, transpose_lhs_hint = false} : vector<4096x80xf32>, vector<80x128xf32>, vector<4096x128xf32> -> vector<4096x128xf32>
    %add3A_844 = arith.addf %dot_general3A_841, %dot_general3A_843 : vector<4096x128xf32>
    %slice3A = vector.extract_strided_slice %add3A_844 {offsets = [0, 0], sizes = [4096, 1], strides = [1, 1]} : vector<4096x128xf32> to vector<4096x1xf32>
    %convert_element_type3A_845 = arith.truncf %select_n3A_834 : vector<4096x80xf32> to vector<4096x80xbf16>
    %convert_element_type3A_846 = arith.extf %convert_element_type3A_845 : vector<4096x80xbf16> to vector<4096x80xf32>
    %sub3A_847 = arith.subf %select_n3A_834, %convert_element_type3A_846 : vector<4096x80xf32>
    %dot_general3A_848 = arith.constant dense<0.000000e+00> : vector<4096x128xf32>
    %dot_general3A_849 = tpu.matmul %convert_element_type3A_846, %broadcast_in_dim3A_836, %dot_general3A_848 {dimension_numbers = #tpu.dot_dimension_numbers<[1], [0], [0], [1], [0, 0, 1, 1], [], []>, transpose_lhs_hint = false} : vector<4096x80xf32>, vector<80x128xf32>, vector<4096x128xf32> -> vector<4096x128xf32>
    %dot_general3A_850 = arith.constant dense<0.000000e+00> : vector<4096x128xf32>
    %dot_general3A_851 = tpu.matmul %sub3A_847, %broadcast_in_dim3A_836, %dot_general3A_850 {dimension_numbers = #tpu.dot_dimension_numbers<[1], [0], [0], [1], [0, 0, 1, 1], [], []>, transpose_lhs_hint = false} : vector<4096x80xf32>, vector<80x128xf32>, vector<4096x128xf32> -> vector<4096x128xf32>
    %add3A_852 = arith.addf %dot_general3A_849, %dot_general3A_851 : vector<4096x128xf32>
    %slice3A_853 = vector.extract_strided_slice %add3A_852 {offsets = [0, 0], sizes = [4096, 1], strides = [1, 1]} : vector<4096x128xf32> to vector<4096x1xf32>
    %log3A = math.log %slice3A : vector<4096x1xf32>
    %sub3A_854 = arith.subf %log3A, %slice3A_853 : vector<4096x1xf32>
    %neg3A = arith.constant 0.000000e+00 : f32
    %neg3A_855 = vector.broadcast %neg3A : f32 to vector<4096x1xf32>
    %neg3A_856 = arith.subf %neg3A_855, %sub3A_854 : vector<4096x1xf32>
    %exp3A_857 = math.exp %neg3A_856 : vector<4096x1xf32>
    %sub3A_858 = arith.constant 1.000000e+00 : f32
    %sub3A_859 = vector.broadcast %sub3A_858 : f32 to vector<4096x1xf32>
    %sub3A_860 = arith.subf %sub3A_859, %exp3A_857 : vector<4096x1xf32>
    %mul3A_861 = arith.constant 2.500000e-01 : f32
    %mul3A_862 = vector.broadcast %mul3A_861 : f32 to vector<4096x1xf32>
    %mul3A_863 = arith.mulf %mul3A_862, %sub3A_860 : vector<4096x1xf32>
    %mul3A_864 = arith.mulf %mul3A_863, %sub3A_860 : vector<4096x1xf32>
    %mul3A_865 = arith.mulf %mul3A_864, %sub3A_854 : vector<4096x1xf32>
    %get3A_866 = arith.constant 0 : index
    %get3A_867 = arith.constant 0 : index
    %get3A_868 = vector.load %arg4[%get3A_866, %get3A_867] : memref<1x1xf32, #tpu.memory_space<vmem>>, vector<1x1xf32>
    %reduce_sum3A = vector.shape_cast %mul3A_865 : vector<4096x1xf32> to vector<1x4096x1xf32>
    %reduce_sum3A_869 = arith.constant dense<0.000000e+00> : vector<1xf32>
    %reduce_sum3A_870 = vector.multi_reduction <add>, %reduce_sum3A, %reduce_sum3A_869 [1, 2] : vector<1x4096x1xf32> to vector<1xf32>
    %reduce_sum3A_871 = vector.shape_cast %reduce_sum3A_870 : vector<1xf32> to vector<1x1x1xf32>
    %reduce_sum3A_872 = vector.extract %reduce_sum3A_871[0, 0, 0] : f32 from vector<1x1x1xf32>
    %mul3A_873 = arith.constant 2.44140625E-4 : f32
    %mul3A_874 = arith.mulf %reduce_sum3A_872, %mul3A_873 : f32
    %reshape3A = vector.broadcast %mul3A_874 : f32 to vector<1x1xf32>
    %add3A_875 = arith.addf %get3A_868, %reshape3A : vector<1x1xf32>
    %swap3A = arith.constant 0 : index
    %swap3A_876 = arith.constant 0 : index
    %swap3A_877 = vector.load %arg4[%swap3A, %swap3A_876] : memref<1x1xf32, #tpu.memory_space<vmem>>, vector<1x1xf32>
    tpu.vector_store %arg4[%swap3A, %swap3A_876], %add3A_875 {strides = array<i32>} : memref<1x1xf32, #tpu.memory_space<vmem>>, vector<1x1xf32>,
    return
  }
  func.func @transform_0(%arg0: i32) -> (i32, i32, i32) {
    %c0_i32 = arith.constant 0 : i32
    %c0_i32_0 = arith.constant 0 : i32
    %c0_i32_1 = arith.constant 0 : i32
    return %arg0, %c0_i32, %c0_i32_0 : i32, i32, i32
  }
  func.func @transform_1(%arg0: i32) -> (i32, i32, i32) {
    %c0_i32 = arith.constant 0 : i32
    %c0_i32_0 = arith.constant 0 : i32
    %c0_i32_1 = arith.constant 0 : i32
    return %arg0, %c0_i32, %c0_i32_0 : i32, i32, i32
  }
  func.func @transform_2(%arg0: i32) -> (i32, i32, i32) {
    %c0_i32 = arith.constant 0 : i32
    %c0_i32_0 = arith.constant 0 : i32
    %c0_i32_1 = arith.constant 0 : i32
    return %arg0, %c0_i32, %c0_i32_0 : i32, i32, i32
  }
  func.func @transform_3(%arg0: i32) -> (i32, i32) {
    %c0_i32 = arith.constant 0 : i32
    %c0_i32_0 = arith.constant 0 : i32
    %c0_i32_1 = arith.constant 0 : i32
    return %c0_i32, %c0_i32_0 : i32, i32
  }
}

</mosaic_0001>

<sc_bundles>
// kernel: kernel.4.cloned.1.call-start
scs
__scs_entry_jumppad:
0x0: {  	(pc) =	sbr.rel $0x88, $3  }
0x1: {  	(tag) =	ssettag $0x0;
	lr =	simm.s32 $0x1  }
0x2: {  	[smem:$0x3F9C] =	sst lr;
	_ =	strace $0xD0000000  }
0x3: {  	_ = 	snop  }
0x4: {  	_ = 	snop  }
0x5: {  	_ = 	snop  }
0x6: {  	_ = 	snop  }
0x7: {  	_ = 	snop  }
__scs_overlays_trampoline_lowered:
0x8: {  	[smem:$0x3FAB] =	sst s0  }
0x9: {  	[smem:$0x3FAC] =	sst s1  }
0xa: {  	[smem:$0x3FAD] =	sst s2  }
0xb: {  	[smem:$0x3FAE] =	sst s3  }
0xc: {  	[smem:$0x3FAF] =	sst s4  }
0xd: {  	[smem:$0x3FB0] =	sst s5  }
0xe: {  	[smem:$0x3FB1] =	sst s6  }
0xf: {  	[smem:$0x3FB2] =	sst s7  }
0x10: {  	[smem:$0x3FB3] =	sst s8  }
0x11: {  	[smem:$0x3FB4] =	sst s9;
	s0 =	simm.s32 @!p0 $0x0  }
0x12: {  	s1 =	sld [smem:$0x3F9A];
	s0 =	simm.s32 @p0 $0x1  }
0x13: {  	[smem:$0x3FB5] =	sst s0;
	s0 =	simm.s32 @!p1 $0x0  }
0x14: {  	s2 =	sld [smem:$0x3F99];
	s0 =	simm.s32 @p1 $0x1  }
0x15: {  	[smem:$0x3FB6] =	sst s0;
	s0 =	simm.s32 @!p2 $0x0  }
0x16: {  	s3 =	sld [smem:$0x3FDB];
	s0 =	simm.s32 @p2 $0x1  }
0x17: {  	s4 =	simm.s32 $0x1BF5;
	[smem:$0x3FB8] =	sst s0  }
0x18: {  	s0 =	sld [smem:$0x3F9B];
	_ =	swait.ge [sflag:s4], $0x0  }
0x19: {  	s7 =	sld [smem:$0x3F9C]  }
0x1a: {  	s8 =	sadd.s32 $0xFFFFE003, lr  }
0x1b: {  	s9 =	sadd.s32 $0xFFFFFEF7, lr;
	s5 =	simm.s32 $0xFFFFFFFF;
	p2 =	slt.u32 s8, $0xFFFFF086  }
0x1c: {  	p1 =	slt.u32 s9, $0xF7A;
	s5 =	simm.s32 @!p2 $0x0  }
0x1d: {  	s5 =	simm.s32 @p1 $0x1;
	p0 =	seq.s32 s7, s2  }
0x1e: {  	s7 =	smul.u32 @!p0 $0xF7A, s2;
	p2 =	seq.s32 @!p0 s5, $0x0  }
0x1f: {  	s9 =	smul.u32 $0xF7A, s1;
	s8 =	simm.s32 @!p0 $0x1BF5;
	p2 =	por !p2, p0  }
0x20: {  	[sflag:s8] =	ssyncset.s32 @!p0 $0xFFFFF086;
	s6 =	sadd.s32 @!p0 s3, s7;
	s7 =	simm.s32 @!p0 $0x108  }
0x21: {  	s3 =	sadd.s32 s3, s9;
	s6 =	sadd.s32 @!p0 $0x88, s6;
	s7 =	simm.s32 @p2 $0x1082  }
0x22: {  	[simem:s7], [sflag:s8] =	dma.local @!p0 [hbm:s6], $0xF7A  }
0x23: {  	s9 =	sor.u32 $0xD0000000, s2;
	s6 =	simm.s32 $0x108;
	_ =	swait.ge @!p0 [sflag:s8], $0x0  }
0x24: {  	s3 =	sadd.s32 $0x88, s3;
	s6 =	simm.s32 @!p1 $0x1082;
	[sflag:s4] =	ssyncset.s32 $0xFFFFF086  }
0x25: {  	[simem:s6], [sflag:s4] =	dma.local [hbm:s3], $0xF7A  }
0x26: {  	[smem:$0x3F9C] =	sst s1;
	(tag) =	ssettag s2;
	_ =	strace s9  }
0x27: {  	s1 =	sld [smem:$0x3FAC]  }
0x28: {  	s2 =	sld [smem:$0x3FAD]  }
0x29: {  	s4 =	sld [smem:$0x3FAF]  }
0x2a: {  	p0 =	seq.s32 s5, $0x0;
	s5 =	sld [smem:$0x3FB0]  }
0x2b: {  	s6 =	sld [smem:$0x3FB1]  }
0x2c: {  	s7 =	sld [smem:$0x3FB2]  }
0x2d: {  	s3 =	simm.s32 $0x108;
	s8 =	sld [smem:$0x3FB3]  }
0x2e: {  	s3 =	simm.s32 @!p0 $0x1082;
	s9 =	sld [smem:$0x3FB4]  }
0x2f: {  	lr =	sadd.s32 s0, s3;
	s0 =	sld [smem:$0x3FAB]  }
0x30: {  	s3 =	sld [smem:$0x3FAE]  }
0x31: {  	[smem:$0x3FB7] =	sst s10  }
0x32: {  	s10 =	sld [smem:$0x3FB5];
	_ =	sdelay $0x3  }
0x33: {  	p0 =	seq.s32 s10, $0x1;
	s10 =	sld [smem:$0x3FB7];
	_ =	sdelay $0x3  }
0x34: {  	[smem:$0x3FB7] =	sst s10  }
0x35: {  	s10 =	sld [smem:$0x3FB6];
	_ =	sdelay $0x3  }
0x36: {  	p1 =	seq.s32 s10, $0x1;
	s10 =	sld [smem:$0x3FB7];
	_ =	sdelay $0x3  }
0x37: {  	[smem:$0x3FB7] =	sst s10  }
0x38: {  	s10 =	sld [smem:$0x3FB8]  }
0x39: {  	_ = 	snop;
	(pc) =	sbr.ind lr, $3  }
0x3a: {  	_ = 	snop  }
0x3b: {  	_ = 	snop  }
0x3c: {  	p2 =	seq.s32 s10, $0x1;
	s10 =	sld [smem:$0x3FB7]  }
0x3d: {  	_ =	shalt  }
0x3e: {  	_ =	shalt  }
0x3f: {  	_ =	shalt  }
0x40: {  	_ =	shalt  }
0x41: {  	_ =	shalt  }
0x42: {  	_ =	shalt  }
0x43: {  	_ =	shalt  }
0x44: {  	_ =	shalt  }
0x45: {  	_ =	shalt  }
0x46: {  	_ =	shalt  }
0x47: {  	_ =	shalt  }
0x48: {  	_ =	shalt  }
0x49: {  	_ =	shalt  }
0x4a: {  	_ =	shalt  }
0x4b: {  	_ =	shalt  }
0x4c: {  	_ =	shalt  }
0x4d: {  	_ =	shalt  }
0x4e: {  	_ =	shalt  }
0x4f: {  	_ =	shalt  }
0x50: {  	_ =	shalt  }
0x51: {  	_ =	shalt  }
0x52: {  	_ =	shalt  }
0x53: {  	_ =	shalt  }
0x54: {  	_ =	shalt  }
0x55: {  	_ =	shalt  }
0x56: {  	_ =	shalt  }
0x57: {  	_ =	shalt  }
0x58: {  	_ =	shalt  }
0x59: {  	_ =	shalt  }
0x5a: {  	_ =	shalt  }
0x5b: {  	_ =	shalt  }
0x5c: {  	_ =	shalt  }
0x5d: {  	_ =	shalt  }
0x5e: {  	_ =	shalt  }
0x5f: {  	_ =	shalt  }
0x60: {  	_ =	shalt  }
0x61: {  	_ =	shalt  }
0x62: {  	_ =	shalt  }
0x63: {  	_ =	shalt  }
0x64: {  	_ =	shalt  }
0x65: {  	_ =	shalt  }
0x66: {  	_ =	shalt  }
0x67: {  	_ =	shalt  }
0x68: {  	_ =	shalt  }
0x69: {  	_ =	shalt  }
0x6a: {  	_ =	shalt  }
0x6b: {  	_ =	shalt  }
0x6c: {  	_ =	shalt  }
0x6d: {  	_ =	shalt  }
0x6e: {  	_ =	shalt  }
0x6f: {  	_ =	shalt  }
0x70: {  	_ =	shalt  }
0x71: {  	_ =	shalt  }
0x72: {  	_ =	shalt  }
0x73: {  	_ =	shalt  }
0x74: {  	_ =	shalt  }
0x75: {  	_ =	shalt  }
0x76: {  	_ =	shalt  }
0x77: {  	_ =	shalt  }
0x78: {  	_ =	shalt  }
0x79: {  	_ =	shalt  }
0x7a: {  	_ =	shalt  }
0x7b: {  	_ =	shalt  }
0x7c: {  	_ =	shalt  }
0x7d: {  	_ =	shalt  }
0x7e: {  	_ =	shalt  }
0x7f: {  	_ =	shalt  }
0x80: {  	_ =	shalt  }
0x81: {  	_ =	shalt  }
0x82: {  	_ =	shalt  }
0x83: {  	_ =	shalt  }
0x84: {  	_ =	shalt  }
0x85: {  	_ =	shalt  }
0x86: {  	_ =	shalt  }
0x87: {  	_ =	shalt  }
.Lfunc_end0:
.L_simem_size_0:
called_computation_lowered:
.L_overlay_start_0:
0x88: {  	s2 =	sld [smem:$0x3FD9]  }
0x89: {  	s3 =	sld [smem:$0x3FFE];
	_ =	sdelay $0x1  }
0x8a: {  	s1 =	srdreg.scid  }
0x8b: {  	s0 =	sand.u32 $0x1, s1  }
0x8c: {  	s17 =	sshll.u32 s0, $0xA;
	s2 =	sadd.s32 s3, s2  }
0x8d: {  	s2 =	sadd.s32 s2, s17  }
0x8e: {  	[smem:$0x3FC3] =	sst s2  }
0x8f: {  	_ = 	snop  }
0x90: {  	s2 =	sld [smem:$0x3FC7];
	(tm) =	ssettm $0x1  }
0x91: {  	s18 =	sld [smem:$0x3FFB];
	_ =	sdelay $0x3  }
0x92: {  	_ =	strace s18  }
0x93: {  	s3 =	sld [smem:$0x3FFC];
	_ =	sdelay $0x3  }
0x94: {  	_ =	strace s3  }
0x95: {  	s3 =	sld [smem:$0x3FFD];
	_ =	sdelay $0x3  }
0x96: {  	_ =	strace s3  }
0x97: {  	_ =	strace $0x8FFFFFFF  }
0x98: {  	s19 =	sld [smem:$0x3FDB];
	_ =	sdelay $0x1  }
0x99: {  	s4 =	simm.s32 $_scs_section_size  }
0x9a: {  	s5 =	simm.s32 $_size__tile_overlayer_lowered;
	s6 =	simm.s32 $_tile_overlayer_lowered  }
0x9b: {  	s22 =	simm.s32 $0x1BFF;
	s21 =	sshll.u32 s6, $0x1;
	s3 =	sadd.s32 s4, s19  }
0x9c: {  	s7 =	simm.s32 $0x0;
	s20 =	sshll.u32 s5, $0x1;
	s5 =	sadd.s32 s21, s3  }
0x9d: {  	[timem:s7], [sflag:s22] =	dma.local [hbm:s5], s20  }
0x9e: {  	_ =	swait.ge [sflag:s22], s20  }
0x9f: {  	s4 =	ssub.s32 $0x0, s20;
	[sflag:s22] =	ssyncset.done $0x0  }
0xa0: {  	[sflag:s22] =	ssyncadd.s32 s4;
	_ =	sdelay $0x1  }
0xa1: {  	s23 =	simm.s32 $0x1B8B  }
0xa2: {  	_ =	swait.ge [sflag:s23], $0x1  }
0xa3: {  	[sflag:s23] =	ssyncset.done $0x0  }
0xa4: {  	s25 =	simm.s32 $0x1B8E;
	s24 =	sld [smem:$0x3FFE];
	[sflag:s23] =	ssyncadd.s32 $0xFFFFFFFF  }
0xa5: {  	s26 =	simm.s32 $execute0_lowered;
	[smem:$0x3FD2] =	sst s25  }
0xa6: {  	s5 =	sshll.u32 s26, $0x1;
	_ =	strace $0x80000046;
	[dreg:$0x1] =	wrdreg $0xFFFFFFFF  }
0xa7: {  	s28 =	simm.s32 $_size_execute0_lowered;
	s3 =	sadd.s32 s3, s5;
	[dreg:$0x0] =	wrdreg $0x0  }
0xa8: {  	s5 =	sshll.u32 s28, $0x1;
	[dreg:$0x2] =	wrdreg s3  }
0xa9: {  	[dreg:$0x3] =	wrdreg s5  }
0xaa: {  	[dreg:$0x4] =	wrdreg $0xC0  }
0xab: {  	_ =	task [dreg:s7], $0x5FFFF  }
0xac: {  	[dreg:$0x1] =	wrdreg $0xFFFFFFFF  }
0xad: {  	[dreg:$0x0] =	wrdreg $0x60  }
0xae: {  	[dreg:$0x2] =	wrdreg s24  }
0xaf: {  	[dreg:$0x3] =	wrdreg s2  }
0xb0: {  	[dreg:$0x4] =	wrdreg $0x31000  }
0xb1: {  	[dreg:$0x5] =	wrdreg $0x9  }
0xb2: {  	_ =	task.clear_ibuf [dreg:s7], $0x6FFFF;
	_ =	strace $0x90000046  }
0xb3: {  	s29 =	simm.s32 $0x9;
	_ =	strace $0x80000048  }
0xb4: {  	_ =	swait.ge [sflag:s29], $0x1  }
0xb5: {  	[sflag:s29] =	ssyncadd.s32 $0xFFFFFFFF  }
0xb6: {  	_ =	strace $0x90000048  }
0xb7: {  	_ =	sfence  }
0xb8: {  	s30 =	sld [smem:$0x0];
	_ =	sdelay $0x2  }
0xb9: {  	s31 =	sshll.u32 s1, $0xD;
	s1 =	sshrl.u32 s1, $0x2  }
0xba: {  	s3 =	sand.u32 $0x4000, s31;
	s1 =	sadd.s32 s1, s30  }
0xbb: {  	s0 =	sor.u32 s3, s0;
	s1 =	sshll.u32 s1, $0x11  }
0xbc: {  	s0 =	sor.u32 s1, s0  }
0xbd: {  	s0 =	sadd.s32 $0x8F2B, s0  }
0xbe: {  	[sflag:s0] =	ssyncadd.remote.s32 $0x1  }
0xbf: {  	_ =	sfence.sel $0xFFFF  }
0xc0: {  	[dreg:$0x0] =	wrdreg $0xFFFFFFFF;
	(pc) =	sbr.abs _section_cstart, $3  }
0xc1: {  	[dreg:$0x1] =	wrdreg $0xFFFFFFFF  }
0xc2: {  	_ =	task.clear_ibuf [dreg:s7], $0x2FFFF;
	_ =	strace $0x9FFFFFFF  }
0xc3: {  	(tm) =	ssettm $0x7FFFFFFF  }
tec
execute0_lowered:
.L_overlay_start_1:
0x0: {  	(tag) =	ssettag $0x1  }
0x1: {  	s5 =	rddreg [dreg:$0x0]  }
0x2: {  	s0 =	srdreg.scid;
	s6 =	rddreg [dreg:$0x1]  }
0x3: {  	s15 =	stileid.u32;
	s1 =	rddreg [dreg:$0x2];
	s3 =	simm.s32 $0x0  }
0x4: {  	s16 =	simm.s32 $0x1880;
	s17 =	simm.s32 $0x3080;
	s18 =	simm.s32 $0x0  }
0x5: {  	s4 =	sand.u32 $0x1, s0;
	s11 =	sshrl.u32 s15, $0x2;
	s29 =	sshll.u32 s15, $0xA  }
0x6: {  	[smem:$0x7FF] =	sst s3;
	s13 =	smul.u32 $0x600, s15;
	p0 =	sne.s32 s15, $0x0  }
0x7: {  	s15 =	simm.s32 $0x1680;
	s0 =	sshll.u32 s4, $0x2;
	s2 =	sand.u32 $0xC00, s29  }
0x8: {  	s12 =	sshll.u32 s4, $0x4;
	s4 =	ssub.s32 $0x2, s4;
	s7 =	sor.u32 s11, s0  }
0x9: {  	s0 =	rddreg [dreg:$0x3];
	_ =	strace $0x80000047;
	s12 =	sadd.s32 s12, s5  }
0xa: {  	v0 =	vmov s11;
	s30 =	sshrl.u32 s4, $0x1;
	s31 =	sshrl.u32 s13, $0x2;
	s11 =	simm.s32 $0x1  }
0xb: {  	v34 =	vlaneseq.u32;
	s13 =	simm.s32 $0x1400;
	s8 =	sshll.u32 s7, $0xC;
	s10 =	sshll.u32 s7, $0x6  }
0xc: {  	v2 =	vmul.u32 $0x4, v34;
	s7 =	sshll.u32 s7, $0x3;
	s14 =	ssub.s32 s4, s30;
	s8 =	sor.u32 s2, s8  }
.Ltmp0:
0xd: {  	s10 =	sadd.s32 s10, s5;
	s7 =	sadd.s32 s7, s5;
	(pc) =	sbr.rel .LBB2_1-.Ltmp0, $4  }
0xe: {  	v1 =	vor.u32 $0x1, v2;
	[tilespmem:$0x1FFF0] =	vst v2;
	s9 =	sshrl.u32 s8, $0x1;
	s8 =	sshrl.u32 s8, $0x3;
	s7 =	sadd.s32 $0x5C00, s7  }
0xf: {  	v62 =	vor.u32 $0x2, v2;
	[tilespmem:$0x1FFC0] =	vst v1;
	s9 =	sadd.s32 s9, s5;
	s5 =	sadd.s32 s6, s8;
	s6 =	sadd.s32 $0x5A00, s10  }
0x10: {  	v49 =	vimm.s32 $0x0;
	v63 =	vor.u32 $0x3, v2;
	[tilespmem:$0x1FFD0] =	vst v62;
	s8 =	sadd.s32 s31, s1;
	s10 =	smax.u32 s14, $0x1;
	s14 =	simm.s32 $0x1600  }
0x11: {  	vm1 =	vcmask $0x704;
	vm2 =	vcmask $0x3F04;
	v42 =	vmovc v2;
	vm0 =	veq.s32 v0, v34;
	[tilespmem:$0x1FFE0] =	vst v63;
	s4 =	sadd.s32 $0x1A00, s9;
	s9 =	sadd.s32 $0x5E00, s12;
	s12 =	simm.s32 $0x1000  }
.LBB2_5:
0x12: {  	s18 =	sadd.s32 $0x1, s18  }
0x13: {  	p1 =	sne.s32 s18, s10  }
.Ltmp1:
0x14: {  	_ = 	snop;
	(pc) =	sbr.rel @!p1 .LBB2_6-.Ltmp1, $1  }
0x15: {  	_ =	sdelay $0x3  }
.LBB2_1:
0x16: {  	[tilespmem:s3], [sflag:$0x1] =	stream.linear.gather [hbm4b:s4+s3], $0x1000, $0x38;
	[tilespmem:$0x3280] =	vst v63  }
0x17: {  	_ =	swait.ge [sflag:s11], $0x1000  }
0x18: {  	[sflag:s11] =	ssyncset.done $0x0  }
0x19: {  	[sflag:s11] =	ssyncadd.s32 $0xFFFFF000  }
0x1a: {  	[tilespmem:s12], [sflag:$0x1] =	stream.linear.gather [hbm4b:s5+s3], $0x400, $0x38;
	[tilespmem:$0x3280] =	vst v63  }
0x1b: {  	_ =	swait.ge [sflag:s11], $0x400  }
0x1c: {  	[sflag:s11] =	ssyncset.done $0x0  }
0x1d: {  	[sflag:s11] =	ssyncadd.s32 $0xFFFFFC00  }
0x1e: {  	[tilespmem:s13], [sflag:$0x1] =	stream.linear.gather [hbm4b:s6+s3], $0x200, $0x38;
	[tilespmem:$0x3280] =	vst v63  }
0x1f: {  	_ =	swait.ge [sflag:s11], $0x200  }
0x20: {  	[sflag:s11] =	ssyncset.done $0x0  }
0x21: {  	[sflag:s11] =	ssyncadd.s32 $0xFFFFFE00  }
0x22: {  	[tilespmem:s14], [sflag:$0x1] =	stream.linear.gather [hbm4b:s7+s3], $0x40, $0x38;
	[tilespmem:$0x3280] =	vst v63  }
0x23: {  	_ =	swait.ge [sflag:s11], $0x40  }
0x24: {  	[sflag:s11] =	ssyncset.done $0x0  }
0x25: {  	[sflag:s11] =	ssyncadd.s32 $0xFFFFFFC0  }
0x26: {  	v36 =	vld [tilespmem:$0x1400]  }
0x27: {  	v37 =	vld [tilespmem:$0x1500]  }
0x28: {  	v38 =	vld [tilespmem:$0x1410]  }
0x29: {  	v40 =	vld [tilespmem:$0x1510]  }
0x2a: {  	v35 =	vld [tilespmem:$0x1470]  }
0x2b: {  	v16 =	vld [tilespmem:$0x1480]  }
0x2c: {  	v18 =	vld [tilespmem:$0x1580]  }
0x2d: {  	v58 =	vld [tilespmem:$0x14A0]  }
0x2e: {  	v61 =	vld [tilespmem:$0x14B0]  }
0x2f: {  	s19 =	sadd.s32 $0x0, s2;
	v33 =	vld [tilespmem:$0x14C0]  }
0x30: {  	v1 =	vor.u32 s19, v34;
	v48 =	vld [tilespmem:$0x15C0]  }
0x31: {  	v0 =	vmov s19;
	v1 =	vand.u32 $0x3F, v1;
	v31 =	vld [tilespmem:$0x14E0]  }
0x32: {  	v0 =	vshrl.u32 v0, $0x6;
	v1 =	vcvt.s32.f32 v1;
	v51 =	vld [tilespmem:$0x14F0]  }
0x33: {  	v0 =	vcvt.s32.f32 v0;
	v52 =	vld [tilespmem:$0x15F0]  }
0x34: {  	v1 =	vmul.f32 $1.562500000e-02, v1;
	v56 =	vld [tilespmem:$0x15E0]  }
0x35: {  	v0 =	vmul.f32 $1.562500000e-02, v0;
	v62 =	vld [tilespmem:$0x14D0]  }
0x36: {  	v8 =	vadd.f32 $7.812500000e-03, v1;
	v55 =	vld [tilespmem:$0x15D0]  }
0x37: {  	v2 =	vadd.f32 $7.812500000e-03, v0;
	v57 =	vld [tilespmem:$0x15B0]  }
0x38: {  	v14 =	vld [tilespmem:$0x15A0];
	v0 =	vsub.f32 v8, v51  }
0x39: {  	v59 =	vld [tilespmem:$0x1490];
	v1 =	vsub.f32 v2, v52;
	v3 =	vsub.f32 v8, v31  }
0x3a: {  	v60 =	vld [tilespmem:$0x1590];
	v4 =	vsub.f32 v2, v56;
	v5 =	vsub.f32 v8, v62  }
0x3b: {  	v50 =	vld [tilespmem:$0x1570];
	v6 =	vsub.f32 v8, v33;
	v7 =	vsub.f32 v2, v55  }
0x3c: {  	v63 =	vld [tilespmem:$0x1460];
	v9 =	vsub.f32 v2, v48;
	v10 =	vsub.f32 v8, v61  }
0x3d: {  	v45 =	vld [tilespmem:$0x1560];
	v11 =	vsub.f32 v2, v57;
	v12 =	vsub.f32 v8, v58  }
0x3e: {  	v54 =	vld [tilespmem:$0x1450];
	[tilespmem:$0x1FE20] =	vst v14;
	v13 =	vsub.f32 v2, v14;
	v14 =	vsub.f32 v8, v59  }
0x3f: {  	v44 =	vld [tilespmem:$0x1440];
	[tilespmem:$0x1FE00] =	vst v16;
	v15 =	vsub.f32 v8, v16;
	v16 =	vsub.f32 v2, v60  }
0x40: {  	v32 =	vld [tilespmem:$0x1420];
	[tilespmem:$0x1FE10] =	vst v18;
	v17 =	vsub.f32 v2, v18;
	v18 =	vsub.f32 v8, v35  }
0x41: {  	v41 =	vld [tilespmem:$0x1520];
	v19 =	vsub.f32 v2, v50;
	v20 =	vsub.f32 v8, v63  }
0x42: {  	v21 =	vsub.f32 v8, v36;
	v22 =	vsub.f32 v2, v45  }
0x43: {  	v43 =	vld [tilespmem:$0x1530];
	v23 =	vsub.f32 v2, v37;
	v24 =	vsub.f32 v8, v54  }
0x44: {  	v46 =	vld [tilespmem:$0x1430];
	v25 =	vsub.f32 v8, v44;
	v26 =	vsub.f32 v8, v38  }
0x45: {  	v27 =	vsub.f32 v2, v40;
	v21 =	vmul.f32 v21, v21;
	v23 =	vmul.f32 v23, v23  }
0x46: {  	v53 =	vld [tilespmem:$0x1540];
	v28 =	vsub.f32 v8, v32;
	v29 =	vsub.f32 v2, v41  }
0x47: {  	v30 =	vld [tilespmem:$0x1550];
	v21 =	vadd.f32 v23, v21;
	v23 =	vmul.f32 v26, v26;
	v26 =	vmul.f32 v27, v27  }
0x48: {  	v39 =	vsub.f32 v2, v43;
	v28 =	vmul.f32 v28, v28;
	v29 =	vmul.f32 v29, v29  }
0x49: {  	v27 =	vsub.f32 v8, v46;
	vm3 =	vlt.f32 v21, $1.000000000e+09;
	v23 =	vadd.f32 v26, v23  }
0x4a: {  	v39 =	vmul.f32 v39, v39;
	v28 =	vadd.f32 v29, v28;
	v21 =	vnsel vm3, $0x4E6E6B28, v21  }
0x4b: {  	v26 =	vsub.f32 v2, v53;
	v27 =	vmul.f32 v27, v27;
	vm3 =	vlt.f32 v23, v21  }
0x4c: {  	v25 =	vmul.f32 v25, v25;
	v29 =	vsub.f32 v2, v30;
	v21 =	vsel vm3, v23, v21  }
0x4d: {  	v23 =	vmul.f32 v26, v26;
	v26 =	vadd.f32 v39, v27;
	vm4 =	vlt.f32 v28, v21  }
0x4e: {  	v24 =	vmul.f32 v24, v24;
	v3 =	vmul.f32 v3, v3;
	v21 =	vsel vm4, v28, v21  }
0x4f: {  	v23 =	vadd.f32 v23, v25;
	v25 =	vmul.f32 v29, v29;
	vm5 =	vlt.f32 v26, v21  }
0x50: {  	v20 =	vmul.f32 v20, v20;
	v22 =	vmul.f32 v22, v22;
	v21 =	vsel vm5, v26, v21  }
0x51: {  	v18 =	vmul.f32 v18, v18;
	v24 =	vadd.f32 v25, v24;
	vm6 =	vlt.f32 v23, v21  }
0x52: {  	v19 =	vmul.f32 v19, v19;
	v25 =	vmul.f32 v0, v0;
	v0 =	vsel vm6, v23, v21  }
0x53: {  	v15 =	vmul.f32 v15, v15;
	v20 =	vadd.f32 v22, v20;
	vm7 =	vlt.f32 v24, v0  }
0x54: {  	v5 =	vmul.f32 v5, v5;
	v17 =	vmul.f32 v17, v17;
	v0 =	vsel vm7, v24, v0  }
0x55: {  	v14 =	vmul.f32 v14, v14;
	v18 =	vadd.f32 v19, v18;
	vm8 =	vlt.f32 v20, v0  }
0x56: {  	v6 =	vmul.f32 v6, v6;
	v16 =	vmul.f32 v16, v16;
	v0 =	vsel vm8, v20, v0  }
0x57: {  	v12 =	vmul.f32 v12, v12;
	v15 =	vadd.f32 v17, v15;
	vm9 =	vlt.f32 v18, v0  }
0x58: {  	v10 =	vmul.f32 v10, v10;
	v13 =	vmul.f32 v13, v13;
	v0 =	vsel vm9, v18, v0  }
0x59: {  	v11 =	vmul.f32 v11, v11;
	v14 =	vadd.f32 v16, v14;
	vm10 =	vlt.f32 v15, v0  }
0x5a: {  	v9 =	vmul.f32 v9, v9;
	v16 =	vsel vm3, $0x1, v49;
	v0 =	vsel vm10, v15, v0  }
0x5b: {  	v12 =	vadd.f32 v13, v12;
	v15 =	vsel vm4, $0x2, v16;
	vm3 =	vlt.f32 v14, v0  }
0x5c: {  	v10 =	vadd.f32 v11, v10;
	v13 =	vsel vm5, $0x3, v15;
	v0 =	vsel vm3, v14, v0  }
0x5d: {  	v27 =	vor.u32 s3, v34;
	v13 =	vsel vm6, $0x4, v13;
	vm4 =	vlt.f32 v12, v0  }
0x5e: {  	v7 =	vmul.f32 v7, v7;
	v11 =	vsel vm7, $0x5, v13;
	v0 =	vsel vm4, v12, v0  }
0x5f: {  	v6 =	vadd.f32 v9, v6;
	v11 =	vsel vm8, $0x6, v11;
	vm5 =	vlt.f32 v10, v0  }
0x60: {  	v4 =	vmul.f32 v4, v4;
	v9 =	vsel vm9, $0x7, v11;
	v10 =	vsel vm5, v10, v0  }
0x61: {  	v5 =	vadd.f32 v7, v5;
	v9 =	vsel vm10, $0x8, v9;
	vm6 =	vlt.f32 v6, v10  }
0x62: {  	v1 =	vmul.f32 v1, v1;
	v0 =	vld.idx.msk [tilespmem:v27+s12+$0x0], $0xffff;
	v7 =	vsel vm3, $0x9, v9;
	v6 =	vsel vm6, v6, v10  }
0x63: {  	v3 =	vadd.f32 v4, v3;
	v7 =	vsel vm4, $0xA, v7;
	vm3 =	vlt.f32 v5, v6  }
0x64: {  	v4 =	vsel vm5, $0xB, v7;
	v5 =	vsel vm3, v5, v6  }
0x65: {  	v47 =	vadd.f32 v1, v25;
	v4 =	vsel vm6, $0xC, v4;
	vm4 =	vlt.f32 v3, v5  }
0x66: {  	v1 =	vsel vm3, $0xD, v4;
	v7 =	vsel vm4, v3, v5  }
0x67: {  	v3 =	vand.u32 $0x7FFFFFFF, v0;
	v1 =	vsel vm4, $0xE, v1;
	vm4 =	vlt.f32 v47, v7  }
0x68: {  	v3 =	vsub.f32 $0.0e+00, v3;
	v1 =	vsel vm4, $0xF, v1  }
0x69: {  	v5 =	vadd.s32 $0x10, v1  }
0x6a: {  	v3 =	vmul.f32 $1.442695020e+00, v3;
	v9 =	vadd.s32 $0x20, v1  }
0x6b: {  	v10 =	vadd.s32 $0x30, v1  }
0x6c: {  	(erf) = vpow2.f32 v3  }
0x6d: {  	v4 =	vld.idx.msk [tilespmem:v1+s14+$0x0], $0xffff  }
0x6e: {  	v1 =	vld.idx.msk [tilespmem:v5+s14+$0x0], $0xffff  }
0x6f: {  	v5 =	vld.idx.msk [tilespmem:v9+s14+$0x0], $0xffff  }
0x70: {  	v3 =	vld.idx.msk [tilespmem:v10+s14+$0x0], $0xffff;
	_ =	sdelay $0x3  }
0x71: {  	v9 =	vsub.f32 v8, v4;
	v8 =	vsub.f32 v5, v8  }
0x72: {  	v11 =	vsub.f32 v2, v1;
	v2 =	vsub.f32 v3, v2;
	v10 =	vpop (erf)  }
0x73: {  	v9 =	vmax.f32 v9, $9.999999970e-07;
	v14 =	vadd.f32 $1.000000000e+00, v10;
	v8 =	vmax.f32 v8, $9.999999970e-07  }
0x74: {  	v10 =	vmax.f32 v11, $9.999999970e-07;
	v2 =	vmax.f32 v2, $9.999999970e-07;
	v11 =	vmax.f32 v9, v8  }
0x75: {  	v12 =	vmax.f32 v10, v2;
	(erf) = vrcp.f32 v11  }
0x76: {  	v11 =	vand.u32 $0x7FFFFF, v14;
	(erf) = vrcp.f32 v12  }
0x77: {  	v11 =	vor.u32 $0x3F800000, v11  }
0x78: {  	v12 =	vmul.f32 $5.000000000e-01, v11  }
0x79: {  	vm3 =	vgt.f32 v11, $1.414213540e+00  }
0x7a: {  	v11 =	vsel vm3, v12, v11  }
0x7b: {  	v15 =	vadd.f32 $-1.000000000e+00, v11;
	_ =	sdelay $0x1  }
0x7c: {  	v11 =	vmul.f32 $7.037683580e-02, v15  }
0x7d: {  	v12 =	vpop (erf)  }
0x7e: {  	v8 =	vmin.f32 v9, v8;
	v2 =	vmin.f32 v10, v2;
	v11 =	vadd.f32 $-1.151461010e-01, v11;
	v9 =	vpop (erf)  }
0x7f: {  	v8 =	vmul.f32 v12, v8;
	v2 =	vmul.f32 v9, v2  }
0x80: {  	v9 =	vmul.f32 v11, v15  }
0x81: {  	v16 =	vmul.f32 v2, v8  }
0x82: {  	v2 =	vadd.f32 $1.167699840e-01, v9  }
0x83: {  	v8 =	vshra.s32 v16, $0x1;
	v11 =	vmul.f32 $5.000000000e-01, v16  }
0x84: {  	v9 =	vor.u32 s3, v42;
	v2 =	vmul.f32 v2, v15;
	v8 =	vsub.s32 $0x5F3759DF, v8  }
0x85: {  	s29 =	sadd.s32 $0x10, s2;
	v10 =	vmul.f32 v8, v11  }
0x86: {  	v13 =	vor.u32 s29, v34;
	v2 =	vadd.f32 $-1.242014100e-01, v2  }
0x87: {  	v49 =	vmov v42;
	v13 =	vand.u32 $0x3F, v13;
	v42 =	vld [tilespmem:$0x1FFC0];
	v10 =	vmul.f32 v8, v10  }
0x88: {  	v17 =	vmov s29;
	v13 =	vcvt.s32.f32 v13;
	v2 =	vmul.f32 v2, v15  }
0x89: {  	v17 =	vshrl.u32 v17, $0x6;
	v18 =	vadd.f32 v5, v4;
	v9 =	vld.idx.msk [tilespmem:v9+s3+$0x0], $0xffff;
	v10 =	vsub.f32 $1.500000000e+00, v10  }
0x8a: {  	v17 =	vcvt.s32.f32 v17;
	v13 =	vmul.f32 $1.562500000e-02, v13;
	v2 =	vadd.f32 $1.424932330e-01, v2  }
0x8b: {  	v18 =	vmul.f32 $5.000000000e-01, v18;
	v19 =	vmul.f32 v8, v10  }
0x8c: {  	v12 =	vor.u32 s3, v42;
	v10 =	vmul.f32 $1.562500000e-02, v17;
	v17 =	vmul.f32 v2, v15  }
0x8d: {  	v8 =	vadd.f32 v3, v1;
	v2 =	vadd.f32 $7.812500000e-03, v13  }
0x8e: {  	v6 =	vimm.s32 $0x0;
	v9 =	vsub.f32 v9, v18;
	v17 =	vadd.f32 $-1.666805740e-01, v17  }
0x8f: {  	v13 =	vmul.f32 $5.000000000e-01, v8;
	v8 =	vadd.f32 $7.812500000e-03, v10;
	v22 =	vsub.f32 v2, v62  }
0x90: {  	v20 =	vmul.f32 v19, v11;
	v23 =	vsub.f32 v2, v36;
	v27 =	vsub.f32 v2, v61  }
0x91: {  	[tilespmem:$0x1FEF0] =	vst v61;
	v14 =	vshra.s32 v14, $0x17;
	v12 =	vld.idx.msk [tilespmem:v12+s3+$0x0], $0xffff;
	v29 =	vsub.f32 v2, v38;
	v61 =	vsub.f32 v2, v35  }
0x92: {  	v18 =	vmul.f32 v20, v19;
	v20 =	vsub.f32 v2, v51;
	v24 =	vsub.f32 v8, v55  }
0x93: {  	[tilespmem:$0x1FF60] =	vst v50;
	v9 =	vand.u32 $0x7FFFFFFF, v9;
	v25 =	vsub.f32 v8, v37;
	v26 =	vsub.f32 v8, v48  }
0x94: {  	[tilespmem:$0x1FDF0] =	vst v40;
	v23 =	vmul.f32 v23, v23;
	v40 =	vsub.f32 v8, v40;
	v29 =	vmul.f32 v29, v29  }
0x95: {  	[tilespmem:$0x1FF90] =	vst v43;
	v43 =	vsub.f32 v8, v43;
	v50 =	vsub.f32 v8, v50;
	v22 =	vmul.f32 v22, v22  }
0x96: {  	v10 =	vsub.f32 v12, v13;
	v13 =	vmul.f32 v17, v15;
	v17 =	vsub.f32 $1.500000000e+00, v18  }
0x97: {  	v27 =	vmul.f32 v27, v27;
	v12 =	vsub.f32 v8, v52;
	v18 =	vsub.f32 v2, v31  }
0x98: {  	v25 =	vmul.f32 v25, v25;
	v21 =	vadd.f32 $2.000071410e-01, v13;
	v17 =	vmul.f32 v17, v19  }
0x99: {  	[tilespmem:$0x1FE50] =	vst v31;
	v31 =	vimm.s32 $0x0;
	v20 =	vmul.f32 v20, v20;
	v24 =	vmul.f32 v24, v24  }
0x9a: {  	[tilespmem:$0x1FE80] =	vst v33;
	v13 =	vsub.f32 v8, v56;
	v21 =	vmul.f32 v21, v15;
	v11 =	vmul.f32 v17, v11  }
0x9b: {  	[tilespmem:$0x1FED0] =	vst v48;
	v48 =	vld [tilespmem:$0x1FFD0];
	v12 =	vmul.f32 v12, v12;
	v19 =	vsub.f32 v2, v33;
	v33 =	vmul.f32 v15, v15  }
0x9c: {  	v23 =	vadd.f32 v25, v23;
	v21 =	vadd.f32 $-2.499999400e-01, v21;
	v28 =	vmul.f32 v11, v17  }
0x9d: {  	v18 =	vmul.f32 v18, v18;
	v22 =	vadd.f32 v24, v22;
	v13 =	vmul.f32 v13, v13  }
0x9e: {  	v25 =	vmul.f32 v33, v15;
	v21 =	vmul.f32 v21, v15;
	v28 =	vsub.f32 $1.500000000e+00, v28  }
0x9f: {  	v39 =	vmul.f32 $5.000000000e-01, v33;
	v19 =	vmul.f32 v19, v19;
	v13 =	vadd.f32 v13, v18  }
0xa0: {  	v11 =	vor.u32 s3, v48;
	v21 =	vadd.f32 $3.333333130e-01, v21;
	v17 =	vmul.f32 v28, v17  }
0xa1: {  	v28 =	vsel vm3, $0x1, v6;
	vm3 =	vlt.f32 v23, $1.000000000e+09;
	v6 =	vsel vm4, v47, v7  }
0xa2: {  	v14 =	vadd.s32 v28, v14;
	v28 =	vmul.f32 v40, v40;
	v21 =	vmul.f32 v21, v25  }
0xa3: {  	v25 =	vsub.f32 v2, v32;
	v16 =	vmul.f32 v17, v16;
	v17 =	vsub.f32 v8, v41  }
0xa4: {  	v23 =	vnsel vm3, $0x4E6E6B28, v23;
	v28 =	vadd.f32 v28, v29;
	v21 =	vsub.f32 v21, v39  }
0xa5: {  	v29 =	vsub.f32 v2, v46;
	v25 =	vmul.f32 v25, v25;
	v17 =	vmul.f32 v17, v17  }
0xa6: {  	v39 =	vmul.f32 v43, v43;
	vm3 =	vlt.f32 v28, v23;
	v15 =	vadd.f32 v21, v15  }
0xa7: {  	v29 =	vmul.f32 v29, v29;
	v21 =	vsub.f32 v8, v53;
	v17 =	vadd.f32 v17, v25  }
0xa8: {  	v25 =	vsub.f32 v2, v54;
	v23 =	vsel vm3, v28, v23;
	v28 =	vsub.f32 v2, v44  }
0xa9: {  	[tilespmem:$0x1FEC0] =	vst v44;
	v44 =	vsub.f32 v8, v30;
	v29 =	vadd.f32 v39, v29;
	v21 =	vmul.f32 v21, v21  }
0xaa: {  	vm5 =	vlt.f32 v17, v23;
	v28 =	vmul.f32 v28, v28;
	v25 =	vmul.f32 v25, v25  }
0xab: {  	[tilespmem:$0x1FDC0] =	vst v36;
	v36 =	vld [tilespmem:$0x1FE10];
	v39 =	vmul.f32 v44, v44;
	v17 =	vsel vm5, v17, v23;
	v23 =	vsub.f32 v2, v63  }
0xac: {  	[tilespmem:$0x1FDD0] =	vst v37;
	v37 =	vld [tilespmem:$0x1FE00];
	vm6 =	vlt.f32 v29, v17;
	v21 =	vadd.f32 v21, v28;
	v28 =	vsub.f32 v8, v45  }
0xad: {  	v40 =	vmul.f32 v61, v61;
	v25 =	vadd.f32 v39, v25;
	v17 =	vsel vm6, v29, v17  }
0xae: {  	s30 =	simm.s32 $0x10;
	v23 =	vmul.f32 v23, v23;
	v28 =	vmul.f32 v28, v28;
	vm7 =	vlt.f32 v21, v17  }
0xaf: {  	[tilespmem:$0x1FF40] =	vst v60;
	v33 =	vld [tilespmem:$0x1FE20];
	v61 =	vsub.f32 v8, v60;
	v60 =	vor.u32 s30, v34;
	v17 =	vsel vm7, v21, v17  }
0xb0: {  	v39 =	vmul.f32 v50, v50;
	vm13 =	vlt.f32 v25, v17;
	v23 =	vadd.f32 v28, v23  }
0xb1: {  	v28 =	vsub.f32 v2, v37;
	v17 =	vsel vm13, v25, v17;
	v25 =	vsub.f32 v8, v36  }
0xb2: {  	v39 =	vadd.f32 v39, v40;
	v40 =	vmul.f32 v61, v61;
	v21 =	vsub.f32 v2, v59  }
0xb3: {  	vm14 =	vlt.f32 v23, v17;
	v28 =	vmul.f32 v28, v28;
	v25 =	vmul.f32 v25, v25  }
0xb4: {  	[tilespmem:$0x1FF30] =	vst v59;
	v59 =	vsub.f32 v8, v33;
	v21 =	vmul.f32 v21, v21;
	v17 =	vsel vm14, v23, v17  }
0xb5: {  	vm15 =	vlt.f32 v39, v17;
	v25 =	vadd.f32 v25, v28;
	v28 =	vsub.f32 v2, v58  }
0xb6: {  	v23 =	vsub.f32 v8, v57;
	v21 =	vadd.f32 v40, v21;
	v17 =	vsel vm15, v39, v17  }
0xb7: {  	v39 =	vmul.f32 v59, v59;
	v28 =	vmul.f32 v28, v28;
	vm11 =	vlt.f32 v25, v17  }
0xb8: {  	v61 =	vsel vm3, $0x1, v31;
	v23 =	vmul.f32 v23, v23;
	v17 =	vsel vm11, v25, v17  }
0xb9: {  	v28 =	vadd.f32 v39, v28;
	v39 =	vsel vm5, $0x2, v61;
	vm3 =	vlt.f32 v21, v17  }
0xba: {  	v23 =	vadd.f32 v23, v27;
	v39 =	vsel vm6, $0x3, v39;
	v17 =	vsel vm3, v21, v17  }
0xbb: {  	v21 =	vmul.f32 v26, v26;
	v26 =	vsel vm7, $0x4, v39;
	vm5 =	vlt.f32 v28, v17  }
0xbc: {  	v14 =	vadd.s32 $0xFFFFFF81, v14;
	v26 =	vsel vm13, $0x5, v26;
	v17 =	vsel vm5, v28, v17  }
0xbd: {  	v43 =	vld.idx.msk [tilespmem:v60+s12+$0x0], $0xffff;
	v19 =	vadd.f32 v21, v19;
	v26 =	vsel vm14, $0x6, v26;
	vm6 =	vlt.f32 v23, v17  }
0xbe: {  	v14 =	vcvt.s32.f32 v14;
	v21 =	vsel vm15, $0x7, v26;
	v17 =	vsel vm6, v23, v17  }
0xbf: {  	v16 =	vmax.f32 v16, $0.0e+00;
	v21 =	vsel vm11, $0x8, v21;
	vm7 =	vlt.f32 v19, v17  }
0xc0: {  	v16 =	vmin.f32 v16, $1.000000000e+00;
	v21 =	vsel vm3, $0x9, v21;
	v17 =	vsel vm7, v19, v17  }
0xc1: {  	v44 =	vadd.f32 v12, v20;
	v19 =	vsel vm5, $0xA, v21;
	vm3 =	vlt.f32 v22, v17  }
0xc2: {  	v18 =	vsel vm6, $0xB, v19;
	v17 =	vsel vm3, v22, v17;
	v19 =	vand.u32 $0x7FFFFFFF, v43  }
0xc3: {  	v18 =	vsel vm7, $0xC, v18;
	vm5 =	vlt.f32 v13, v17;
	v12 =	vsub.f32 $0.0e+00, v19  }
0xc4: {  	[tilespmem:$0x1FF70] =	vst v45;
	v25 =	vmul.f32 $-2.121944420e-04, v14;
	v18 =	vsel vm3, $0xD, v18;
	v45 =	vsel vm5, v13, v17  }
0xc5: {  	v13 =	vsel vm5, $0xE, v18;
	vm3 =	vlt.f32 v44, v45;
	v12 =	vmul.f32 $1.442695020e+00, v12  }
0xc6: {  	v7 =	vmul.f32 v16, v0;
	v14 =	vmul.f32 $6.933593750e-01, v14;
	v13 =	vsel vm3, $0xF, v13  }
0xc7: {  	[tilespmem:$0x1FFA0] =	vst v32;
	v32 =	vld [tilespmem:$0x1FFE0];
	v15 =	vadd.f32 v25, v15;
	v16 =	vadd.s32 $0x10, v13;
	(erf) = vpow2.f32 v12  }
0xc8: {  	v6 =	vadd.f32 $9.999999960e-13, v6;
	v0 =	vmax.f32 v0, $0.0e+00;
	v12 =	vadd.s32 $0x20, v13  }
0xc9: {  	v0 =	vsub.f32 v0, v7;
	v7 =	vadd.f32 v15, v14;
	v14 =	vadd.s32 $0x30, v13  }
0xca: {  	v11 =	vld.idx.msk [tilespmem:v11+s3+$0x0], $0xffff;
	v17 =	vmul.f32 $5.000000000e-01, v9  }
0xcb: {  	v4 =	vsub.f32 v5, v4;
	vm4 =	vlt.f32 v6, $5.493164060e-04;
	v6 =	vld.idx.msk [tilespmem:v13+s14+$0x0], $0xffff  }
0xcc: {  	[tilespmem:$0x1FFB0] =	vst v41;
	v10 =	vand.u32 $0x7FFFFFFF, v10;
	v29 =	vor.u32 s3, v32;
	v0 =	vadd.f32 v7, v0;
	v41 =	vld.idx.msk [tilespmem:v16+s14+$0x0], $0xffff  }
0xcd: {  	v1 =	vsub.f32 v3, v1;
	v5 =	vmul.f32 $5.000000000e-01, v10;
	v7 =	vsel vm4, $0x3F800000, v31;
	v12 =	vld.idx.msk [tilespmem:v12+s14+$0x0], $0xffff  }
0xce: {  	v0 =	vmul.f32 v7, v0;
	v13 =	vmul.f32 v17, v9;
	v17 =	vmov v42;
	v42 =	vld.idx.msk [tilespmem:v14+s14+$0x0], $0xffff  }
0xcf: {  	v5 =	vmul.f32 v5, v10;
	v4 =	vsub.f32 v11, v4;
	v16 =	vimm.f32 $0.0e+00  }
0xd0: {  	vm4 =	vlt.f32 v9, $1.000000000e+00;
	v39 =	vadd.f32 v0, v16;
	v0 =	vadd.f32 $-5.000000000e-01, v9;
	v9 =	vpop (erf)  }
0xd1: {  	[tilespmem:$0x1FF10] =	vst v57;
	v3 =	vand.u32 $0x7FFFFFFF, v4;
	v4 =	vadd.f32 $-5.000000000e-01, v10;
	v15 =	vld.idx.msk [tilespmem:v29+s3+$0x0], $0xffff;
	v57 =	vadd.f32 $1.000000000e+00, v9  }
0xd2: {  	v0 =	vsel vm4, v13, v0;
	v9 =	vsub.f32 v2, v6;
	v2 =	vsub.f32 v12, v2  }
0xd3: {  	vm4 =	vlt.f32 v10, $1.000000000e+00;
	v10 =	vsub.f32 v8, v41;
	v8 =	vsub.f32 v42, v8  }
0xd4: {  	v11 =	vmul.f32 $5.000000000e-01, v3;
	v9 =	vmax.f32 v9, $9.999999970e-07;
	v2 =	vmax.f32 v2, $9.999999970e-07  }
0xd5: {  	v10 =	vmax.f32 v10, $9.999999970e-07;
	v8 =	vmax.f32 v8, $9.999999970e-07;
	v14 =	vmax.f32 v9, v2  }
0xd6: {  	v1 =	vsub.f32 v15, v1;
	v15 =	vmax.f32 v10, v8;
	(erf) = vrcp.f32 v14  }
0xd7: {  	v11 =	vmul.f32 v11, v3;
	v13 =	vand.u32 $0x7FFFFF, v57;
	(erf) = vrcp.f32 v15  }
0xd8: {  	v1 =	vand.u32 $0x7FFFFFFF, v1;
	v4 =	vsel vm4, v5, v4;
	v13 =	vor.u32 $0x3F800000, v13  }
0xd9: {  	vm4 =	vlt.f32 v3, $1.000000000e+00;
	v5 =	vmul.f32 $5.000000000e-01, v13;
	v14 =	vadd.f32 $-5.000000000e-01, v3  }
0xda: {  	v0 =	vadd.f32 v4, v0;
	vm5 =	vgt.f32 v13, $1.414213540e+00;
	v3 =	vmul.f32 $5.000000000e-01, v1  }
0xdb: {  	v5 =	vsel vm5, v5, v13;
	v4 =	vsel vm4, v11, v14;
	vm4 =	vlt.f32 v1, $1.000000000e+00  }
0xdc: {  	[tilespmem:$0x1FF20] =	vst v58;
	v58 =	vadd.f32 $-1.000000000e+00, v5;
	v5 =	vadd.f32 $-5.000000000e-01, v1;
	v1 =	vmul.f32 v3, v1  }
0xdd: {  	s20 =	sadd.s32 $0x20, s2  }
0xde: {  	v0 =	vadd.f32 v4, v0;
	v1 =	vsel vm4, v1, v5;
	v5 =	vor.u32 s20, v34  }
0xdf: {  	v2 =	vmin.f32 v9, v2;
	v8 =	vmin.f32 v10, v8;
	v5 =	vand.u32 $0x3F, v5;
	v13 =	vpop (erf)  }
0xe0: {  	v0 =	vadd.f32 v1, v0;
	v1 =	vmov s20;
	v5 =	vcvt.s32.f32 v5;
	v9 =	vpop (erf)  }
0xe1: {  	v1 =	vshrl.u32 v1, $0x6;
	v2 =	vmul.f32 v13, v2;
	v8 =	vmul.f32 v9, v8  }
0xe2: {  	v1 =	vcvt.s32.f32 v1  }
0xe3: {  	v5 =	vmul.f32 $1.562500000e-02, v5;
	v61 =	vmul.f32 v8, v2  }
0xe4: {  	v1 =	vmul.f32 $1.562500000e-02, v1  }
0xe5: {  	v31 =	vmovc v48;
	v48 =	vadd.f32 $7.812500000e-03, v5;
	v5 =	vshra.s32 v61, $0x1;
	v8 =	vmul.f32 $5.000000000e-01, v61  }
0xe6: {  	s19 =	simm.s32 $0x40;
	v5 =	vsub.s32 $0x5F3759DF, v5  }
0xe7: {  	v4 =	vor.u32 s19, v49;
	v49 =	vadd.f32 $7.812500000e-03, v1;
	v1 =	vmul.f32 v5, v8;
	_ =	sdelay $0x1  }
0xe8: {  	v3 =	vmul.f32 $7.037683580e-02, v58;
	v1 =	vmul.f32 v5, v1;
	_ =	sdelay $0x1  }
0xe9: {  	v3 =	vadd.f32 $-1.151461010e-01, v3;
	v1 =	vsub.f32 $1.500000000e+00, v1;
	_ =	sdelay $0x1  }
0xea: {  	v3 =	vmul.f32 v3, v58;
	v15 =	vmul.f32 v5, v1;
	v5 =	vsub.f32 v48, v54;
	_ =	sdelay $0x1  }
0xeb: {  	v2 =	vadd.f32 $1.167699840e-01, v3;
	v19 =	vmul.f32 v5, v5;
	v5 =	vsub.f32 v49, v53  }
0xec: {  	v11 =	vor.u32 s19, v17  }
0xed: {  	v2 =	vmul.f32 v2, v58;
	v25 =	vmul.f32 v5, v5;
	v5 =	vld [tilespmem:$0x1FF30];
	_ =	sdelay $0x1  }
0xee: {  	[tilespmem:$0x1FF50] =	vst v35;
	v35 =	vmov v30;
	v30 =	vld [tilespmem:$0x1FEC0];
	v2 =	vadd.f32 $-1.242014100e-01, v2  }
0xef: {  	v47 =	vmul.f32 v7, v0;
	v0 =	vld [tilespmem:$0x1FE50]  }
0xf0: {  	v3 =	vld.idx.msk [tilespmem:v11+s3+$0x0], $0xffff;
	v2 =	vmul.f32 v2, v58  }
0xf1: {  	v10 =	vadd.f32 v42, v41;
	v11 =	vsub.f32 v48, v5;
	v5 =	vld [tilespmem:$0x1FF40]  }
0xf2: {  	v28 =	vld [tilespmem:$0x1FFA0];
	v40 =	vadd.f32 v7, v16;
	v2 =	vadd.f32 $1.424932330e-01, v2  }
0xf3: {  	v50 =	vsub.f32 v12, v6;
	v10 =	vmul.f32 $5.000000000e-01, v10;
	v4 =	vld.idx.msk [tilespmem:v4+s3+$0x0], $0xffff;
	v9 =	vadd.f32 v12, v6  }
0xf4: {  	v6 =	vsub.f32 v48, v0;
	v0 =	vsub.f32 v48, v62;
	v1 =	vmul.f32 v2, v58;
	v2 =	vld [tilespmem:$0x1FE80]  }
0xf5: {  	v7 =	vsub.f32 v48, v30;
	v13 =	vsub.f32 v48, v37  }
0xf6: {  	v9 =	vmul.f32 $5.000000000e-01, v9;
	v3 =	vsub.f32 v3, v10;
	v12 =	vsub.f32 v49, v5;
	v5 =	vld [tilespmem:$0x1FF50]  }
0xf7: {  	v29 =	vsub.f32 v48, v28;
	v59 =	vsub.f32 v49, v52  }
0xf8: {  	[tilespmem:$0x1FE30] =	vst v51;
	v30 =	vld [tilespmem:$0x1FEF0];
	v4 =	vsub.f32 v4, v9;
	v9 =	vsub.f32 v48, v51;
	v51 =	vand.u32 $0x7FFFFFFF, v3  }
0xf9: {  	v60 =	vsub.f32 v49, v56;
	v3 =	vsub.f32 v48, v2;
	v2 =	vmul.f32 $5.000000000e-01, v51  }
0xfa: {  	[tilespmem:$0x1FE40] =	vst v52;
	v27 =	vld [tilespmem:$0x1FF90];
	v24 =	vmul.f32 v7, v7;
	v52 =	vand.u32 $0x7FFFFFFF, v4;
	v1 =	vadd.f32 $-1.666805740e-01, v1  }
0xfb: {  	[tilespmem:$0x1FE60] =	vst v56;
	v56 =	vmul.f32 v2, v51;
	v2 =	vsub.f32 v48, v63;
	v16 =	vsub.f32 v48, v5;
	v5 =	vld [tilespmem:$0x1FF60]  }
0xfc: {  	v14 =	vsub.f32 v49, v36;
	v36 =	vmovc v28;
	v28 =	vld [tilespmem:$0x1FFB0];
	v4 =	vmul.f32 $5.000000000e-01, v52;
	v1 =	vmul.f32 v1, v58  }
0xfd: {  	[tilespmem:$0x1FE70] =	vst v62;
	v7 =	vsub.f32 v48, v30;
	v30 =	vld [tilespmem:$0x1FF20];
	v18 =	vmul.f32 v2, v2;
	v2 =	vsub.f32 v48, v46  }
0xfe: {  	[tilespmem:$0x1FE90] =	vst v55;
	v62 =	vsub.f32 v49, v55;
	v55 =	vmul.f32 v4, v52;
	v22 =	vadd.f32 $2.000071410e-01, v1;
	v1 =	vld [tilespmem:$0x1FED0]  }
0xff: {  	[tilespmem:$0x1FDE0] =	vst v38;
	v23 =	vsub.f32 v49, v35;
	v4 =	vmul.f32 v15, v8;
	v26 =	vmul.f32 v2, v2;
	v2 =	vld [tilespmem:$0x1FF10]  }
0x100: {  	v38 =	vmovc v27;
	v27 =	vsub.f32 v49, v27;
	v6 =	vmul.f32 v6, v6;
	v17 =	vsub.f32 v49, v5;
	v5 =	vld [tilespmem:$0x1FF70]  }
0x101: {  	[tilespmem:$0x1FEB0] =	vst v54;
	vm4 =	vlt.f32 v52, $1.000000000e+00;
	v10 =	vsub.f32 v49, v33;
	v4 =	vmul.f32 v4, v15  }
0x102: {  	s31 =	simm.s32 $0x20;
	[tilespmem:$0x1FF00] =	vst v53;
	v37 =	vmovc v28;
	v28 =	vsub.f32 v49, v28;
	v54 =	vor.u32 s19, v31;
	v53 =	vor.u32 s19, v32  }
0x103: {  	[tilespmem:$0x1FEA0] =	vst v63;
	v21 =	vsub.f32 $1.500000000e+00, v4;
	v63 =	vmul.f32 v9, v9;
	v9 =	vor.u32 s31, v34  }
0x104: {  	[tilespmem:$0x1FEE0] =	vst v46;
	v46 =	vimm.f32 $0.0e+00;
	v1 =	vsub.f32 v49, v1;
	v4 =	vsub.f32 v49, v2  }
0x105: {  	[tilespmem:$0x1FF80] =	vst v35;
	s20 =	simm.s32 $0x30;
	v2 =	vsub.f32 v48, v30;
	v20 =	vsub.f32 v49, v5;
	v5 =	vmax.f32 v43, $0.0e+00  }
.LBB2_2:
0x106: {  	v30 =	vld [tilespmem:$0x1FDC0]  }
0x107: {  	v15 =	vmul.f32 v21, v15;
	v21 =	vmul.f32 v22, v58;
	v22 =	vld [tilespmem:$0x1FDD0]  }
0x108: {  	v32 =	vmul.f32 v58, v58  }
0x109: {  	v31 =	vld [tilespmem:$0x1FDE0];
	v57 =	vshra.s32 v57, $0x17;
	v13 =	vmul.f32 v13, v13;
	v14 =	vmul.f32 v14, v14  }
0x10a: {  	v35 =	vimm.s32 $0x0;
	v3 =	vmul.f32 v3, v3;
	v29 =	vmul.f32 v29, v29  }
0x10b: {  	v27 =	vmul.f32 v27, v27;
	v8 =	vmul.f32 v15, v8;
	v21 =	vadd.f32 $-2.499999400e-01, v21  }
0x10c: {  	v33 =	vld [tilespmem:$0x1FDF0];
	v28 =	vmul.f32 v28, v28;
	v30 =	vsub.f32 v48, v30;
	v22 =	vsub.f32 v49, v22  }
0x10d: {  	v34 =	vsel vm5, $0x1, v35;
	v8 =	vmul.f32 v8, v15;
	v21 =	vmul.f32 v21, v58  }
0x10e: {  	v31 =	vsub.f32 v48, v31;
	v30 =	vmul.f32 v30, v30;
	v22 =	vmul.f32 v22, v22  }
0x10f: {  	v20 =	vmul.f32 v20, v20;
	v8 =	vsub.f32 $1.500000000e+00, v8;
	v21 =	vadd.f32 $3.333333130e-01, v21  }
0x110: {  	v22 =	vadd.f32 v22, v30;
	v30 =	vmul.f32 v31, v31;
	v31 =	vmul.f32 v32, v58  }
0x111: {  	v28 =	vadd.f32 v28, v29;
	v33 =	vsub.f32 v49, v33;
	v8 =	vmul.f32 v8, v15  }
0x112: {  	v15 =	vadd.s32 v34, v57;
	v32 =	vmul.f32 $5.000000000e-01, v32;
	v21 =	vmul.f32 v21, v31  }
0x113: {  	v15 =	vadd.s32 $0xFFFFFF81, v15;
	v8 =	vmul.f32 v8, v61;
	v31 =	vmul.f32 v33, v33  }
0x114: {  	v15 =	vcvt.s32.f32 v15;
	vm5 =	vlt.f32 v22, $1.000000000e+09;
	v21 =	vsub.f32 v21, v32  }
0x115: {  	v22 =	vnsel vm5, $0x4E6E6B28, v22;
	v8 =	vmax.f32 v8, $0.0e+00;
	v30 =	vadd.f32 v31, v30  }
0x116: {  	v29 =	vmul.f32 $-2.121944420e-04, v15;
	v15 =	vmul.f32 $6.933593750e-01, v15;
	v21 =	vadd.f32 v21, v58  }
0x117: {  	v8 =	vmin.f32 v8, $1.000000000e+00;
	v31 =	vsel vm3, v44, v45;
	vm5 =	vlt.f32 v30, v22  }
0x118: {  	v8 =	vmul.f32 v8, v43;
	v22 =	vsel vm5, v30, v22;
	v21 =	vadd.f32 v29, v21  }
0x119: {  	v26 =	vadd.f32 v27, v26;
	v27 =	vadd.f32 $9.999999960e-13, v31;
	vm3 =	vlt.f32 v28, v22  }
0x11a: {  	v5 =	vsub.f32 v5, v8;
	v8 =	vadd.f32 v21, v15;
	v15 =	vsel vm3, v28, v22  }
0x11b: {  	v21 =	vadd.f32 v25, v24;
	v22 =	vmul.f32 v23, v23;
	vm6 =	vlt.f32 v26, v15  }
0x11c: {  	vm7 =	vlt.f32 v27, $5.493164060e-04;
	v8 =	vadd.f32 v8, v5;
	v15 =	vsel vm6, v26, v15  }
0x11d: {  	v5 =	vsel vm7, $0x3F800000, v35;
	v19 =	vadd.f32 v22, v19;
	vm7 =	vlt.f32 v21, v15  }
0x11e: {  	v16 =	vmul.f32 v16, v16;
	v8 =	vmul.f32 v5, v8;
	v15 =	vsel vm7, v21, v15  }
0x11f: {  	v17 =	vmul.f32 v17, v17;
	v18 =	vadd.f32 v20, v18;
	vm8 =	vlt.f32 v19, v15  }
0x120: {  	v7 =	vmul.f32 v7, v7;
	v39 =	vadd.f32 v8, v39;
	v8 =	vsel vm8, v19, v15  }
0x121: {  	v11 =	vmul.f32 v11, v11;
	v15 =	vadd.f32 v17, v16;
	vm9 =	vlt.f32 v18, v8  }
0x122: {  	v12 =	vmul.f32 v12, v12;
	v2 =	vmul.f32 v2, v2;
	v8 =	vsel vm9, v18, v8  }
0x123: {  	v10 =	vmul.f32 v10, v10;
	v13 =	vadd.f32 v14, v13;
	vm10 =	vlt.f32 v15, v8  }
0x124: {  	v11 =	vadd.f32 v12, v11;
	v12 =	vsel vm5, $0x1, v35;
	v8 =	vsel vm10, v15, v8  }
0x125: {  	v4 =	vmul.f32 v4, v4;
	v12 =	vsel vm3, $0x2, v12;
	vm11 =	vlt.f32 v13, v8  }
0x126: {  	v2 =	vadd.f32 v10, v2;
	v10 =	vsel vm6, $0x3, v12;
	v8 =	vsel vm11, v13, v8  }
0x127: {  	v1 =	vmul.f32 v1, v1;
	v10 =	vsel vm7, $0x4, v10;
	vm3 =	vlt.f32 v11, v8  }
0x128: {  	v4 =	vadd.f32 v4, v7;
	v7 =	vsel vm8, $0x5, v10;
	v8 =	vsel vm3, v11, v8  }
0x129: {  	v0 =	vmul.f32 v0, v0;
	v7 =	vsel vm9, $0x6, v7;
	vm5 =	vlt.f32 v2, v8  }
0x12a: {  	v1 =	vadd.f32 v1, v3;
	v3 =	vsel vm10, $0x7, v7;
	v2 =	vsel vm5, v2, v8  }
0x12b: {  	v3 =	vsel vm11, $0x8, v3;
	v8 =	vmul.f32 v62, v62;
	vm6 =	vlt.f32 v4, v2  }
0x12c: {  	v3 =	vsel vm3, $0x9, v3;
	v2 =	vsel vm6, v4, v2  }
0x12d: {  	v43 =	vld.idx.msk [tilespmem:v9+s12+$0x0], $0xffff;
	v4 =	vmul.f32 v60, v60;
	v0 =	vadd.f32 v8, v0;
	vm7 =	vlt.f32 v1, v2  }
0x12e: {  	v3 =	vsel vm5, $0xA, v3;
	v1 =	vsel vm7, v1, v2  }
0x12f: {  	v7 =	vld.idx.msk [tilespmem:v54+s3+$0x0], $0xffff;
	v2 =	vmul.f32 v59, v59;
	v4 =	vadd.f32 v4, v6;
	vm3 =	vlt.f32 v0, v1  }
0x130: {  	v3 =	vsel vm6, $0xB, v3;
	v0 =	vsel vm3, v0, v1  }
0x131: {  	v3 =	vsel vm7, $0xC, v3;
	v44 =	vadd.f32 v2, v63;
	vm5 =	vlt.f32 v4, v0  }
0x132: {  	v6 =	vld.idx.msk [tilespmem:v53+s3+$0x0], $0xffff;
	v1 =	vand.u32 $0x7FFFFFFF, v43;
	v2 =	vsel vm3, $0xD, v3;
	v45 =	vsel vm5, v4, v0  }
0x133: {  	v0 =	vsub.f32 $0.0e+00, v1;
	v1 =	vsel vm5, $0xE, v2;
	vm3 =	vlt.f32 v44, v45  }
0x134: {  	v2 =	vsub.f32 v7, v50;
	v1 =	vsel vm3, $0xF, v1  }
0x135: {  	v3 =	vsub.f32 v42, v41;
	v0 =	vmul.f32 $1.442695020e+00, v0;
	v4 =	vadd.s32 $0x10, v1  }
0x136: {  	v7 =	vadd.f32 $-5.000000000e-01, v52;
	v2 =	vand.u32 $0x7FFFFFFF, v2;
	v8 =	vadd.s32 $0x20, v1  }
0x137: {  	v9 =	vmul.f32 $5.000000000e-01, v2;
	(erf) = vpow2.f32 v0;
	v0 =	vsub.f32 v6, v3  }
0x138: {  	v7 =	vsel vm4, v55, v7;
	vm4 =	vlt.f32 v51, $1.000000000e+00;
	v6 =	vadd.f32 $-5.000000000e-01, v51  }
0x139: {  	v10 =	vadd.f32 $-5.000000000e-01, v2;
	v9 =	vmul.f32 v9, v2;
	v0 =	vand.u32 $0x7FFFFFFF, v0  }
0x13a: {  	v6 =	vsel vm4, v56, v6;
	vm4 =	vlt.f32 v2, $1.000000000e+00;
	v2 =	vmul.f32 $5.000000000e-01, v0;
	v41 =	vld.idx.msk [tilespmem:v4+s14+$0x0], $0xffff  }
0x13b: {  	v4 =	vadd.f32 v6, v7;
	v6 =	vld.idx.msk [tilespmem:v8+s14+$0x0], $0xffff;
	v7 =	vsel vm4, v9, v10  }
0x13c: {  	vm4 =	vlt.f32 v0, $1.000000000e+00;
	v8 =	vadd.f32 $-5.000000000e-01, v0;
	v0 =	vmul.f32 v2, v0;
	v2 =	vld [tilespmem:$0x1FFD0];
	_ =	sdelay $0x3  }
0x13d: {  	s19 =	sadd.s32 $0x40, s19  }
0x13e: {  	v54 =	vor.u32 s19, v2;
	v2 =	vld [tilespmem:$0x1FFE0];
	_ =	sdelay $0x1  }
0x13f: {  	v3 =	vadd.s32 $0x30, v1;
	_ =	sdelay $0x2  }
0x140: {  	v53 =	vor.u32 s19, v2;
	v2 =	vld [tilespmem:$0x1FFF0]  }
0x141: {  	v1 =	vld.idx.msk [tilespmem:v1+s14+$0x0], $0xffff  }
0x142: {  	v42 =	vld.idx.msk [tilespmem:v3+s14+$0x0], $0xffff  }
0x143: {  	s21 =	sadd.s32 s20, s2;
	v34 =	vlaneseq.u32  }
0x144: {  	v3 =	vadd.f32 v7, v4;
	v0 =	vsel vm4, v0, v8;
	v8 =	vor.u32 s21, v34  }
0x145: {  	v7 =	vpop (erf);
	v9 =	vsub.f32 v6, v48;
	v10 =	vsub.f32 v49, v41;
	v2 =	vor.u32 s19, v2  }
0x146: {  	v57 =	vadd.f32 $1.000000000e+00, v7;
	v7 =	vand.u32 $0x3F, v8;
	v8 =	vsub.f32 v48, v1  }
0x147: {  	v11 =	vsub.f32 v42, v49  }
0x148: {  	v9 =	vmax.f32 v9, $9.999999970e-07;
	v10 =	vmax.f32 v10, $9.999999970e-07;
	v8 =	vmax.f32 v8, $9.999999970e-07  }
0x149: {  	v12 =	vand.u32 $0x7FFFFF, v57;
	v11 =	vmax.f32 v11, $9.999999970e-07;
	v13 =	vmax.f32 v8, v9  }
0x14a: {  	v14 =	vmax.f32 v10, v11;
	v12 =	vor.u32 $0x3F800000, v12;
	(erf) = vrcp.f32 v13;
	v2 =	vld.idx.msk [tilespmem:v2+s3+$0x0], $0xffff  }
0x14b: {  	v4 =	vld [tilespmem:$0x1FFC0];
	v13 =	vmul.f32 $5.000000000e-01, v12;
	(erf) = vrcp.f32 v14;
	v14 =	vadd.f32 v6, v1  }
0x14c: {  	vm5 =	vgt.f32 v12, $1.414213540e+00  }
0x14d: {  	v12 =	vsel vm5, v13, v12;
	v13 =	vmul.f32 $5.000000000e-01, v14  }
0x14e: {  	v0 =	vadd.f32 v0, v3;
	v3 =	vmov s21  }
0x14f: {  	v3 =	vshrl.u32 v3, $0x6;
	v50 =	vsub.f32 v6, v1;
	v1 =	vsub.f32 v2, v13  }
0x150: {  	v3 =	vcvt.s32.f32 v3;
	v4 =	vor.u32 s19, v4;
	v7 =	vcvt.s32.f32 v7  }
0x151: {  	v52 =	vand.u32 $0x7FFFFFFF, v1;
	v1 =	vld [tilespmem:$0x1FE50]  }
0x152: {  	v3 =	vmul.f32 $1.562500000e-02, v3;
	v7 =	vmul.f32 $1.562500000e-02, v7  }
0x153: {  	v46 =	vadd.f32 v47, v46;
	v47 =	vmul.f32 v5, v0;
	v0 =	vld [tilespmem:$0x1FE40]  }
0x154: {  	v49 =	vadd.f32 $7.812500000e-03, v3;
	v3 =	vld [tilespmem:$0x1FE30];
	v48 =	vadd.f32 $7.812500000e-03, v7  }
0x155: {  	v4 =	vld.idx.msk [tilespmem:v4+s3+$0x0], $0xffff  }
0x156: {  	v15 =	vadd.f32 v42, v41;
	v6 =	vsub.f32 v48, v1;
	v1 =	vld [tilespmem:$0x1FE60]  }
0x157: {  	v58 =	vadd.f32 $-1.000000000e+00, v12  }
0x158: {  	v7 =	vmul.f32 $5.000000000e-01, v15  }
0x159: {  	v27 =	vld [tilespmem:$0x1FEE0];
	v40 =	vadd.f32 v5, v40;
	v59 =	vsub.f32 v49, v0;
	v2 =	vmul.f32 $7.037683580e-02, v58  }
0x15a: {  	v25 =	vld [tilespmem:$0x1FF00];
	v18 =	vsub.f32 v48, v3;
	v3 =	vsub.f32 v4, v7  }
0x15b: {  	v22 =	vld [tilespmem:$0x1FEB0];
	v0 =	vadd.f32 $-1.151461010e-01, v2;
	v2 =	vmin.f32 v8, v9;
	v60 =	vsub.f32 v49, v1;
	v1 =	vpop (erf)  }
0x15c: {  	v51 =	vand.u32 $0x7FFFFFFF, v3;
	v3 =	vmin.f32 v10, v11;
	v5 =	vpop (erf);
	v2 =	vmul.f32 v1, v2;
	v1 =	vld [tilespmem:$0x1FE80]  }
0x15d: {  	v10 =	vld [tilespmem:$0x1FE20];
	v9 =	vmul.f32 $5.000000000e-01, v52;
	v5 =	vmul.f32 v5, v3  }
0x15e: {  	v4 =	vmul.f32 v0, v58;
	v0 =	vld [tilespmem:$0x1FE70]  }
0x15f: {  	v55 =	vmul.f32 v9, v52;
	v9 =	vld [tilespmem:$0x1FE10];
	v61 =	vmul.f32 v5, v2  }
0x160: {  	v2 =	vadd.f32 $1.167699840e-01, v4;
	v4 =	vld [tilespmem:$0x1FEF0]  }
0x161: {  	v3 =	vsub.f32 v48, v1;
	v1 =	vld [tilespmem:$0x1FE90];
	v11 =	vshra.s32 v61, $0x1;
	v8 =	vmul.f32 $5.000000000e-01, v61  }
0x162: {  	v12 =	vmul.f32 v2, v58;
	v2 =	vld [tilespmem:$0x1FF20];
	v15 =	vsub.s32 $0x5F3759DF, v11  }
0x163: {  	v25 =	vsub.f32 v49, v25;
	v22 =	vsub.f32 v48, v22;
	v11 =	vld [tilespmem:$0x1FF30];
	v16 =	vmul.f32 v15, v8  }
0x164: {  	v14 =	vsub.f32 v49, v9;
	v17 =	vadd.f32 $-1.242014100e-01, v12;
	v12 =	vld [tilespmem:$0x1FE00]  }
0x165: {  	v5 =	vmul.f32 $5.000000000e-01, v51;
	v7 =	vsub.f32 v48, v4;
	v4 =	vld [tilespmem:$0x1FF10];
	v9 =	vmul.f32 v15, v16  }
0x166: {  	v30 =	vsub.f32 v48, v27;
	v27 =	vsub.f32 v49, v38;
	v16 =	vld [tilespmem:$0x1FF50]  }
0x167: {  	v56 =	vmul.f32 v5, v51;
	v19 =	vmul.f32 v17, v58;
	v17 =	vld [tilespmem:$0x1FF60];
	v5 =	vsub.f32 $1.500000000e+00, v9  }
0x168: {  	v29 =	vsub.f32 v48, v36;
	v25 =	vmul.f32 v25, v25;
	v63 =	vmul.f32 v18, v18;
	v9 =	vld [tilespmem:$0x1FEA0]  }
0x169: {  	v10 =	vsub.f32 v49, v10;
	v19 =	vadd.f32 $1.424932330e-01, v19;
	v15 =	vmul.f32 v15, v5;
	v5 =	vld [tilespmem:$0x1FEC0]  }
0x16a: {  	vm4 =	vlt.f32 v52, $1.000000000e+00;
	v0 =	vsub.f32 v48, v0;
	v62 =	vsub.f32 v49, v1;
	v1 =	vld [tilespmem:$0x1FED0]  }
0x16b: {  	v2 =	vsub.f32 v48, v2;
	v13 =	vsub.f32 v48, v12;
	v12 =	vld [tilespmem:$0x1FF40];
	v19 =	vmul.f32 v19, v58  }
0x16c: {  	v11 =	vsub.f32 v48, v11;
	v4 =	vsub.f32 v49, v4;
	v26 =	vmul.f32 v15, v8  }
0x16d: {  	v6 =	vmul.f32 v6, v6;
	v19 =	vadd.f32 $-1.666805740e-01, v19;
	v21 =	vsub.f32 v48, v9;
	v9 =	vld [tilespmem:$0x1FF70]  }
0x16e: {  	p1 =	sne.s32 s20, $0x3F0;
	v16 =	vsub.f32 v48, v16;
	v26 =	vmul.f32 v26, v15;
	v24 =	vsub.f32 v48, v5;
	v5 =	vld [tilespmem:$0x1FF80]  }
.Ltmp2:
0x16f: {  	v17 =	vsub.f32 v49, v17;
	v1 =	vsub.f32 v49, v1;
	v28 =	vmul.f32 v19, v58;
	(pc) =	sbr.rel @p1 .LBB2_2-.Ltmp2, $4  }
0x170: {  	v12 =	vsub.f32 v49, v12;
	v18 =	vmul.f32 v21, v21;
	v21 =	vsub.f32 $1.500000000e+00, v26  }
0x171: {  	v19 =	vmul.f32 v22, v22;
	v22 =	vadd.f32 $2.000071410e-01, v28;
	v28 =	vsub.f32 v49, v37  }
0x172: {  	v26 =	vmul.f32 v30, v30;
	v24 =	vmul.f32 v24, v24;
	v20 =	vsub.f32 v49, v9  }
0x173: {  	v9 =	vor.u32 s20, v34;
	s20 =	sadd.s32 $0x10, s20;
	v23 =	vsub.f32 v49, v5;
	v5 =	vmax.f32 v43, $0.0e+00  }
0x174: {  	v30 =	vld [tilespmem:$0x1FDC0]  }
0x175: {  	v31 =	vld [tilespmem:$0x1FDD0]  }
0x176: {  	v32 =	vld [tilespmem:$0x1FDE0]  }
0x177: {  	v33 =	vld [tilespmem:$0x1FDF0];
	_ =	sdelay $0x2  }
0x178: {  	v30 =	vsub.f32 v48, v30;
	v31 =	vsub.f32 v49, v31  }
0x179: {  	v32 =	vsub.f32 v48, v32  }
0x17a: {  	v33 =	vsub.f32 v49, v33;
	v30 =	vmul.f32 v30, v30;
	v31 =	vmul.f32 v31, v31;
	_ =	sdelay $0x1  }
0x17b: {  	v32 =	vmul.f32 v32, v32;
	v33 =	vmul.f32 v33, v33;
	v30 =	vadd.f32 v31, v30  }
0x17c: {  	v29 =	vmul.f32 v29, v29  }
0x17d: {  	v28 =	vmul.f32 v28, v28;
	v37 =	vadd.f32 v33, v32;
	vm6 =	vlt.f32 v30, $1.000000000e+09  }
0x17e: {  	v30 =	vnsel vm6, $0x4E6E6B28, v30  }
0x17f: {  	v27 =	vmul.f32 v27, v27;
	v28 =	vadd.f32 v28, v29;
	vm6 =	vlt.f32 v37, v30  }
0x180: {  	v38 =	vsel vm6, v37, v30  }
0x181: {  	v26 =	vadd.f32 v27, v26;
	vm7 =	vlt.f32 v28, v38  }
0x182: {  	v32 =	vsel vm7, v28, v38  }
0x183: {  	v24 =	vadd.f32 v25, v24;
	v23 =	vmul.f32 v23, v23;
	vm8 =	vlt.f32 v26, v32  }
0x184: {  	v33 =	vsel vm8, v26, v32  }
0x185: {  	v20 =	vmul.f32 v20, v20;
	v19 =	vadd.f32 v23, v19;
	vm9 =	vlt.f32 v24, v33  }
0x186: {  	v16 =	vmul.f32 v16, v16;
	v35 =	vsel vm9, v24, v33  }
0x187: {  	v17 =	vmul.f32 v17, v17;
	v18 =	vadd.f32 v20, v18;
	vm10 =	vlt.f32 v19, v35  }
0x188: {  	v13 =	vmul.f32 v13, v13;
	v19 =	vsel vm10, v19, v35  }
0x189: {  	v14 =	vmul.f32 v14, v14;
	v16 =	vadd.f32 v17, v16;
	vm11 =	vlt.f32 v18, v19  }
0x18a: {  	v11 =	vmul.f32 v11, v11;
	v12 =	vmul.f32 v12, v12;
	v36 =	vsel vm11, v18, v19  }
0x18b: {  	v2 =	vmul.f32 v2, v2;
	v13 =	vadd.f32 v14, v13;
	vm12 =	vlt.f32 v16, v36  }
0x18c: {  	v10 =	vmul.f32 v10, v10;
	v7 =	vmul.f32 v7, v7;
	v37 =	vsel vm12, v16, v36  }
0x18d: {  	v4 =	vmul.f32 v4, v4;
	v11 =	vadd.f32 v12, v11;
	vm13 =	vlt.f32 v13, v37  }
0x18e: {  	v3 =	vmul.f32 v3, v3;
	v23 =	vimm.s32 $0x0;
	v38 =	vsel vm13, v13, v37  }
0x18f: {  	v1 =	vmul.f32 v1, v1;
	v17 =	vsel vm6, $0x1, v23;
	vm14 =	vlt.f32 v11, v38  }
0x190: {  	v2 =	vadd.f32 v10, v2;
	v16 =	vsel vm14, v11, v38;
	v11 =	vsel vm7, $0x2, v17  }
0x191: {  	v25 =	vmul.f32 v60, v60;
	v4 =	vadd.f32 v4, v7;
	v11 =	vsel vm8, $0x3, v11  }
0x192: {  	v19 =	vmul.f32 v0, v0;
	v0 =	vld.idx.msk [tilespmem:v9+s12+$0x0], $0xffff;
	vm6 =	vlt.f32 v2, v16;
	v18 =	vsel vm9, $0x4, v11  }
0x193: {  	v20 =	vmul.f32 v62, v62;
	v2 =	vsel vm6, v2, v16;
	v7 =	vsel vm10, $0x5, v18  }
0x194: {  	v1 =	vadd.f32 v1, v3;
	vm15 =	vlt.f32 v4, v2;
	v7 =	vsel vm11, $0x6, v7  }
0x195: {  	v27 =	vmul.f32 v59, v59;
	v2 =	vsel vm15, v4, v2;
	v24 =	vsel vm12, $0x7, v7  }
0x196: {  	v26 =	vadd.f32 v20, v19;
	v3 =	vsel vm13, $0x8, v24;
	vm13 =	vlt.f32 v1, v2  }
0x197: {  	v29 =	vand.u32 $0x7FFFFFFF, v0;
	v3 =	vsel vm14, $0x9, v3;
	v1 =	vsel vm13, v1, v2  }
0x198: {  	v4 =	vadd.f32 v25, v6;
	v3 =	vsel vm6, $0xA, v3;
	vm14 =	vlt.f32 v26, v1  }
0x199: {  	v7 =	vsub.f32 $0.0e+00, v29;
	v3 =	vsel vm15, $0xB, v3;
	v28 =	vsel vm14, v26, v1  }
0x19a: {  	v1 =	vadd.f32 v27, v63;
	v3 =	vsel vm13, $0xC, v3;
	vm15 =	vlt.f32 v4, v28  }
0x19b: {  	v3 =	vsel vm14, $0xD, v3;
	v2 =	vsel vm15, v4, v28  }
0x19c: {  	v30 =	vmul.f32 $1.442695020e+00, v7;
	v3 =	vsel vm15, $0xE, v3;
	vm9 =	vlt.f32 v1, v2  }
0x19d: {  	v3 =	vsel vm9, $0xF, v3  }
0x19e: {  	(erf) = vpow2.f32 v30;
	v31 =	vadd.s32 $0x10, v3  }
0x19f: {  	v32 =	vadd.s32 $0x20, v3  }
0x1a0: {  	v33 =	vadd.s32 $0x30, v3  }
0x1a1: {  	v35 =	vmul.f32 v21, v15  }
0x1a2: {  	v9 =	vld.idx.msk [tilespmem:v3+s14+$0x0], $0xffff  }
0x1a3: {  	v8 =	vmul.f32 v35, v8;
	v36 =	vmul.f32 v22, v58;
	v3 =	vld.idx.msk [tilespmem:v31+s14+$0x0], $0xffff  }
0x1a4: {  	v10 =	vld.idx.msk [tilespmem:v32+s14+$0x0], $0xffff  }
0x1a5: {  	v8 =	vmul.f32 v8, v35;
	v38 =	vadd.f32 $-2.499999400e-01, v36;
	v4 =	vld.idx.msk [tilespmem:v33+s14+$0x0], $0xffff  }
0x1a6: {  	v59 =	vmul.f32 v58, v58;
	v36 =	vld.idx.msk [tilespmem:v53+s3+$0x0], $0xffff;
	v53 =	vadd.f32 $-5.000000000e-01, v52  }
0x1a7: {  	v8 =	vsub.f32 $1.500000000e+00, v8;
	v12 =	vmul.f32 v38, v58;
	v37 =	vpop (erf)  }
0x1a8: {  	v11 =	vmul.f32 $5.000000000e-01, v59;
	v18 =	vsel vm4, v55, v53;
	v6 =	vadd.f32 $1.000000000e+00, v37  }
0x1a9: {  	v7 =	vmul.f32 v8, v35;
	v60 =	vsub.f32 v48, v9;
	v62 =	vsub.f32 v10, v48  }
0x1aa: {  	v21 =	vand.u32 $0x7FFFFF, v6;
	v63 =	vsub.f32 v49, v3;
	v20 =	vsub.f32 v4, v49  }
0x1ab: {  	v17 =	vor.u32 $0x3F800000, v21;
	v13 =	vmax.f32 v60, $9.999999970e-07;
	v14 =	vmax.f32 v62, $9.999999970e-07  }
0x1ac: {  	v15 =	vmax.f32 v63, $9.999999970e-07;
	v16 =	vmax.f32 v20, $9.999999970e-07;
	v22 =	vmax.f32 v13, v14  }
0x1ad: {  	v25 =	vmul.f32 $5.000000000e-01, v17;
	v24 =	vmax.f32 v15, v16;
	(erf) = vrcp.f32 v22  }
0x1ae: {  	v12 =	vadd.f32 $3.333333130e-01, v12;
	vm10 =	vgt.f32 v17, $1.414213540e+00;
	(erf) = vrcp.f32 v24  }
0x1af: {  	v26 =	vmul.f32 v59, v58;
	v7 =	vmul.f32 v7, v61;
	v17 =	vsel vm10, v25, v17  }
0x1b0: {  	v29 =	vsel vm5, $0x1, v23;
	v35 =	vld.idx.msk [tilespmem:v54+s3+$0x0], $0xffff;
	v54 =	vsel vm3, v44, v45;
	v17 =	vadd.f32 $-1.000000000e+00, v17  }
0x1b1: {  	vm3 =	vlt.f32 v51, $1.000000000e+00;
	v12 =	vmul.f32 v12, v26;
	v7 =	vmax.f32 v7, $0.0e+00  }
0x1b2: {  	v28 =	vshra.s32 v57, $0x17;
	v7 =	vmin.f32 v7, $1.000000000e+00;
	v27 =	vmul.f32 $7.037683580e-02, v17  }
0x1b3: {  	v11 =	vsub.f32 v12, v11;
	v12 =	vadd.s32 v29, v28;
	v7 =	vmul.f32 v7, v43  }
0x1b4: {  	v1 =	vsel vm9, v1, v2;
	v12 =	vadd.s32 $0xFFFFFF81, v12;
	v8 =	vadd.f32 $-1.151461010e-01, v27  }
0x1b5: {  	v19 =	vadd.f32 $9.999999960e-13, v54;
	v1 =	vadd.f32 $9.999999960e-13, v1;
	v12 =	vcvt.s32.f32 v12  }
0x1b6: {  	v11 =	vadd.f32 v11, v58;
	v5 =	vsub.f32 v5, v7;
	v8 =	vmul.f32 v8, v17;
	v30 =	vpop (erf)  }
0x1b7: {  	v33 =	vmul.f32 $-2.121944420e-04, v12;
	v13 =	vmin.f32 v13, v14;
	v15 =	vmin.f32 v15, v16;
	v31 =	vpop (erf)  }
0x1b8: {  	v8 =	vadd.f32 $1.167699840e-01, v8;
	v13 =	vmul.f32 v30, v13;
	v32 =	vmul.f32 v31, v15  }
0x1b9: {  	v58 =	vadd.f32 $-5.000000000e-01, v51;
	v12 =	vmul.f32 $6.933593750e-01, v12;
	v11 =	vadd.f32 v33, v11  }
0x1ba: {  	vm15 =	vlt.f32 v1, $5.493164060e-04;
	v8 =	vmul.f32 v8, v17;
	v13 =	vmul.f32 v32, v13  }
0x1bb: {  	v6 =	vshra.s32 v6, $0x17;
	v11 =	vadd.f32 v11, v12;
	v49 =	vsub.f32 v42, v41  }
0x1bc: {  	v8 =	vadd.f32 $-1.242014100e-01, v8;
	v37 =	vshra.s32 v13, $0x1;
	v38 =	vmul.f32 $5.000000000e-01, v13  }
0x1bd: {  	v28 =	vadd.f32 v10, v9;
	v9 =	vsub.f32 v10, v9;
	v48 =	vsub.s32 $0x5F3759DF, v37  }
0x1be: {  	v42 =	vld [tilespmem:$0x1FFF0];
	v5 =	vadd.f32 v11, v5;
	v8 =	vmul.f32 v8, v17;
	v15 =	vmul.f32 v48, v38  }
0x1bf: {  	v7 =	vsub.f32 v36, v49;
	v36 =	vsel vm10, $0x1, v23;
	v14 =	vsub.f32 v35, v50  }
0x1c0: {  	v6 =	vadd.s32 v36, v6;
	v8 =	vadd.f32 $1.424932330e-01, v8;
	v15 =	vmul.f32 v48, v15  }
0x1c1: {  	v20 =	vmul.f32 $5.000000000e-01, v28;
	v7 =	vand.u32 $0x7FFFFFFF, v7;
	v6 =	vadd.s32 $0xFFFFFF81, v6  }
0x1c2: {  	s19 =	sadd.s32 $0x40, s19;
	v25 =	vld [tilespmem:$0x1FFC0];
	v57 =	vand.u32 $0x7FFFFFFF, v14;
	v8 =	vmul.f32 v8, v17;
	v15 =	vsub.f32 $1.500000000e+00, v15  }
0x1c3: {  	v14 =	vsel vm3, v56, v58;
	v63 =	vor.u32 s19, v42;
	v24 =	vmul.f32 $5.000000000e-01, v7  }
0x1c4: {  	v6 =	vcvt.s32.f32 v6;
	v8 =	vadd.f32 $-1.666805740e-01, v8;
	v12 =	vmul.f32 v48, v15  }
0x1c5: {  	v59 =	vmul.f32 $5.000000000e-01, v57;
	v61 =	vadd.f32 $-5.000000000e-01, v57;
	v14 =	vadd.f32 v14, v18  }
0x1c6: {  	v35 =	vld [tilespmem:$0x1FFE0];
	vm3 =	vlt.f32 v57, $1.000000000e+00;
	v8 =	vmul.f32 v8, v17;
	v62 =	vmul.f32 v12, v38  }
0x1c7: {  	v29 =	vld [tilespmem:$0x1FFD0];
	v22 =	vor.u32 s19, v25;
	v27 =	vadd.f32 v47, v46;
	v60 =	vmul.f32 v59, v57  }
0x1c8: {  	v26 =	vmul.f32 v24, v7;
	v8 =	vadd.f32 $2.000071410e-01, v8;
	v18 =	vmul.f32 v62, v12  }
0x1c9: {  	v11 =	vld.idx.msk [tilespmem:v63+s3+$0x0], $0xffff;
	v15 =	vsel vm3, v60, v61;
	vm3 =	vlt.f32 v7, $1.000000000e+00;
	v7 =	vadd.f32 $-5.000000000e-01, v7  }
0x1ca: {  	v45 =	vmul.f32 $-2.121944420e-04, v6;
	v8 =	vmul.f32 v8, v17;
	v18 =	vsub.f32 $1.500000000e+00, v18  }
0x1cb: {  	v7 =	vsel vm3, v26, v7;
	vm3 =	vlt.f32 v19, $5.493164060e-04;
	v19 =	vor.u32 s19, v35  }
0x1cc: {  	v8 =	vadd.f32 $-2.499999400e-01, v8;
	v12 =	vmul.f32 v18, v12;
	v18 =	vor.u32 s19, v29  }
0x1cd: {  	v51 =	vmul.f32 $6.933593750e-01, v6;
	v30 =	vld.idx.msk [tilespmem:v22+s3+$0x0], $0xffff;
	v31 =	vadd.f32 v4, v3;
	v32 =	vmul.f32 v17, v17  }
0x1ce: {  	v11 =	vsub.f32 v11, v20;
	v3 =	vsub.f32 v4, v3;
	v8 =	vmul.f32 v8, v17  }
0x1cf: {  	v21 =	vmul.f32 $5.000000000e-01, v31;
	v33 =	vmul.f32 v32, v17;
	v14 =	vadd.f32 v15, v14  }
0x1d0: {  	v37 =	vand.u32 $0x7FFFFFFF, v11;
	v8 =	vadd.f32 $3.333333130e-01, v8;
	v44 =	vld.idx.msk [tilespmem:v19+s3+$0x0], $0xffff;
	v16 =	vmul.f32 v12, v38  }
0x1d1: {  	v10 =	vmul.f32 $5.000000000e-01, v32;
	v41 =	vmul.f32 $5.000000000e-01, v37;
	v7 =	vadd.f32 v7, v14;
	v18 =	vld.idx.msk [tilespmem:v18+s3+$0x0], $0xffff  }
0x1d2: {  	v14 =	vsub.f32 v30, v21;
	v8 =	vmul.f32 v8, v33;
	v16 =	vmul.f32 v16, v12  }
0x1d3: {  	vm11 =	vlt.f32 v37, $1.000000000e+00;
	v46 =	vadd.f32 $-5.000000000e-01, v37;
	v56 =	vsel vm3, $0x3F800000, v23  }
0x1d4: {  	v38 =	vand.u32 $0x7FFFFFFF, v14;
	v8 =	vsub.f32 v8, v10;
	v16 =	vsub.f32 $1.500000000e+00, v16  }
0x1d5: {  	v14 =	vmul.f32 $5.000000000e-01, v38;
	v47 =	vadd.f32 $-5.000000000e-01, v38;
	v3 =	vsub.f32 v44, v3  }
0x1d6: {  	vm12 =	vlt.f32 v38, $1.000000000e+00;
	v12 =	vmul.f32 v16, v12;
	v43 =	vsub.f32 v18, v9  }
0x1d7: {  	v8 =	vadd.f32 v8, v17;
	v14 =	vmul.f32 v14, v38;
	v3 =	vand.u32 $0x7FFFFFFF, v3  }
0x1d8: {  	v50 =	vmul.f32 $5.000000000e-01, v3;
	v12 =	vmul.f32 v12, v13;
	v2 =	vand.u32 $0x7FFFFFFF, v43  }
0x1d9: {  	v4 =	vadd.f32 v45, v8;
	v13 =	vmul.f32 v41, v37;
	v48 =	vmul.f32 $5.000000000e-01, v2  }
0x1da: {  	v53 =	vadd.f32 $-5.000000000e-01, v3;
	v9 =	vsel vm12, v14, v47;
	v12 =	vmax.f32 v12, $0.0e+00  }
0x1db: {  	v8 =	vsel vm11, v13, v46;
	v49 =	vadd.f32 $-5.000000000e-01, v2;
	v10 =	vmul.f32 v48, v2  }
0x1dc: {  	v12 =	vmin.f32 v12, $1.000000000e+00;
	v8 =	vadd.f32 v9, v8;
	vm13 =	vlt.f32 v2, $1.000000000e+00  }
0x1dd: {  	v9 =	vmul.f32 v50, v3;
	v12 =	vmul.f32 v12, v0;
	v52 =	vsel vm13, v10, v49  }
0x1de: {  	vm14 =	vlt.f32 v3, $1.000000000e+00;
	v0 =	vmax.f32 v0, $0.0e+00;
	v54 =	vadd.f32 v52, v8  }
0x1df: {  	v2 =	vadd.f32 v4, v51;
	v55 =	vsel vm14, v9, v53;
	v0 =	vsub.f32 v0, v12  }
0x1e0: {  	v59 =	vsel vm15, $0x3F800000, v23;
	v58 =	vmul.f32 v56, v7;
	v1 =	vadd.f32 v55, v54  }
0x1e1: {  	v57 =	vmul.f32 v56, v5;
	v4 =	vadd.f32 v56, v40;
	v0 =	vadd.f32 v2, v0  }
0x1e2: {  	v5 =	vadd.f32 v58, v27;
	v1 =	vmul.f32 v59, v1  }
0x1e3: {  	v3 =	vadd.f32 v57, v39;
	v2 =	vadd.f32 v59, v4;
	v0 =	vmul.f32 v59, v0  }
0x1e4: {  	v1 =	vadd.f32 v1, v5  }
0x1e5: {  	(xrf2) =	vadd.scan.msk.f32 $0xffff, v2;
	v0 =	vadd.f32 v0, v3  }
0x1e6: {  	(xrf2) =	vadd.scan.msk.f32 $0xffff, v1  }
0x1e7: {  	(xrf2) =	vadd.scan.msk.f32 $0xffff, v0;
	_ =	sdelay $0x7  }
0x1e8: {  	v60, _, _ =	vpop (xrf2)  }
0x1e9: {  	v0 =	vbroadcast v60, $0xF;
	v1, _, _ =	vpop (xrf2)  }
0x1ea: {  	v61, _, _ =	vpop (xrf2);
	v1 =	vbroadcast v1, $0xF  }
0x1eb: {  	v0 =	vnsel vm0, $0x0, v0;
	v2 =	vbroadcast v61, $0xF  }
0x1ec: {  	[tilespmem:$0x1680] =	vst v0;
	v62 =	vnsel vm0, $0x0, v1  }
0x1ed: {  	[tilespmem:$0x1700] =	vst v62;
	v63 =	vnsel vm0, $0x0, v2  }
0x1ee: {  	[tilespmem:$0x1780] =	vst v63  }
0x1ef: {  	[spmem:s8] =	stream.linear.scatter [tilespmem:s15], [sflag:$0x1], $0x180, $0x38;
	[tilespmem:$0x3280] =	vst v63  }
.Ltmp3:
0x1f0: {  	_ =	swait.ge [sflag:s11], $0x180;
	(pc) =	sbr.rel @p0 .LBB2_5-.Ltmp3, $4  }
0x1f1: {  	[sflag:s11] =	ssyncset.done $0x0  }
0x1f2: {  	[sflag:s11] =	ssyncadd.s32 $0xFFFFFE80  }
0x1f3: {  	[bflag:$0x0] =	sbarrier.arrive $0xFFFF  }
0x1f4: {  	v49 =	vimm.s32 $0x0  }
0x1f5: {  	[tilespmem:s16], [sflag:$0x1] =	stream.linear.gather [spmem:s1], $0x1800, $0x38;
	[tilespmem:$0x3280] =	vst v63  }
0x1f6: {  	_ =	swait.ge [sflag:s11], $0x1800  }
0x1f7: {  	[sflag:s11] =	ssyncset.done $0x0  }
0x1f8: {  	[sflag:s11] =	ssyncadd.s32 $0xFFFFE800  }
0x1f9: {  	v0 =	vld [tilespmem:$0x1880]  }
0x1fa: {  	v1 =	vld [tilespmem:$0x1900]  }
0x1fb: {  	v2 =	vld [tilespmem:$0x1980]  }
0x1fc: {  	v3 =	vld [tilespmem:$0x1A00]  }
0x1fd: {  	v4 =	vld [tilespmem:$0x1A80]  }
0x1fe: {  	v5 =	vld [tilespmem:$0x1B00]  }
0x1ff: {  	v6 =	vld [tilespmem:$0x1B80]  }
0x200: {  	v7 =	vld [tilespmem:$0x1C00]  }
0x201: {  	v8 =	vld [tilespmem:$0x1C80];
	v0 =	vadd.f32 $0.0e+00, v0  }
0x202: {  	v9 =	vld [tilespmem:$0x1D00]  }
0x203: {  	v21 =	vld [tilespmem:$0x1D80];
	v0 =	vadd.f32 v3, v0  }
0x204: {  	v10 =	vld [tilespmem:$0x1E80]  }
0x205: {  	v22 =	vld [tilespmem:$0x1E00];
	v0 =	vadd.f32 v6, v0  }
0x206: {  	v11 =	vld [tilespmem:$0x2000]  }
0x207: {  	v23 =	vld [tilespmem:$0x1F00];
	v0 =	vadd.f32 v9, v0  }
0x208: {  	v12 =	vld [tilespmem:$0x2180]  }
0x209: {  	v24 =	vld [tilespmem:$0x1F80];
	v0 =	vadd.f32 v10, v0  }
0x20a: {  	v13 =	vld [tilespmem:$0x2300]  }
0x20b: {  	v25 =	vld [tilespmem:$0x2080];
	v0 =	vadd.f32 v11, v0  }
0x20c: {  	v14 =	vld [tilespmem:$0x2480]  }
0x20d: {  	v15 =	vld [tilespmem:$0x2100];
	v0 =	vadd.f32 v12, v0  }
0x20e: {  	v26 =	vld [tilespmem:$0x2600];
	v1 =	vadd.f32 $0.0e+00, v1  }
0x20f: {  	v27 =	vld [tilespmem:$0x2200];
	v2 =	vadd.f32 $0.0e+00, v2;
	v0 =	vadd.f32 v13, v0  }
0x210: {  	v28 =	vld [tilespmem:$0x2780];
	v1 =	vadd.f32 v4, v1  }
0x211: {  	v29 =	vld [tilespmem:$0x2280];
	v2 =	vadd.f32 v5, v2;
	v0 =	vadd.f32 v14, v0  }
0x212: {  	v30 =	vld [tilespmem:$0x2900];
	v1 =	vadd.f32 v7, v1  }
0x213: {  	v31 =	vld [tilespmem:$0x2380];
	v2 =	vadd.f32 v8, v2;
	v0 =	vadd.f32 v26, v0  }
0x214: {  	v32 =	vld [tilespmem:$0x2A80];
	v1 =	vadd.f32 v21, v1  }
0x215: {  	v33 =	vld [tilespmem:$0x2400];
	v2 =	vadd.f32 v22, v2;
	v0 =	vadd.f32 v28, v0  }
0x216: {  	v35 =	vld [tilespmem:$0x2C00];
	v1 =	vadd.f32 v23, v1  }
0x217: {  	v36 =	vld [tilespmem:$0x2500];
	v2 =	vadd.f32 v24, v2;
	v0 =	vadd.f32 v30, v0  }
0x218: {  	v37 =	vld [tilespmem:$0x2D80];
	v1 =	vadd.f32 v25, v1  }
0x219: {  	v38 =	vld [tilespmem:$0x2580];
	v2 =	vadd.f32 v15, v2;
	v0 =	vadd.f32 v32, v0  }
0x21a: {  	v39 =	vld [tilespmem:$0x2F00];
	v1 =	vadd.f32 v27, v1  }
0x21b: {  	v40 =	vld [tilespmem:$0x2680];
	v2 =	vadd.f32 v29, v2;
	v0 =	vadd.f32 v35, v0  }
0x21c: {  	v41 =	vld [tilespmem:$0x2700];
	v1 =	vadd.f32 v31, v1  }
0x21d: {  	v43 =	vld [tilespmem:$0x2800];
	v2 =	vadd.f32 v33, v2;
	v0 =	vadd.f32 v37, v0  }
0x21e: {  	v44 =	vld [tilespmem:$0x2880];
	v1 =	vadd.f32 v36, v1  }
0x21f: {  	v45 =	vld [tilespmem:$0x2980];
	v2 =	vadd.f32 v38, v2;
	v0 =	vadd.f32 v39, v0  }
0x220: {  	v46 =	vld [tilespmem:$0x2A00];
	v1 =	vadd.f32 v40, v1  }
0x221: {  	v47 =	vld [tilespmem:$0x2B00];
	v2 =	vadd.f32 v41, v2;
	v48 =	vmul.f32 $4.000000000e+00, v0  }
0x222: {  	v50 =	vld [tilespmem:$0x2B80];
	v1 =	vadd.f32 v43, v1  }
0x223: {  	v51 =	vld [tilespmem:$0x2C80];
	v2 =	vadd.f32 v44, v2;
	v8 =	vmax.f32 v48, $1.000000000e+00  }
0x224: {  	v52 =	vld [tilespmem:$0x2D00];
	v1 =	vadd.f32 v45, v1;
	v53 =	vmax.f32 v0, $1.000000000e+00;
	(erf) = vrcp.f32 v8  }
0x225: {  	v54 =	vld [tilespmem:$0x2E00];
	v2 =	vadd.f32 v46, v2;
	(erf) = vrcp.f32 v53  }
0x226: {  	v55 =	vld [tilespmem:$0x2E80];
	v1 =	vadd.f32 v47, v1  }
0x227: {  	v56 =	vld [tilespmem:$0x2F80];
	v2 =	vadd.f32 v50, v2  }
0x228: {  	v57 =	vld [tilespmem:$0x3000];
	v1 =	vadd.f32 v51, v1  }
0x229: {  	v2 =	vadd.f32 v52, v2  }
0x22a: {  	v1 =	vadd.f32 v54, v1  }
0x22b: {  	v2 =	vadd.f32 v55, v2  }
0x22c: {  	v1 =	vadd.f32 v56, v1  }
0x22d: {  	v2 =	vadd.f32 v57, v2;
	v58 =	vpop (erf)  }
0x22e: {  	v1 =	vmul.f32 v58, v1;
	v59 =	vpop (erf)  }
0x22f: {  	vm3 =	vgt.f32 v0, $0.0e+00;
	v60 =	vmul.f32 v59, v2  }
0x230: {  	v1 =	vnsel vm3, $0x0, v1  }
0x231: {  	v0 =	vnsel vm3, $0x0, v60;
	(xrf2) =	vadd.scan.msk.f32 $0xffff, v1  }
0x232: {  	(xrf2) =	vadd.scan.msk.f32 $0xffff, v0;
	_ =	sdelay $0x6  }
0x233: {  	v63 =	vimm.f32 $0.0e+00  }
0x234: {  	[tilespmem:$0x3090] =	vst v63  }
0x235: {  	[tilespmem:$0x30A0] =	vst v63;
	v61, _, _ =	vpop (xrf2)  }
0x236: {  	[tilespmem:$0x30B0] =	vst v63;
	v62, _, _ =	vpop (xrf2)  }
0x237: {  	[tilespmem:$0x30C0] =	vst v63;
	v1 =	vbroadcast v62, $0xF  }
0x238: {  	[tilespmem:$0x30D0] =	vst v63;
	v0 =	vbroadcast v61, $0xF  }
0x239: {  	[tilespmem:$0x30E0] =	vst v63;
	v1 =	vnsel vm1, $0x0, v1  }
0x23a: {  	[tilespmem:$0x30F0] =	vst v63;
	v0 =	vsel vm2, v1, v0  }
.Ltmp4:
0x23b: {  	[tilespmem:$0x3080] =	vst v0;
	(pc) =	sbr.rel .LBB2_5-.Ltmp4, $4  }
0x23c: {  	[hbm4b:s9+s3] =	stream.linear.scatter [tilespmem:s17], [sflag:$0x1], $0x80, $0x38;
	[tilespmem:$0x3280] =	vst v63  }
0x23d: {  	_ =	swait.ge [sflag:s11], $0x80  }
0x23e: {  	[sflag:s11] =	ssyncset.done $0x0  }
0x23f: {  	[sflag:s11] =	ssyncadd.s32 $0xFFFFFF80  }
.LBB2_6:
0x240: {  	_ =	sfence.sel $0x180000  }
0x241: {  	[bflag:$0x0] =	sbarrier.arrive $0xFFFF  }
0x242: {  	_ =	strace $0x90000047  }
0x243: {  	s0 =	sadd.s32 @!p0 $0x100000, s0;
	[bflag:$0x2] =	sbarrier.arrive $0xFFFF  }
0x244: {  	[sflag:s0] =	ssyncadd.tile.s32 @!p0 $0x1;
	_ =	shalt  }
.Lfunc_end2:
_tile_overlayer_lowered:
.L_overlay_start_2:
0x245: {  	(tag) =	ssettag $0x2  }
0x246: {  	s0 =	rddreg [dreg:$0x0];
	s2 =	stileid.u32  }
0x247: {  	s1 =	rddreg [dreg:$0x1];
	p0 =	sne.s32 s2, $0x0  }
0x248: {  	s3 =	rddreg [dreg:$0x2];
	[bflag:$0x3] =	sbarrier.arrive $0xFFFF;
	s2 =	simm.s32 @!p0 $0x1C01  }
0x249: {  	[timem:s3], [sflag:s2] =	dma.local @!p0 [hbm:s0], s1  }
0x24a: {  	s0 =	simm.s32 @!p0 $0x1  }
0x24b: {  	_ =	swait.ge @!p0 [sflag:s0], s1  }
0x24c: {  	s1 =	ssub.s32 @!p0 $0x0, s1;
	[sflag:s0] =	ssyncset.done @!p0 $0x0  }
0x24d: {  	[sflag:s0] =	ssyncadd.s32 @!p0 s1  }
0x24e: {  	[bflag:$0x3] =	sbarrier.arrive $0xFFFF  }
0x24f: {  	_ =	shalt  }

</sc_bundles>
